<compile_context>
chip_gen: v7x
topology: tpu7x:2x2x1
jax: 0.10.2.dev20260603
libtpu: 0.0.44.dev20260713+nightly
codegen_flags: <defaults>
</compile_context>

<pallas_src>
import functools

import jax
import jax.numpy as jnp
from jax import lax
from jax.experimental import pallas as pl
from jax.experimental.pallas import tpu as pltpu
from jax.experimental.pallas import tpu_sc as plsc

N = 10000
E = 320000
H = 8
F = 16
HF = H * F
NEG = 0.2
NC = 2
NS = 16
NW = NC * NS
L = 16
EC = E // NW
BA = 100
NCA = EC // BA
PAIRS_A = BA // 2
BC = 100
NCC = EC // BC
PAIRS_C = BC // 2
NPAD = 10240
ROWS_D = NPAD // NS
ROWS_R = N // NS
DW = NPAD * H // NW

f32 = jnp.float32
i32 = jnp.int32

_mesh = plsc.VectorSubcoreMesh(core_axis_name="c", subcore_axis_name="s")
_CP = pltpu.CompilerParams(needs_layout_passes=False, use_tc_tiling_on_sc=False)


def _tc_prep(feat, W, Alr):
    def body(f_ref, w_ref, alr_ref, ft_ref, elr_ref):
        ftb = jnp.dot(f_ref[...], w_ref[...], preferred_element_type=f32)
        ft_ref[...] = ftb
        elr_ref[...] = jnp.dot(ftb, alr_ref[...], preferred_element_type=f32)

    R = 1000
    return pl.pallas_call(
        body,
        grid=(N // R,),
        in_specs=[
            pl.BlockSpec((R, HF), lambda i: (i, 0)),
            pl.BlockSpec((HF, HF), lambda i: (0, 0)),
            pl.BlockSpec((HF, 2 * H), lambda i: (0, 0)),
        ],
        out_specs=[
            pl.BlockSpec((R, HF), lambda i: (i, 0)),
            pl.BlockSpec((R, 2 * H), lambda i: (i, 0)),
        ],
        out_shape=[
            jax.ShapeDtypeStruct((N, HF), f32),
            jax.ShapeDtypeStruct((N, 2 * H), f32),
        ],
    )(feat, W, Alr)


def _sc_edge1(src3, dst3, elr):
    @functools.partial(
        pl.kernel,
        out_type=(
            jax.ShapeDtypeStruct((E, H), f32),
            jax.ShapeDtypeStruct((NC, NPAD, H), f32),
        ),
        mesh=_mesh,
        scratch_types=[
            pltpu.VMEM((NCA, BA), i32),
            pltpu.VMEM((NCA, BA), i32),
            pltpu.VMEM((BA, 2 * H), f32),
            pltpu.VMEM((BA, 2 * H), f32),
            pltpu.VMEM((BA, 2 * H), f32),
            pltpu.VMEM((BA, 2 * H), f32),
            pltpu.VMEM((BA, H), f32),
            pltpu.VMEM((BA, H), f32),
            pltpu.VMEM_SHARED((NPAD, H), f32),
            pltpu.SemaphoreType.DMA,
            pltpu.SemaphoreType.DMA,
            pltpu.SemaphoreType.DMA,
            pltpu.SemaphoreType.DMA,
        ],
        compiler_params=_CP,
    )
    def k(src3_h, dst3_h, elr_h, ee_h, den_h,
          sidx_all, didx_all, srows0, srows1, drows0, drows1, ee0, ee1,
          den_sp, sg0, sg1, sw0, sw1):
        cid = lax.axis_index("c")
        sid = lax.axis_index("s")
        wid = cid * NS + sid
        srows = [srows0, srows1]
        drows = [drows0, drows1]
        eeb = [ee0, ee1]
        sg = [sg0, sg1]
        sw = [sw0, sw1]
        iot = lax.iota(i32, L)
        rowb = jnp.where(iot >= H, 1, 0).astype(i32)
        colb = iot & (H - 1)
        zed = jnp.zeros((L,), f32)

        @plsc.parallel_loop(0, PAIRS_A, unroll=1)
        def zloop(p):
            rows = jnp.full((L,), 2 * p, i32) + rowb
            plsc.store_scatter(ee0, [rows, colb], zed)

        for t in range(ROWS_D // BA):
            pltpu.sync_copy(ee0, den_sp.at[pl.ds(sid * ROWS_D + t * BA, BA)])
        pltpu.sync_copy(ee0.at[pl.ds(0, ROWS_D % BA)],
                        den_sp.at[pl.ds(sid * ROWS_D + (ROWS_D // BA) * BA,
                                        ROWS_D % BA)])
        pltpu.sync_copy(src3_h.at[wid], sidx_all)
        pltpu.sync_copy(dst3_h.at[wid], didx_all)
        plsc.subcore_barrier()

        def fire_in(kk, s):
            c1 = pltpu.async_copy(elr_h.at[sidx_all.at[kk]], srows[s], sg[s])
            c2 = pltpu.async_copy(elr_h.at[didx_all.at[kk]], drows[s], sg[s])
            return (c1, c2)

        def sync_out(kk, s):
            e0 = wid * EC + kk * BA
            pltpu.sync_copy(eeb[s], ee_h.at[pl.ds(e0, BA)])
            pltpu.sync_copy(eeb[s], den_sp.at[didx_all.at[kk]], add=True)

        def compute(s):
            @plsc.parallel_loop(0, PAIRS_A, unroll=2)
            def pair(p):
                rows = jnp.full((L,), 2 * p, i32) + rowb
                elv = plsc.load_gather(srows[s], [rows, colb])
                erv = plsc.load_gather(drows[s], [rows, colb + H])
                e = elv + erv
                e = jnp.where(e > 0, e, NEG * e)
                plsc.store_scatter(eeb[s], [rows, colb], jnp.exp(e))

        def step(half, c):
            k0 = 2 * half
            k1 = k0 + 1
            cps0 = fire_in(k0, 0)
            cps1 = fire_in(k1, 1)
            for cp in cps0:
                cp.wait()
            compute(0)
            sync_out(k0, 0)
            for cp in cps1:
                cp.wait()
            compute(1)
            sync_out(k1, 1)
            return c

        lax.fori_loop(0, NCA // 2, step, 0)
        plsc.subcore_barrier()
        pltpu.sync_copy(den_sp.at[pl.ds(sid * ROWS_D, ROWS_D)],
                        den_h.at[cid, pl.ds(sid * ROWS_D, ROWS_D)])

    return k(src3, dst3, elr)


def _sc_rdenom(dflat):
    @functools.partial(
        pl.kernel,
        out_type=jax.ShapeDtypeStruct((NPAD * H,), f32),
        mesh=_mesh,
        scratch_types=[
            pltpu.VMEM((DW,), f32),
            pltpu.VMEM((DW,), f32),
            pltpu.VMEM((DW,), f32),
        ],
        compiler_params=_CP,
    )
    def k(d_h, rd_h, b0, b1, ob):
        cid = lax.axis_index("c")
        sid = lax.axis_index("s")
        off = (cid * NS + sid) * DW
        pltpu.sync_copy(d_h.at[0, pl.ds(off, DW)], b0)
        pltpu.sync_copy(d_h.at[1, pl.ds(off, DW)], b1)

        def it(j, c):
            v = b0[pl.ds(j * L, L)] + b1[pl.ds(j * L, L)]
            ob[pl.ds(j * L, L)] = 1.0 / v
            return c

        lax.fori_loop(0, DW // L, it, 0)
        pltpu.sync_copy(ob, rd_h.at[pl.ds(off, DW)])

    return k(dflat)


def _sc_edge2(src3, dst3, ee, rd, ft):
    @functools.partial(
        pl.kernel,
        out_type=(
            jax.ShapeDtypeStruct((E, H), f32),
            jax.ShapeDtypeStruct((NC, N, HF), f32),
        ),
        mesh=_mesh,
        scratch_types=[
            pltpu.VMEM((NCC, BC), i32),
            pltpu.VMEM((NCC, BC), i32),
            pltpu.VMEM((BC, H), f32),
            pltpu.VMEM((BC, H), f32),
            pltpu.VMEM((BC, H), f32),
            pltpu.VMEM((BC, H), f32),
            pltpu.VMEM((BC, HF), f32),
            pltpu.VMEM((BC, HF), f32),
            pltpu.VMEM_SHARED((N, HF), f32),
            pltpu.SemaphoreType.DMA,
            pltpu.SemaphoreType.DMA,
        ],
        compiler_params=_CP,
    )
    def k(src3_h, dst3_h, ee_h, rd_h, ft_h, a_h, rst_h,
          sidx_all, didx_all, ee0, ee1, rd0, rd1,
          ft0, ft1, rst_sp, sg0, sg1):
        cid = lax.axis_index("c")
        sid = lax.axis_index("s")
        wid = cid * NS + sid
        zed = jnp.zeros((L,), f32)

        @plsc.parallel_loop(0, BC, unroll=1)
        def zloop(j):
            for jj in range(H):
                ft0[j, pl.ds(jj * F, F)] = zed

        for t in range(ROWS_R // BC):
            pltpu.sync_copy(ft0, rst_sp.at[pl.ds(sid * ROWS_R + t * BC, BC)])
        pltpu.sync_copy(ft0.at[pl.ds(0, ROWS_R % BC)],
                        rst_sp.at[pl.ds(sid * ROWS_R + (ROWS_R // BC) * BC,
                                        ROWS_R % BC)])
        pltpu.sync_copy(src3_h.at[wid], sidx_all)
        pltpu.sync_copy(dst3_h.at[wid], didx_all)
        plsc.subcore_barrier()
        eeb = [ee0, ee1]
        rdb = [rd0, rd1]
        ftb = [ft0, ft1]
        sg = [sg0, sg1]
        iot = lax.iota(i32, L)
        rowb = jnp.where(iot >= H, 1, 0).astype(i32)
        colb = iot & (H - 1)

        def fire_in(kk, s):
            e0 = wid * EC + kk * BC
            c1 = pltpu.async_copy(ft_h.at[sidx_all.at[kk]], ftb[s], sg[s])
            c2 = pltpu.async_copy(rd_h.at[didx_all.at[kk]], rdb[s], sg[s])
            c3 = pltpu.async_copy(ee_h.at[pl.ds(e0, BC)], eeb[s], sg[s])
            return (c1, c2, c3)

        def sync_out(kk, s):
            e0 = wid * EC + kk * BC
            pltpu.sync_copy(eeb[s], a_h.at[pl.ds(e0, BC)])
            pltpu.sync_copy(ftb[s], rst_sp.at[didx_all.at[kk]], add=True)

        def compute(s):
            @plsc.parallel_loop(0, PAIRS_C, unroll=2)
            def pair(p):
                rows = jnp.full((L,), 2 * p, i32) + rowb
                eev = plsc.load_gather(eeb[s], [rows, colb])
                rdv = plsc.load_gather(rdb[s], [rows, colb])
                av = eev * rdv
                plsc.store_scatter(eeb[s], [rows, colb], av)
                j0 = 2 * p
                j1 = j0 + 1
                for jj in range(H):
                    b = av[jnp.full((L,), jj, i32)]
                    ftb[s][j0, pl.ds(jj * F, F)] = ftb[s][j0, pl.ds(jj * F, F)] * b
                for jj in range(H):
                    b = av[jnp.full((L,), H + jj, i32)]
                    ftb[s][j1, pl.ds(jj * F, F)] = ftb[s][j1, pl.ds(jj * F, F)] * b

        def step(half, c):
            k0 = 2 * half
            k1 = k0 + 1
            cps0 = fire_in(k0, 0)
            cps1 = fire_in(k1, 1)
            for cp in cps0:
                cp.wait()
            compute(0)
            sync_out(k0, 0)
            for cp in cps1:
                cp.wait()
            compute(1)
            sync_out(k1, 1)
            return c

        lax.fori_loop(0, NCC // 2, step, 0)
        plsc.subcore_barrier()
        pltpu.sync_copy(rst_sp.at[pl.ds(sid * ROWS_R, ROWS_R)],
                        rst_h.at[cid, pl.ds(sid * ROWS_R, ROWS_R)])

    return k(src3, dst3, ee, rd, ft)


def _tc_add(p0, p1):
    def body(a_ref, b_ref, o_ref):
        o_ref[...] = a_ref[...] + b_ref[...]

    R = 1000
    return pl.pallas_call(
        body,
        grid=(N // R,),
        in_specs=[pl.BlockSpec((R, HF), lambda i: (i, 0))] * 2,
        out_specs=pl.BlockSpec((R, HF), lambda i: (i, 0)),
        out_shape=jax.ShapeDtypeStruct((N, HF), f32),
    )(p0, p1)


def kernel(feat, edge_index, W, attn_l, attn_r):
    src = edge_index[0]
    dst = edge_index[1]
    al = attn_l.reshape(H, F)
    ar = attn_r.reshape(H, F)
    eye = jnp.eye(H, dtype=f32)
    Al = (al[:, :, None] * eye[:, None, :]).reshape(HF, H)
    Ar = (ar[:, :, None] * eye[:, None, :]).reshape(HF, H)
    Alr = jnp.concatenate([Al, Ar], axis=1)

    ft, elr = _tc_prep(feat, W, Alr)
    ee, den = _sc_edge1(src.reshape(NW, NCA, BA), dst.reshape(NW, NCA, BA),
                        elr)
    rd = _sc_rdenom(den.reshape(NC, NPAD * H)).reshape(NPAD, H)
    a, rstp = _sc_edge2(src.reshape(NW, NCC, BC), dst.reshape(NW, NCC, BC),
                        ee, rd, ft)
    rst = _tc_add(rstp[0], rstp[1])
    return (rst.reshape(N, H, F), a)

# --- scband reference (transcript-rebuilt; emitter-appended) ---
"""Pipeline reference for scband-my-gatconv-4784593568246 (READ-ONLY COPY).

The authoritative reference and input builder live on the scoring server;
editing this copy changes nothing except your own understanding.
"""

import jax, jax.numpy as jnp
import numpy as np

N = 10000
E = 320000
IN_FEATS = 128
H = 8
F = 16
NEG_SLOPE = 0.2


def setup_inputs(seed: int = 0) -> dict:
    key = jax.random.key(seed)
    k1, k2, k3, k4, k5 = jax.random.split(key, 5)
    feat = jax.random.normal(k1, (N, IN_FEATS), dtype=jnp.float32)
    edge_index = jax.random.randint(k2, (2, E), 0, N, dtype=jnp.int32)
    # learned params (xavier-ish scale)
    W = jax.random.normal(k3, (IN_FEATS, H * F), dtype=jnp.float32) * (1.0 / np.sqrt(IN_FEATS))
    attn_l = jax.random.normal(k4, (1, H, F), dtype=jnp.float32) * 0.1
    attn_r = jax.random.normal(k5, (1, H, F), dtype=jnp.float32) * 0.1
    return {"feat": feat, "edge_index": edge_index, "W": W, "attn_l": attn_l, "attn_r": attn_r}


def reference(feat, edge_index, W, attn_l, attn_r):
    # myGATConv forward (feat_drop/attn_drop = 0, no residual, no bias, no activation, res_attn=None)
    src = edge_index[0]
    dst = edge_index[1]
    ft = (feat @ W).reshape(-1, H, F)          # [N, H, F]  (fc)
    el = (ft * attn_l).sum(axis=-1)            # [N, H]
    er = (ft * attn_r).sum(axis=-1)            # [N, H]
    e = el[src] + er[dst]                      # [E, H]  u_add_v
    e = jnp.where(e > 0, e, NEG_SLOPE * e)     # leaky_relu
    # edge_softmax over incoming edges of each dst node
    emax = jnp.full((N, H), -jnp.inf, dtype=e.dtype).at[dst].max(e)
    emax = jax.lax.stop_gradient(emax)
    ee = jnp.exp(e - emax[dst])                # [E, H]
    denom = jnp.zeros((N, H), dtype=e.dtype).at[dst].add(ee)
    a = ee / denom[dst]                        # [E, H]
    # message passing: u_mul_e + sum aggregation
    m = ft[src] * a[:, :, None]                # [E, H, F]
    rst = jnp.zeros((N, H, F), dtype=feat.dtype).at[dst].add(m)
    return (rst, a)

if __name__ == "__main__":
    import jax
    _d = setup_inputs()
    print(jax.jit(kernel)(*tuple(_d.values())))

</pallas_src>

<mosaic_0001>
#map = affine_map<(d0, d1) -> (0, 0, 0)>
#map1 = affine_map<(d0, d1) -> (0, 0)>
module attributes {stable_mosaic.version = 14 : i64} {
  func.func @k(%arg0: i32, %arg1: i32, %arg2: memref<32x100x100xi32, #tpu.memory_space<hbm>>, %arg3: memref<32x100x100xi32, #tpu.memory_space<hbm>>, %arg4: memref<10000x16xf32, #tpu.memory_space<hbm>>, %arg5: memref<320000x8xf32, #tpu.memory_space<hbm>>, %arg6: memref<2x10240x8xf32, #tpu.memory_space<hbm>>, %arg7: memref<100x100xi32, #tpu.memory_space<vmem>>, %arg8: memref<100x100xi32, #tpu.memory_space<vmem>>, %arg9: memref<100x16xf32, #tpu.memory_space<vmem>>, %arg10: memref<100x16xf32, #tpu.memory_space<vmem>>, %arg11: memref<100x16xf32, #tpu.memory_space<vmem>>, %arg12: memref<100x16xf32, #tpu.memory_space<vmem>>, %arg13: memref<100x8xf32, #tpu.memory_space<vmem>>, %arg14: memref<100x8xf32, #tpu.memory_space<vmem>>, %arg15: memref<10240x8xf32, #tpu.memory_space<vmem_shared>>, %arg16: memref<!tpu.dma_semaphore, #tpu.memory_space<semaphore_mem>>, %arg17: memref<!tpu.dma_semaphore, #tpu.memory_space<semaphore_mem>>, %arg18: memref<!tpu.dma_semaphore, #tpu.memory_space<semaphore_mem>>, %arg19: memref<!tpu.dma_semaphore, #tpu.memory_space<semaphore_mem>>) attributes {dimension_semantics = [#tpu.dimension_semantics<core_parallel>, #tpu.dimension_semantics<subcore_parallel>], iteration_bounds = array<i64: 2, 16>, scalar_prefetch = 0 : i64, scratch_operands = 13 : i64, tpu.core_type = #tpu.core_type<sc_vector_subcore>, window_params = [{transform_indices = #map}, {transform_indices = #map}, {transform_indices = #map1}, {transform_indices = #map1}, {transform_indices = #map}]} {
    %mul3A = arith.constant 16 : i32
    %mul3A_0 = arith.muli %arg0, %mul3A : i32
    %add3A = arith.addi %mul3A_0, %arg1 : i32
    %iota3A = tpu.iota {dimensions = array<i32: 0>} : vector<16xi32>
    %ge3A = arith.constant 8 : i32
    %ge3A_1 = vector.broadcast %ge3A : i32 to vector<16xi32>
    %ge3A_2 = arith.cmpi sge, %iota3A, %ge3A_1 : vector<16xi32>
    %jit3A = arith.constant 1 : i32
    %jit3A_3 = arith.constant 0 : i32
    %broadcast_in_dim3A = vector.broadcast %jit3A : i32 to vector<16xi32>
    %broadcast_in_dim3A_4 = vector.broadcast %jit3A_3 : i32 to vector<16xi32>
    %select_n3A = arith.select %ge3A_2, %broadcast_in_dim3A, %broadcast_in_dim3A_4 : vector<16xi1>, vector<16xi32>
    %and3A = arith.constant 7 : i32
    %and3A_5 = vector.broadcast %and3A : i32 to vector<16xi32>
    %and3A_6 = arith.andi %iota3A, %and3A_5 : vector<16xi32>
    %broadcast_in_dim3A_7 = arith.constant 0.000000e+00 : f32
    %broadcast_in_dim3A_8 = vector.broadcast %broadcast_in_dim3A_7 : f32 to vector<16xf32>
    %parallel_loop3A = arith.constant 0 : i32
    %parallel_loop3A_9 = arith.constant 50 : i32
    %parallel_loop3A_10 = arith.constant 1 : i32
    scf.for %parallel_loop3A_49 = %parallel_loop3A to %parallel_loop3A_9 step %parallel_loop3A_10  : i32 {
      %parallel_loop3A_50 = arith.constant 2 : i32
      %parallel_loop3A_51 = arith.muli %parallel_loop3A_50, %parallel_loop3A_49 : i32
      %parallel_loop3A_52 = vector.broadcast %parallel_loop3A_51 : i32 to vector<16xi32>
      %parallel_loop3A_53 = arith.addi %parallel_loop3A_52, %select_n3A : vector<16xi32>
      tpu.vector_store_idx %arg13[%parallel_loop3A_53, %and3A_6], %broadcast_in_dim3A_8 : memref<100x8xf32, #tpu.memory_space<vmem>>[vector<16xi32>, vector<16xi32>], vector<16xf32>,
    } {sc.loop_unroll_factor = 1 : i64, sc.parallel_access}
    %mul3A_11 = arith.constant 640 : i32
    %mul3A_12 = arith.muli %arg1, %mul3A_11 : i32
    %add3A_13 = arith.constant 0 : i32
    %add3A_14 = arith.addi %mul3A_12, %add3A_13 : i32
    "tpu.region"() ({
      %run_scoped3A = tpu.sem_alloc : memref<!tpu.dma_semaphore, #tpu.memory_space<semaphore_mem>>
      %dma_start3A = arith.constant 0 : i32
      %dma_start3A_49 = tpu.memref_slice %arg15[%add3A_14, %dma_start3A] : memref<10240x8xf32, #tpu.memory_space<vmem_shared>> -> memref<100x8xf32, #tpu.memory_space<vmem_shared>>
      %dma_start3A_50 = arith.constant 0 : i32
      %dma_start3A_51 = tpu.memref_slice %arg15[%add3A_14, %dma_start3A_50] : memref<10240x8xf32, #tpu.memory_space<vmem_shared>> -> memref<100x8xf32, #tpu.memory_space<vmem_shared>>
      tpu.enqueue_dma source(%arg13 : memref<100x8xf32, #tpu.memory_space<vmem>>) target(%dma_start3A_51 : memref<100x8xf32, #tpu.memory_space<vmem_shared>>) target_semaphore(%run_scoped3A : memref<!tpu.dma_semaphore, #tpu.memory_space<semaphore_mem>>)
      %dma_wait3A = arith.constant 0 : i32
      %dma_wait3A_52 = tpu.memref_slice %arg15[%add3A_14, %dma_wait3A] : memref<10240x8xf32, #tpu.memory_space<vmem_shared>> -> memref<100x8xf32, #tpu.memory_space<vmem_shared>>
      %dma_wait3A_53 = arith.constant 0 : i32
      %dma_wait3A_54 = tpu.memref_slice %arg15[%add3A_14, %dma_wait3A_53] : memref<10240x8xf32, #tpu.memory_space<vmem_shared>> -> memref<100x8xf32, #tpu.memory_space<vmem_shared>>
      tpu.wait_dma2 semaphore(%run_scoped3A : memref<!tpu.dma_semaphore, #tpu.memory_space<semaphore_mem>>) src(%arg13 : memref<100x8xf32, #tpu.memory_space<vmem>>) dst(%dma_wait3A_54 : memref<100x8xf32, #tpu.memory_space<vmem_shared>>)
      tpu.yield
    }) : () -> ()
    %mul3A_15 = arith.constant 640 : i32
    %mul3A_16 = arith.muli %arg1, %mul3A_15 : i32
    %add3A_17 = arith.constant 100 : i32
    %add3A_18 = arith.addi %mul3A_16, %add3A_17 : i32
    "tpu.region"() ({
      %run_scoped3A = tpu.sem_alloc : memref<!tpu.dma_semaphore, #tpu.memory_space<semaphore_mem>>
      %dma_start3A = arith.constant 0 : i32
      %dma_start3A_49 = tpu.memref_slice %arg15[%add3A_18, %dma_start3A] : memref<10240x8xf32, #tpu.memory_space<vmem_shared>> -> memref<100x8xf32, #tpu.memory_space<vmem_shared>>
      %dma_start3A_50 = arith.constant 0 : i32
      %dma_start3A_51 = tpu.memref_slice %arg15[%add3A_18, %dma_start3A_50] : memref<10240x8xf32, #tpu.memory_space<vmem_shared>> -> memref<100x8xf32, #tpu.memory_space<vmem_shared>>
      tpu.enqueue_dma source(%arg13 : memref<100x8xf32, #tpu.memory_space<vmem>>) target(%dma_start3A_51 : memref<100x8xf32, #tpu.memory_space<vmem_shared>>) target_semaphore(%run_scoped3A : memref<!tpu.dma_semaphore, #tpu.memory_space<semaphore_mem>>)
      %dma_wait3A = arith.constant 0 : i32
      %dma_wait3A_52 = tpu.memref_slice %arg15[%add3A_18, %dma_wait3A] : memref<10240x8xf32, #tpu.memory_space<vmem_shared>> -> memref<100x8xf32, #tpu.memory_space<vmem_shared>>
      %dma_wait3A_53 = arith.constant 0 : i32
      %dma_wait3A_54 = tpu.memref_slice %arg15[%add3A_18, %dma_wait3A_53] : memref<10240x8xf32, #tpu.memory_space<vmem_shared>> -> memref<100x8xf32, #tpu.memory_space<vmem_shared>>
      tpu.wait_dma2 semaphore(%run_scoped3A : memref<!tpu.dma_semaphore, #tpu.memory_space<semaphore_mem>>) src(%arg13 : memref<100x8xf32, #tpu.memory_space<vmem>>) dst(%dma_wait3A_54 : memref<100x8xf32, #tpu.memory_space<vmem_shared>>)
      tpu.yield
    }) : () -> ()
    %mul3A_19 = arith.constant 640 : i32
    %mul3A_20 = arith.muli %arg1, %mul3A_19 : i32
    %add3A_21 = arith.constant 200 : i32
    %add3A_22 = arith.addi %mul3A_20, %add3A_21 : i32
    "tpu.region"() ({
      %run_scoped3A = tpu.sem_alloc : memref<!tpu.dma_semaphore, #tpu.memory_space<semaphore_mem>>
      %dma_start3A = arith.constant 0 : i32
      %dma_start3A_49 = tpu.memref_slice %arg15[%add3A_22, %dma_start3A] : memref<10240x8xf32, #tpu.memory_space<vmem_shared>> -> memref<100x8xf32, #tpu.memory_space<vmem_shared>>
      %dma_start3A_50 = arith.constant 0 : i32
      %dma_start3A_51 = tpu.memref_slice %arg15[%add3A_22, %dma_start3A_50] : memref<10240x8xf32, #tpu.memory_space<vmem_shared>> -> memref<100x8xf32, #tpu.memory_space<vmem_shared>>
      tpu.enqueue_dma source(%arg13 : memref<100x8xf32, #tpu.memory_space<vmem>>) target(%dma_start3A_51 : memref<100x8xf32, #tpu.memory_space<vmem_shared>>) target_semaphore(%run_scoped3A : memref<!tpu.dma_semaphore, #tpu.memory_space<semaphore_mem>>)
      %dma_wait3A = arith.constant 0 : i32
      %dma_wait3A_52 = tpu.memref_slice %arg15[%add3A_22, %dma_wait3A] : memref<10240x8xf32, #tpu.memory_space<vmem_shared>> -> memref<100x8xf32, #tpu.memory_space<vmem_shared>>
      %dma_wait3A_53 = arith.constant 0 : i32
      %dma_wait3A_54 = tpu.memref_slice %arg15[%add3A_22, %dma_wait3A_53] : memref<10240x8xf32, #tpu.memory_space<vmem_shared>> -> memref<100x8xf32, #tpu.memory_space<vmem_shared>>
      tpu.wait_dma2 semaphore(%run_scoped3A : memref<!tpu.dma_semaphore, #tpu.memory_space<semaphore_mem>>) src(%arg13 : memref<100x8xf32, #tpu.memory_space<vmem>>) dst(%dma_wait3A_54 : memref<100x8xf32, #tpu.memory_space<vmem_shared>>)
      tpu.yield
    }) : () -> ()
    %mul3A_23 = arith.constant 640 : i32
    %mul3A_24 = arith.muli %arg1, %mul3A_23 : i32
    %add3A_25 = arith.constant 300 : i32
    %add3A_26 = arith.addi %mul3A_24, %add3A_25 : i32
    "tpu.region"() ({
      %run_scoped3A = tpu.sem_alloc : memref<!tpu.dma_semaphore, #tpu.memory_space<semaphore_mem>>
      %dma_start3A = arith.constant 0 : i32
      %dma_start3A_49 = tpu.memref_slice %arg15[%add3A_26, %dma_start3A] : memref<10240x8xf32, #tpu.memory_space<vmem_shared>> -> memref<100x8xf32, #tpu.memory_space<vmem_shared>>
      %dma_start3A_50 = arith.constant 0 : i32
      %dma_start3A_51 = tpu.memref_slice %arg15[%add3A_26, %dma_start3A_50] : memref<10240x8xf32, #tpu.memory_space<vmem_shared>> -> memref<100x8xf32, #tpu.memory_space<vmem_shared>>
      tpu.enqueue_dma source(%arg13 : memref<100x8xf32, #tpu.memory_space<vmem>>) target(%dma_start3A_51 : memref<100x8xf32, #tpu.memory_space<vmem_shared>>) target_semaphore(%run_scoped3A : memref<!tpu.dma_semaphore, #tpu.memory_space<semaphore_mem>>)
      %dma_wait3A = arith.constant 0 : i32
      %dma_wait3A_52 = tpu.memref_slice %arg15[%add3A_26, %dma_wait3A] : memref<10240x8xf32, #tpu.memory_space<vmem_shared>> -> memref<100x8xf32, #tpu.memory_space<vmem_shared>>
      %dma_wait3A_53 = arith.constant 0 : i32
      %dma_wait3A_54 = tpu.memref_slice %arg15[%add3A_26, %dma_wait3A_53] : memref<10240x8xf32, #tpu.memory_space<vmem_shared>> -> memref<100x8xf32, #tpu.memory_space<vmem_shared>>
      tpu.wait_dma2 semaphore(%run_scoped3A : memref<!tpu.dma_semaphore, #tpu.memory_space<semaphore_mem>>) src(%arg13 : memref<100x8xf32, #tpu.memory_space<vmem>>) dst(%dma_wait3A_54 : memref<100x8xf32, #tpu.memory_space<vmem_shared>>)
      tpu.yield
    }) : () -> ()
    %mul3A_27 = arith.constant 640 : i32
    %mul3A_28 = arith.muli %arg1, %mul3A_27 : i32
    %add3A_29 = arith.constant 400 : i32
    %add3A_30 = arith.addi %mul3A_28, %add3A_29 : i32
    "tpu.region"() ({
      %run_scoped3A = tpu.sem_alloc : memref<!tpu.dma_semaphore, #tpu.memory_space<semaphore_mem>>
      %dma_start3A = arith.constant 0 : i32
      %dma_start3A_49 = tpu.memref_slice %arg15[%add3A_30, %dma_start3A] : memref<10240x8xf32, #tpu.memory_space<vmem_shared>> -> memref<100x8xf32, #tpu.memory_space<vmem_shared>>
      %dma_start3A_50 = arith.constant 0 : i32
      %dma_start3A_51 = tpu.memref_slice %arg15[%add3A_30, %dma_start3A_50] : memref<10240x8xf32, #tpu.memory_space<vmem_shared>> -> memref<100x8xf32, #tpu.memory_space<vmem_shared>>
      tpu.enqueue_dma source(%arg13 : memref<100x8xf32, #tpu.memory_space<vmem>>) target(%dma_start3A_51 : memref<100x8xf32, #tpu.memory_space<vmem_shared>>) target_semaphore(%run_scoped3A : memref<!tpu.dma_semaphore, #tpu.memory_space<semaphore_mem>>)
      %dma_wait3A = arith.constant 0 : i32
      %dma_wait3A_52 = tpu.memref_slice %arg15[%add3A_30, %dma_wait3A] : memref<10240x8xf32, #tpu.memory_space<vmem_shared>> -> memref<100x8xf32, #tpu.memory_space<vmem_shared>>
      %dma_wait3A_53 = arith.constant 0 : i32
      %dma_wait3A_54 = tpu.memref_slice %arg15[%add3A_30, %dma_wait3A_53] : memref<10240x8xf32, #tpu.memory_space<vmem_shared>> -> memref<100x8xf32, #tpu.memory_space<vmem_shared>>
      tpu.wait_dma2 semaphore(%run_scoped3A : memref<!tpu.dma_semaphore, #tpu.memory_space<semaphore_mem>>) src(%arg13 : memref<100x8xf32, #tpu.memory_space<vmem>>) dst(%dma_wait3A_54 : memref<100x8xf32, #tpu.memory_space<vmem_shared>>)
      tpu.yield
    }) : () -> ()
    %mul3A_31 = arith.constant 640 : i32
    %mul3A_32 = arith.muli %arg1, %mul3A_31 : i32
    %add3A_33 = arith.constant 500 : i32
    %add3A_34 = arith.addi %mul3A_32, %add3A_33 : i32
    "tpu.region"() ({
      %run_scoped3A = tpu.sem_alloc : memref<!tpu.dma_semaphore, #tpu.memory_space<semaphore_mem>>
      %dma_start3A = arith.constant 0 : i32
      %dma_start3A_49 = tpu.memref_slice %arg15[%add3A_34, %dma_start3A] : memref<10240x8xf32, #tpu.memory_space<vmem_shared>> -> memref<100x8xf32, #tpu.memory_space<vmem_shared>>
      %dma_start3A_50 = arith.constant 0 : i32
      %dma_start3A_51 = tpu.memref_slice %arg15[%add3A_34, %dma_start3A_50] : memref<10240x8xf32, #tpu.memory_space<vmem_shared>> -> memref<100x8xf32, #tpu.memory_space<vmem_shared>>
      tpu.enqueue_dma source(%arg13 : memref<100x8xf32, #tpu.memory_space<vmem>>) target(%dma_start3A_51 : memref<100x8xf32, #tpu.memory_space<vmem_shared>>) target_semaphore(%run_scoped3A : memref<!tpu.dma_semaphore, #tpu.memory_space<semaphore_mem>>)
      %dma_wait3A = arith.constant 0 : i32
      %dma_wait3A_52 = tpu.memref_slice %arg15[%add3A_34, %dma_wait3A] : memref<10240x8xf32, #tpu.memory_space<vmem_shared>> -> memref<100x8xf32, #tpu.memory_space<vmem_shared>>
      %dma_wait3A_53 = arith.constant 0 : i32
      %dma_wait3A_54 = tpu.memref_slice %arg15[%add3A_34, %dma_wait3A_53] : memref<10240x8xf32, #tpu.memory_space<vmem_shared>> -> memref<100x8xf32, #tpu.memory_space<vmem_shared>>
      tpu.wait_dma2 semaphore(%run_scoped3A : memref<!tpu.dma_semaphore, #tpu.memory_space<semaphore_mem>>) src(%arg13 : memref<100x8xf32, #tpu.memory_space<vmem>>) dst(%dma_wait3A_54 : memref<100x8xf32, #tpu.memory_space<vmem_shared>>)
      tpu.yield
    }) : () -> ()
    %mul3A_35 = arith.constant 640 : i32
    %mul3A_36 = arith.muli %arg1, %mul3A_35 : i32
    %add3A_37 = arith.constant 600 : i32
    %add3A_38 = arith.addi %mul3A_36, %add3A_37 : i32
    "tpu.region"() ({
      %run_scoped3A = tpu.sem_alloc : memref<!tpu.dma_semaphore, #tpu.memory_space<semaphore_mem>>
      %dma_start3A = arith.constant 0 : i32
      %dma_start3A_49 = arith.constant 0 : i32
      %dma_start3A_50 = tpu.memref_slice %arg13[%dma_start3A, %dma_start3A_49] : memref<100x8xf32, #tpu.memory_space<vmem>> -> memref<40x8xf32, #tpu.memory_space<vmem>>
      %dma_start3A_51 = arith.constant 0 : i32
      %dma_start3A_52 = tpu.memref_slice %arg15[%add3A_38, %dma_start3A_51] : memref<10240x8xf32, #tpu.memory_space<vmem_shared>> -> memref<40x8xf32, #tpu.memory_space<vmem_shared>>
      %dma_start3A_53 = arith.constant 0 : i32
      %dma_start3A_54 = tpu.memref_slice %arg15[%add3A_38, %dma_start3A_53] : memref<10240x8xf32, #tpu.memory_space<vmem_shared>> -> memref<40x8xf32, #tpu.memory_space<vmem_shared>>
      %dma_start3A_55 = arith.constant 0 : i32
      %dma_start3A_56 = arith.constant 0 : i32
      %dma_start3A_57 = tpu.memref_slice %arg13[%dma_start3A_55, %dma_start3A_56] : memref<100x8xf32, #tpu.memory_space<vmem>> -> memref<40x8xf32, #tpu.memory_space<vmem>>
      tpu.enqueue_dma source(%dma_start3A_57 : memref<40x8xf32, #tpu.memory_space<vmem>>) target(%dma_start3A_54 : memref<40x8xf32, #tpu.memory_space<vmem_shared>>) target_semaphore(%run_scoped3A : memref<!tpu.dma_semaphore, #tpu.memory_space<semaphore_mem>>)
      %dma_wait3A = arith.constant 0 : i32
      %dma_wait3A_58 = arith.constant 0 : i32
      %dma_wait3A_59 = tpu.memref_slice %arg13[%dma_wait3A, %dma_wait3A_58] : memref<100x8xf32, #tpu.memory_space<vmem>> -> memref<40x8xf32, #tpu.memory_space<vmem>>
      %dma_wait3A_60 = arith.constant 0 : i32
      %dma_wait3A_61 = tpu.memref_slice %arg15[%add3A_38, %dma_wait3A_60] : memref<10240x8xf32, #tpu.memory_space<vmem_shared>> -> memref<40x8xf32, #tpu.memory_space<vmem_shared>>
      %dma_wait3A_62 = arith.constant 0 : i32
      %dma_wait3A_63 = tpu.memref_slice %arg15[%add3A_38, %dma_wait3A_62] : memref<10240x8xf32, #tpu.memory_space<vmem_shared>> -> memref<40x8xf32, #tpu.memory_space<vmem_shared>>
      %dma_wait3A_64 = arith.constant 0 : i32
      %dma_wait3A_65 = arith.constant 0 : i32
      %dma_wait3A_66 = tpu.memref_slice %arg13[%dma_wait3A_64, %dma_wait3A_65] : memref<100x8xf32, #tpu.memory_space<vmem>> -> memref<40x8xf32, #tpu.memory_space<vmem>>
      tpu.wait_dma2 semaphore(%run_scoped3A : memref<!tpu.dma_semaphore, #tpu.memory_space<semaphore_mem>>) src(%dma_wait3A_66 : memref<40x8xf32, #tpu.memory_space<vmem>>) dst(%dma_wait3A_63 : memref<40x8xf32, #tpu.memory_space<vmem_shared>>)
      tpu.yield
    }) : () -> ()
    "tpu.region"() ({
      %run_scoped3A = tpu.sem_alloc : memref<!tpu.dma_semaphore, #tpu.memory_space<semaphore_mem>>
      %dma_start3A = arith.constant 0 : i32
      %dma_start3A_49 = arith.constant 0 : i32
      %dma_start3A_50 = tpu.memref_slice %arg2[%add3A, %dma_start3A, %dma_start3A_49] : memref<32x100x100xi32, #tpu.memory_space<hbm>> -> memref<1x100x100xi32, #tpu.memory_space<hbm>>
      %dma_start3A_51 = tpu.memref_squeeze %dma_start3A_50 : memref<1x100x100xi32, #tpu.memory_space<hbm>> -> memref<100x100xi32, #tpu.memory_space<hbm>>
      %dma_start3A_52 = arith.constant 0 : i32
      %dma_start3A_53 = arith.constant 0 : i32
      %dma_start3A_54 = tpu.memref_slice %arg2[%add3A, %dma_start3A_52, %dma_start3A_53] : memref<32x100x100xi32, #tpu.memory_space<hbm>> -> memref<1x100x100xi32, #tpu.memory_space<hbm>>
      %dma_start3A_55 = tpu.memref_squeeze %dma_start3A_54 : memref<1x100x100xi32, #tpu.memory_space<hbm>> -> memref<100x100xi32, #tpu.memory_space<hbm>>
      tpu.enqueue_dma source(%dma_start3A_55 : memref<100x100xi32, #tpu.memory_space<hbm>>) target(%arg7 : memref<100x100xi32, #tpu.memory_space<vmem>>) target_semaphore(%run_scoped3A : memref<!tpu.dma_semaphore, #tpu.memory_space<semaphore_mem>>)
      %dma_wait3A = arith.constant 0 : i32
      %dma_wait3A_56 = arith.constant 0 : i32
      %dma_wait3A_57 = tpu.memref_slice %arg2[%add3A, %dma_wait3A, %dma_wait3A_56] : memref<32x100x100xi32, #tpu.memory_space<hbm>> -> memref<1x100x100xi32, #tpu.memory_space<hbm>>
      %dma_wait3A_58 = tpu.memref_squeeze %dma_wait3A_57 : memref<1x100x100xi32, #tpu.memory_space<hbm>> -> memref<100x100xi32, #tpu.memory_space<hbm>>
      %dma_wait3A_59 = arith.constant 0 : i32
      %dma_wait3A_60 = arith.constant 0 : i32
      %dma_wait3A_61 = tpu.memref_slice %arg2[%add3A, %dma_wait3A_59, %dma_wait3A_60] : memref<32x100x100xi32, #tpu.memory_space<hbm>> -> memref<1x100x100xi32, #tpu.memory_space<hbm>>
      %dma_wait3A_62 = tpu.memref_squeeze %dma_wait3A_61 : memref<1x100x100xi32, #tpu.memory_space<hbm>> -> memref<100x100xi32, #tpu.memory_space<hbm>>
      tpu.wait_dma2 semaphore(%run_scoped3A : memref<!tpu.dma_semaphore, #tpu.memory_space<semaphore_mem>>) src(%dma_wait3A_62 : memref<100x100xi32, #tpu.memory_space<hbm>>) dst(%arg7 : memref<100x100xi32, #tpu.memory_space<vmem>>)
      tpu.yield
    }) : () -> ()
    "tpu.region"() ({
      %run_scoped3A = tpu.sem_alloc : memref<!tpu.dma_semaphore, #tpu.memory_space<semaphore_mem>>
      %dma_start3A = arith.constant 0 : i32
      %dma_start3A_49 = arith.constant 0 : i32
      %dma_start3A_50 = tpu.memref_slice %arg3[%add3A, %dma_start3A, %dma_start3A_49] : memref<32x100x100xi32, #tpu.memory_space<hbm>> -> memref<1x100x100xi32, #tpu.memory_space<hbm>>
      %dma_start3A_51 = tpu.memref_squeeze %dma_start3A_50 : memref<1x100x100xi32, #tpu.memory_space<hbm>> -> memref<100x100xi32, #tpu.memory_space<hbm>>
      %dma_start3A_52 = arith.constant 0 : i32
      %dma_start3A_53 = arith.constant 0 : i32
      %dma_start3A_54 = tpu.memref_slice %arg3[%add3A, %dma_start3A_52, %dma_start3A_53] : memref<32x100x100xi32, #tpu.memory_space<hbm>> -> memref<1x100x100xi32, #tpu.memory_space<hbm>>
      %dma_start3A_55 = tpu.memref_squeeze %dma_start3A_54 : memref<1x100x100xi32, #tpu.memory_space<hbm>> -> memref<100x100xi32, #tpu.memory_space<hbm>>
      tpu.enqueue_dma source(%dma_start3A_55 : memref<100x100xi32, #tpu.memory_space<hbm>>) target(%arg8 : memref<100x100xi32, #tpu.memory_space<vmem>>) target_semaphore(%run_scoped3A : memref<!tpu.dma_semaphore, #tpu.memory_space<semaphore_mem>>)
      %dma_wait3A = arith.constant 0 : i32
      %dma_wait3A_56 = arith.constant 0 : i32
      %dma_wait3A_57 = tpu.memref_slice %arg3[%add3A, %dma_wait3A, %dma_wait3A_56] : memref<32x100x100xi32, #tpu.memory_space<hbm>> -> memref<1x100x100xi32, #tpu.memory_space<hbm>>
      %dma_wait3A_58 = tpu.memref_squeeze %dma_wait3A_57 : memref<1x100x100xi32, #tpu.memory_space<hbm>> -> memref<100x100xi32, #tpu.memory_space<hbm>>
      %dma_wait3A_59 = arith.constant 0 : i32
      %dma_wait3A_60 = arith.constant 0 : i32
      %dma_wait3A_61 = tpu.memref_slice %arg3[%add3A, %dma_wait3A_59, %dma_wait3A_60] : memref<32x100x100xi32, #tpu.memory_space<hbm>> -> memref<1x100x100xi32, #tpu.memory_space<hbm>>
      %dma_wait3A_62 = tpu.memref_squeeze %dma_wait3A_61 : memref<1x100x100xi32, #tpu.memory_space<hbm>> -> memref<100x100xi32, #tpu.memory_space<hbm>>
      tpu.wait_dma2 semaphore(%run_scoped3A : memref<!tpu.dma_semaphore, #tpu.memory_space<semaphore_mem>>) src(%dma_wait3A_62 : memref<100x100xi32, #tpu.memory_space<hbm>>) dst(%arg8 : memref<100x100xi32, #tpu.memory_space<vmem>>)
      tpu.yield
    }) : () -> ()
    %barrier3A = arith.constant 0 : index
    tpu.barrier barrier_id(%barrier3A)
    %scan3A = arith.constant 0 : i32
    %scan3A_39 = arith.constant 0 : i32
    %scan3A_40 = arith.constant 50 : i32
    %scan3A_41 = arith.addi %scan3A_39, %scan3A_40 : i32
    %scan3A_42 = arith.constant 1 : i32
    scf.for %scan3A_49 = %scan3A_39 to %scan3A_41 step %scan3A_42  : i32 {
      %mul3A_50 = arith.constant 2 : i32
      %mul3A_51 = arith.muli %mul3A_50, %scan3A_49 : i32
      %add3A_52 = arith.constant 1 : i32
      %add3A_53 = arith.addi %mul3A_51, %add3A_52 : i32
      %dma_start3A = arith.constant 0 : i32
      %dma_start3A_54 = tpu.memref_slice %arg7[%mul3A_51, %dma_start3A] : memref<100x100xi32, #tpu.memory_space<vmem>> -> memref<1x100xi32, #tpu.memory_space<vmem>>
      %dma_start3A_55 = tpu.memref_squeeze %dma_start3A_54 : memref<1x100xi32, #tpu.memory_space<vmem>> -> memref<100xi32, #tpu.memory_space<vmem>>
      %dma_start3A_56 = arith.constant 0 : i32
      %dma_start3A_57 = arith.constant 0 : i32
      %dma_start3A_58 = tpu.memref_slice %arg4[%dma_start3A_56, %dma_start3A_57] : memref<10000x16xf32, #tpu.memory_space<hbm>> -> memref<10000x16xf32, #tpu.memory_space<hbm>>
      tpu.enqueue_indirect_dma source(%dma_start3A_58 : memref<10000x16xf32, #tpu.memory_space<hbm>>) target(%arg9 : memref<100x16xf32, #tpu.memory_space<vmem>>) offsets(%dma_start3A_55 : memref<100xi32, #tpu.memory_space<vmem>>) semaphore(%arg16 : memref<!tpu.dma_semaphore, #tpu.memory_space<semaphore_mem>>)
      %dma_start3A_59 = arith.constant 0 : i32
      %dma_start3A_60 = tpu.memref_slice %arg8[%mul3A_51, %dma_start3A_59] : memref<100x100xi32, #tpu.memory_space<vmem>> -> memref<1x100xi32, #tpu.memory_space<vmem>>
      %dma_start3A_61 = tpu.memref_squeeze %dma_start3A_60 : memref<1x100xi32, #tpu.memory_space<vmem>> -> memref<100xi32, #tpu.memory_space<vmem>>
      %dma_start3A_62 = arith.constant 0 : i32
      %dma_start3A_63 = arith.constant 0 : i32
      %dma_start3A_64 = tpu.memref_slice %arg4[%dma_start3A_62, %dma_start3A_63] : memref<10000x16xf32, #tpu.memory_space<hbm>> -> memref<10000x16xf32, #tpu.memory_space<hbm>>
      tpu.enqueue_indirect_dma source(%dma_start3A_64 : memref<10000x16xf32, #tpu.memory_space<hbm>>) target(%arg11 : memref<100x16xf32, #tpu.memory_space<vmem>>) offsets(%dma_start3A_61 : memref<100xi32, #tpu.memory_space<vmem>>) semaphore(%arg16 : memref<!tpu.dma_semaphore, #tpu.memory_space<semaphore_mem>>)
      %dma_start3A_65 = arith.constant 0 : i32
      %dma_start3A_66 = tpu.memref_slice %arg7[%add3A_53, %dma_start3A_65] : memref<100x100xi32, #tpu.memory_space<vmem>> -> memref<1x100xi32, #tpu.memory_space<vmem>>
      %dma_start3A_67 = tpu.memref_squeeze %dma_start3A_66 : memref<1x100xi32, #tpu.memory_space<vmem>> -> memref<100xi32, #tpu.memory_space<vmem>>
      %dma_start3A_68 = arith.constant 0 : i32
      %dma_start3A_69 = arith.constant 0 : i32
      %dma_start3A_70 = tpu.memref_slice %arg4[%dma_start3A_68, %dma_start3A_69] : memref<10000x16xf32, #tpu.memory_space<hbm>> -> memref<10000x16xf32, #tpu.memory_space<hbm>>
      tpu.enqueue_indirect_dma source(%dma_start3A_70 : memref<10000x16xf32, #tpu.memory_space<hbm>>) target(%arg10 : memref<100x16xf32, #tpu.memory_space<vmem>>) offsets(%dma_start3A_67 : memref<100xi32, #tpu.memory_space<vmem>>) semaphore(%arg17 : memref<!tpu.dma_semaphore, #tpu.memory_space<semaphore_mem>>)
      %dma_start3A_71 = arith.constant 0 : i32
      %dma_start3A_72 = tpu.memref_slice %arg8[%add3A_53, %dma_start3A_71] : memref<100x100xi32, #tpu.memory_space<vmem>> -> memref<1x100xi32, #tpu.memory_space<vmem>>
      %dma_start3A_73 = tpu.memref_squeeze %dma_start3A_72 : memref<1x100xi32, #tpu.memory_space<vmem>> -> memref<100xi32, #tpu.memory_space<vmem>>
      %dma_start3A_74 = arith.constant 0 : i32
      %dma_start3A_75 = arith.constant 0 : i32
      %dma_start3A_76 = tpu.memref_slice %arg4[%dma_start3A_74, %dma_start3A_75] : memref<10000x16xf32, #tpu.memory_space<hbm>> -> memref<10000x16xf32, #tpu.memory_space<hbm>>
      tpu.enqueue_indirect_dma source(%dma_start3A_76 : memref<10000x16xf32, #tpu.memory_space<hbm>>) target(%arg12 : memref<100x16xf32, #tpu.memory_space<vmem>>) offsets(%dma_start3A_73 : memref<100xi32, #tpu.memory_space<vmem>>) semaphore(%arg17 : memref<!tpu.dma_semaphore, #tpu.memory_space<semaphore_mem>>)
      %dma_wait3A = arith.constant 0 : i32
      %dma_wait3A_77 = tpu.memref_slice %arg7[%mul3A_51, %dma_wait3A] : memref<100x100xi32, #tpu.memory_space<vmem>> -> memref<1x100xi32, #tpu.memory_space<vmem>>
      %dma_wait3A_78 = tpu.memref_squeeze %dma_wait3A_77 : memref<1x100xi32, #tpu.memory_space<vmem>> -> memref<100xi32, #tpu.memory_space<vmem>>
      %dma_wait3A_79 = arith.constant 0 : i32
      %dma_wait3A_80 = arith.constant 0 : i32
      %dma_wait3A_81 = tpu.memref_slice %arg4[%dma_wait3A_79, %dma_wait3A_80] : memref<10000x16xf32, #tpu.memory_space<hbm>> -> memref<10000x16xf32, #tpu.memory_space<hbm>>
      tpu.wait_indirect_dma semaphore(%arg16 : memref<!tpu.dma_semaphore, #tpu.memory_space<semaphore_mem>>) src(%dma_wait3A_81 : memref<10000x16xf32, #tpu.memory_space<hbm>>) dst(%arg9 : memref<100x16xf32, #tpu.memory_space<vmem>>)
      %dma_wait3A_82 = arith.constant 0 : i32
      %dma_wait3A_83 = tpu.memref_slice %arg8[%mul3A_51, %dma_wait3A_82] : memref<100x100xi32, #tpu.memory_space<vmem>> -> memref<1x100xi32, #tpu.memory_space<vmem>>
      %dma_wait3A_84 = tpu.memref_squeeze %dma_wait3A_83 : memref<1x100xi32, #tpu.memory_space<vmem>> -> memref<100xi32, #tpu.memory_space<vmem>>
      %dma_wait3A_85 = arith.constant 0 : i32
      %dma_wait3A_86 = arith.constant 0 : i32
      %dma_wait3A_87 = tpu.memref_slice %arg4[%dma_wait3A_85, %dma_wait3A_86] : memref<10000x16xf32, #tpu.memory_space<hbm>> -> memref<10000x16xf32, #tpu.memory_space<hbm>>
      tpu.wait_indirect_dma semaphore(%arg16 : memref<!tpu.dma_semaphore, #tpu.memory_space<semaphore_mem>>) src(%dma_wait3A_87 : memref<10000x16xf32, #tpu.memory_space<hbm>>) dst(%arg11 : memref<100x16xf32, #tpu.memory_space<vmem>>)
      %parallel_loop3A_88 = arith.constant 0 : i32
      %parallel_loop3A_89 = arith.constant 50 : i32
      %parallel_loop3A_90 = arith.constant 1 : i32
      scf.for %parallel_loop3A_116 = %parallel_loop3A_88 to %parallel_loop3A_89 step %parallel_loop3A_90  : i32 {
        %parallel_loop3A_117 = arith.constant 2 : i32
        %parallel_loop3A_118 = arith.muli %parallel_loop3A_117, %parallel_loop3A_116 : i32
        %parallel_loop3A_119 = vector.broadcast %parallel_loop3A_118 : i32 to vector<16xi32>
        %parallel_loop3A_120 = arith.addi %parallel_loop3A_119, %select_n3A : vector<16xi32>
        %parallel_loop3A_121 = tpu.vector_load_idx %arg9[%parallel_loop3A_120, %and3A_6] : memref<100x16xf32, #tpu.memory_space<vmem>>[vector<16xi32>, vector<16xi32>], vector<16xf32>,
        %parallel_loop3A_122 = arith.constant 8 : i32
        %parallel_loop3A_123 = vector.broadcast %parallel_loop3A_122 : i32 to vector<16xi32>
        %parallel_loop3A_124 = arith.addi %and3A_6, %parallel_loop3A_123 : vector<16xi32>
        %parallel_loop3A_125 = tpu.vector_load_idx %arg11[%parallel_loop3A_120, %parallel_loop3A_124] : memref<100x16xf32, #tpu.memory_space<vmem>>[vector<16xi32>, vector<16xi32>], vector<16xf32>,
        %parallel_loop3A_126 = arith.addf %parallel_loop3A_121, %parallel_loop3A_125 : vector<16xf32>
        %parallel_loop3A_127 = arith.constant 0.000000e+00 : f32
        %parallel_loop3A_128 = vector.broadcast %parallel_loop3A_127 : f32 to vector<16xf32>
        %parallel_loop3A_129 = arith.cmpf ogt, %parallel_loop3A_126, %parallel_loop3A_128 : vector<16xf32>
        %parallel_loop3A_130 = arith.constant 2.000000e-01 : f32
        %parallel_loop3A_131 = vector.broadcast %parallel_loop3A_130 : f32 to vector<16xf32>
        %parallel_loop3A_132 = arith.mulf %parallel_loop3A_131, %parallel_loop3A_126 : vector<16xf32>
        %parallel_loop3A_133 = arith.select %parallel_loop3A_129, %parallel_loop3A_126, %parallel_loop3A_132 : vector<16xi1>, vector<16xf32>
        %parallel_loop3A_134 = math.exp %parallel_loop3A_133 : vector<16xf32>
        tpu.vector_store_idx %arg13[%parallel_loop3A_120, %and3A_6], %parallel_loop3A_134 : memref<100x8xf32, #tpu.memory_space<vmem>>[vector<16xi32>, vector<16xi32>], vector<16xf32>,
      } {sc.loop_unroll_factor = 2 : i64, sc.parallel_access}
      %mul3A_91 = arith.constant 10000 : i32
      %mul3A_92 = arith.muli %add3A, %mul3A_91 : i32
      %mul3A_93 = arith.constant 100 : i32
      %mul3A_94 = arith.muli %mul3A_51, %mul3A_93 : i32
      %add3A_95 = arith.addi %mul3A_92, %mul3A_94 : i32
      "tpu.region"() ({
        %run_scoped3A = tpu.sem_alloc : memref<!tpu.dma_semaphore, #tpu.memory_space<semaphore_mem>>
        %dma_start3A_116 = arith.constant 0 : i32
        %dma_start3A_117 = tpu.memref_slice %arg5[%add3A_95, %dma_start3A_116] : memref<320000x8xf32, #tpu.memory_space<hbm>> -> memref<100x8xf32, #tpu.memory_space<hbm>>
        %dma_start3A_118 = arith.constant 0 : i32
        %dma_start3A_119 = tpu.memref_slice %arg5[%add3A_95, %dma_start3A_118] : memref<320000x8xf32, #tpu.memory_space<hbm>> -> memref<100x8xf32, #tpu.memory_space<hbm>>
        tpu.enqueue_dma source(%arg13 : memref<100x8xf32, #tpu.memory_space<vmem>>) target(%dma_start3A_119 : memref<100x8xf32, #tpu.memory_space<hbm>>) target_semaphore(%run_scoped3A : memref<!tpu.dma_semaphore, #tpu.memory_space<semaphore_mem>>)
        %dma_wait3A_120 = arith.constant 0 : i32
        %dma_wait3A_121 = tpu.memref_slice %arg5[%add3A_95, %dma_wait3A_120] : memref<320000x8xf32, #tpu.memory_space<hbm>> -> memref<100x8xf32, #tpu.memory_space<hbm>>
        %dma_wait3A_122 = arith.constant 0 : i32
        %dma_wait3A_123 = tpu.memref_slice %arg5[%add3A_95, %dma_wait3A_122] : memref<320000x8xf32, #tpu.memory_space<hbm>> -> memref<100x8xf32, #tpu.memory_space<hbm>>
        tpu.wait_dma2 semaphore(%run_scoped3A : memref<!tpu.dma_semaphore, #tpu.memory_space<semaphore_mem>>) src(%arg13 : memref<100x8xf32, #tpu.memory_space<vmem>>) dst(%dma_wait3A_123 : memref<100x8xf32, #tpu.memory_space<hbm>>)
        tpu.yield
      }) : () -> ()
      "tpu.region"() ({
        %run_scoped3A = tpu.sem_alloc : memref<!tpu.dma_semaphore, #tpu.memory_space<semaphore_mem>>
        %dma_start3A_116 = arith.constant 0 : i32
        %dma_start3A_117 = tpu.memref_slice %arg8[%mul3A_51, %dma_start3A_116] : memref<100x100xi32, #tpu.memory_space<vmem>> -> memref<1x100xi32, #tpu.memory_space<vmem>>
        %dma_start3A_118 = tpu.memref_squeeze %dma_start3A_117 : memref<1x100xi32, #tpu.memory_space<vmem>> -> memref<100xi32, #tpu.memory_space<vmem>>
        %dma_start3A_119 = arith.constant 0 : i32
        %dma_start3A_120 = arith.constant 0 : i32
        %dma_start3A_121 = tpu.memref_slice %arg15[%dma_start3A_119, %dma_start3A_120] : memref<10240x8xf32, #tpu.memory_space<vmem_shared>> -> memref<10240x8xf32, #tpu.memory_space<vmem_shared>>
        tpu.enqueue_indirect_dma source(%arg13 : memref<100x8xf32, #tpu.memory_space<vmem>>) target(%dma_start3A_121 : memref<10240x8xf32, #tpu.memory_space<vmem_shared>>) offsets(%dma_start3A_118 : memref<100xi32, #tpu.memory_space<vmem>>) semaphore(%run_scoped3A : memref<!tpu.dma_semaphore, #tpu.memory_space<semaphore_mem>>) {add = true}
        %dma_wait3A_122 = arith.constant 0 : i32
        %dma_wait3A_123 = tpu.memref_slice %arg8[%mul3A_51, %dma_wait3A_122] : memref<100x100xi32, #tpu.memory_space<vmem>> -> memref<1x100xi32, #tpu.memory_space<vmem>>
        %dma_wait3A_124 = tpu.memref_squeeze %dma_wait3A_123 : memref<1x100xi32, #tpu.memory_space<vmem>> -> memref<100xi32, #tpu.memory_space<vmem>>
        %dma_wait3A_125 = arith.constant 0 : i32
        %dma_wait3A_126 = arith.constant 0 : i32
        %dma_wait3A_127 = tpu.memref_slice %arg15[%dma_wait3A_125, %dma_wait3A_126] : memref<10240x8xf32, #tpu.memory_space<vmem_shared>> -> memref<10240x8xf32, #tpu.memory_space<vmem_shared>>
        tpu.wait_indirect_dma semaphore(%run_scoped3A : memref<!tpu.dma_semaphore, #tpu.memory_space<semaphore_mem>>) src(%arg13 : memref<100x8xf32, #tpu.memory_space<vmem>>) dst(%dma_wait3A_127 : memref<10240x8xf32, #tpu.memory_space<vmem_shared>>)
        tpu.yield
      }) : () -> ()
      %dma_wait3A_96 = arith.constant 0 : i32
      %dma_wait3A_97 = tpu.memref_slice %arg7[%add3A_53, %dma_wait3A_96] : memref<100x100xi32, #tpu.memory_space<vmem>> -> memref<1x100xi32, #tpu.memory_space<vmem>>
      %dma_wait3A_98 = tpu.memref_squeeze %dma_wait3A_97 : memref<1x100xi32, #tpu.memory_space<vmem>> -> memref<100xi32, #tpu.memory_space<vmem>>
      %dma_wait3A_99 = arith.constant 0 : i32
      %dma_wait3A_100 = arith.constant 0 : i32
      %dma_wait3A_101 = tpu.memref_slice %arg4[%dma_wait3A_99, %dma_wait3A_100] : memref<10000x16xf32, #tpu.memory_space<hbm>> -> memref<10000x16xf32, #tpu.memory_space<hbm>>
      tpu.wait_indirect_dma semaphore(%arg17 : memref<!tpu.dma_semaphore, #tpu.memory_space<semaphore_mem>>) src(%dma_wait3A_101 : memref<10000x16xf32, #tpu.memory_space<hbm>>) dst(%arg10 : memref<100x16xf32, #tpu.memory_space<vmem>>)
      %dma_wait3A_102 = arith.constant 0 : i32
      %dma_wait3A_103 = tpu.memref_slice %arg8[%add3A_53, %dma_wait3A_102] : memref<100x100xi32, #tpu.memory_space<vmem>> -> memref<1x100xi32, #tpu.memory_space<vmem>>
      %dma_wait3A_104 = tpu.memref_squeeze %dma_wait3A_103 : memref<1x100xi32, #tpu.memory_space<vmem>> -> memref<100xi32, #tpu.memory_space<vmem>>
      %dma_wait3A_105 = arith.constant 0 : i32
      %dma_wait3A_106 = arith.constant 0 : i32
      %dma_wait3A_107 = tpu.memref_slice %arg4[%dma_wait3A_105, %dma_wait3A_106] : memref<10000x16xf32, #tpu.memory_space<hbm>> -> memref<10000x16xf32, #tpu.memory_space<hbm>>
      tpu.wait_indirect_dma semaphore(%arg17 : memref<!tpu.dma_semaphore, #tpu.memory_space<semaphore_mem>>) src(%dma_wait3A_107 : memref<10000x16xf32, #tpu.memory_space<hbm>>) dst(%arg12 : memref<100x16xf32, #tpu.memory_space<vmem>>)
      %parallel_loop3A_108 = arith.constant 0 : i32
      %parallel_loop3A_109 = arith.constant 50 : i32
      %parallel_loop3A_110 = arith.constant 1 : i32
      scf.for %parallel_loop3A_116 = %parallel_loop3A_108 to %parallel_loop3A_109 step %parallel_loop3A_110  : i32 {
        %parallel_loop3A_117 = arith.constant 2 : i32
        %parallel_loop3A_118 = arith.muli %parallel_loop3A_117, %parallel_loop3A_116 : i32
        %parallel_loop3A_119 = vector.broadcast %parallel_loop3A_118 : i32 to vector<16xi32>
        %parallel_loop3A_120 = arith.addi %parallel_loop3A_119, %select_n3A : vector<16xi32>
        %parallel_loop3A_121 = tpu.vector_load_idx %arg10[%parallel_loop3A_120, %and3A_6] : memref<100x16xf32, #tpu.memory_space<vmem>>[vector<16xi32>, vector<16xi32>], vector<16xf32>,
        %parallel_loop3A_122 = arith.constant 8 : i32
        %parallel_loop3A_123 = vector.broadcast %parallel_loop3A_122 : i32 to vector<16xi32>
        %parallel_loop3A_124 = arith.addi %and3A_6, %parallel_loop3A_123 : vector<16xi32>
        %parallel_loop3A_125 = tpu.vector_load_idx %arg12[%parallel_loop3A_120, %parallel_loop3A_124] : memref<100x16xf32, #tpu.memory_space<vmem>>[vector<16xi32>, vector<16xi32>], vector<16xf32>,
        %parallel_loop3A_126 = arith.addf %parallel_loop3A_121, %parallel_loop3A_125 : vector<16xf32>
        %parallel_loop3A_127 = arith.constant 0.000000e+00 : f32
        %parallel_loop3A_128 = vector.broadcast %parallel_loop3A_127 : f32 to vector<16xf32>
        %parallel_loop3A_129 = arith.cmpf ogt, %parallel_loop3A_126, %parallel_loop3A_128 : vector<16xf32>
        %parallel_loop3A_130 = arith.constant 2.000000e-01 : f32
        %parallel_loop3A_131 = vector.broadcast %parallel_loop3A_130 : f32 to vector<16xf32>
        %parallel_loop3A_132 = arith.mulf %parallel_loop3A_131, %parallel_loop3A_126 : vector<16xf32>
        %parallel_loop3A_133 = arith.select %parallel_loop3A_129, %parallel_loop3A_126, %parallel_loop3A_132 : vector<16xi1>, vector<16xf32>
        %parallel_loop3A_134 = math.exp %parallel_loop3A_133 : vector<16xf32>
        tpu.vector_store_idx %arg14[%parallel_loop3A_120, %and3A_6], %parallel_loop3A_134 : memref<100x8xf32, #tpu.memory_space<vmem>>[vector<16xi32>, vector<16xi32>], vector<16xf32>,
      } {sc.loop_unroll_factor = 2 : i64, sc.parallel_access}
      %mul3A_111 = arith.constant 10000 : i32
      %mul3A_112 = arith.muli %add3A, %mul3A_111 : i32
      %mul3A_113 = arith.constant 100 : i32
      %mul3A_114 = arith.muli %add3A_53, %mul3A_113 : i32
      %add3A_115 = arith.addi %mul3A_112, %mul3A_114 : i32
      "tpu.region"() ({
        %run_scoped3A = tpu.sem_alloc : memref<!tpu.dma_semaphore, #tpu.memory_space<semaphore_mem>>
        %dma_start3A_116 = arith.constant 0 : i32
        %dma_start3A_117 = tpu.memref_slice %arg5[%add3A_115, %dma_start3A_116] : memref<320000x8xf32, #tpu.memory_space<hbm>> -> memref<100x8xf32, #tpu.memory_space<hbm>>
        %dma_start3A_118 = arith.constant 0 : i32
        %dma_start3A_119 = tpu.memref_slice %arg5[%add3A_115, %dma_start3A_118] : memref<320000x8xf32, #tpu.memory_space<hbm>> -> memref<100x8xf32, #tpu.memory_space<hbm>>
        tpu.enqueue_dma source(%arg14 : memref<100x8xf32, #tpu.memory_space<vmem>>) target(%dma_start3A_119 : memref<100x8xf32, #tpu.memory_space<hbm>>) target_semaphore(%run_scoped3A : memref<!tpu.dma_semaphore, #tpu.memory_space<semaphore_mem>>)
        %dma_wait3A_120 = arith.constant 0 : i32
        %dma_wait3A_121 = tpu.memref_slice %arg5[%add3A_115, %dma_wait3A_120] : memref<320000x8xf32, #tpu.memory_space<hbm>> -> memref<100x8xf32, #tpu.memory_space<hbm>>
        %dma_wait3A_122 = arith.constant 0 : i32
        %dma_wait3A_123 = tpu.memref_slice %arg5[%add3A_115, %dma_wait3A_122] : memref<320000x8xf32, #tpu.memory_space<hbm>> -> memref<100x8xf32, #tpu.memory_space<hbm>>
        tpu.wait_dma2 semaphore(%run_scoped3A : memref<!tpu.dma_semaphore, #tpu.memory_space<semaphore_mem>>) src(%arg14 : memref<100x8xf32, #tpu.memory_space<vmem>>) dst(%dma_wait3A_123 : memref<100x8xf32, #tpu.memory_space<hbm>>)
        tpu.yield
      }) : () -> ()
      "tpu.region"() ({
        %run_scoped3A = tpu.sem_alloc : memref<!tpu.dma_semaphore, #tpu.memory_space<semaphore_mem>>
        %dma_start3A_116 = arith.constant 0 : i32
        %dma_start3A_117 = tpu.memref_slice %arg8[%add3A_53, %dma_start3A_116] : memref<100x100xi32, #tpu.memory_space<vmem>> -> memref<1x100xi32, #tpu.memory_space<vmem>>
        %dma_start3A_118 = tpu.memref_squeeze %dma_start3A_117 : memref<1x100xi32, #tpu.memory_space<vmem>> -> memref<100xi32, #tpu.memory_space<vmem>>
        %dma_start3A_119 = arith.constant 0 : i32
        %dma_start3A_120 = arith.constant 0 : i32
        %dma_start3A_121 = tpu.memref_slice %arg15[%dma_start3A_119, %dma_start3A_120] : memref<10240x8xf32, #tpu.memory_space<vmem_shared>> -> memref<10240x8xf32, #tpu.memory_space<vmem_shared>>
        tpu.enqueue_indirect_dma source(%arg14 : memref<100x8xf32, #tpu.memory_space<vmem>>) target(%dma_start3A_121 : memref<10240x8xf32, #tpu.memory_space<vmem_shared>>) offsets(%dma_start3A_118 : memref<100xi32, #tpu.memory_space<vmem>>) semaphore(%run_scoped3A : memref<!tpu.dma_semaphore, #tpu.memory_space<semaphore_mem>>) {add = true}
        %dma_wait3A_122 = arith.constant 0 : i32
        %dma_wait3A_123 = tpu.memref_slice %arg8[%add3A_53, %dma_wait3A_122] : memref<100x100xi32, #tpu.memory_space<vmem>> -> memref<1x100xi32, #tpu.memory_space<vmem>>
        %dma_wait3A_124 = tpu.memref_squeeze %dma_wait3A_123 : memref<1x100xi32, #tpu.memory_space<vmem>> -> memref<100xi32, #tpu.memory_space<vmem>>
        %dma_wait3A_125 = arith.constant 0 : i32
        %dma_wait3A_126 = arith.constant 0 : i32
        %dma_wait3A_127 = tpu.memref_slice %arg15[%dma_wait3A_125, %dma_wait3A_126] : memref<10240x8xf32, #tpu.memory_space<vmem_shared>> -> memref<10240x8xf32, #tpu.memory_space<vmem_shared>>
        tpu.wait_indirect_dma semaphore(%run_scoped3A : memref<!tpu.dma_semaphore, #tpu.memory_space<semaphore_mem>>) src(%arg14 : memref<100x8xf32, #tpu.memory_space<vmem>>) dst(%dma_wait3A_127 : memref<10240x8xf32, #tpu.memory_space<vmem_shared>>)
        tpu.yield
      }) : () -> ()
    }
    %scan3A_43 = arith.constant 50 : i32
    %barrier3A_44 = arith.constant 0 : index
    tpu.barrier barrier_id(%barrier3A_44)
    %mul3A_45 = arith.constant 640 : i32
    %mul3A_46 = arith.muli %arg1, %mul3A_45 : i32
    %mul3A_47 = arith.constant 640 : i32
    %mul3A_48 = arith.muli %arg1, %mul3A_47 : i32
    "tpu.region"() ({
      %run_scoped3A = tpu.sem_alloc : memref<!tpu.dma_semaphore, #tpu.memory_space<semaphore_mem>>
      %dma_start3A = arith.constant 0 : i32
      %dma_start3A_49 = tpu.memref_slice %arg6[%arg0, %mul3A_48, %dma_start3A] : memref<2x10240x8xf32, #tpu.memory_space<hbm>> -> memref<1x640x8xf32, #tpu.memory_space<hbm>>
      %dma_start3A_50 = tpu.memref_squeeze %dma_start3A_49 : memref<1x640x8xf32, #tpu.memory_space<hbm>> -> memref<640x8xf32, #tpu.memory_space<hbm>>
      %dma_start3A_51 = arith.constant 0 : i32
      %dma_start3A_52 = tpu.memref_slice %arg15[%mul3A_46, %dma_start3A_51] : memref<10240x8xf32, #tpu.memory_space<vmem_shared>> -> memref<640x8xf32, #tpu.memory_space<vmem_shared>>
      tpu.enqueue_dma source(%dma_start3A_52 : memref<640x8xf32, #tpu.memory_space<vmem_shared>>) target(%dma_start3A_50 : memref<640x8xf32, #tpu.memory_space<hbm>>) target_semaphore(%run_scoped3A : memref<!tpu.dma_semaphore, #tpu.memory_space<semaphore_mem>>)
      %dma_wait3A = arith.constant 0 : i32
      %dma_wait3A_53 = tpu.memref_slice %arg6[%arg0, %mul3A_48, %dma_wait3A] : memref<2x10240x8xf32, #tpu.memory_space<hbm>> -> memref<1x640x8xf32, #tpu.memory_space<hbm>>
      %dma_wait3A_54 = tpu.memref_squeeze %dma_wait3A_53 : memref<1x640x8xf32, #tpu.memory_space<hbm>> -> memref<640x8xf32, #tpu.memory_space<hbm>>
      %dma_wait3A_55 = arith.constant 0 : i32
      %dma_wait3A_56 = tpu.memref_slice %arg15[%mul3A_46, %dma_wait3A_55] : memref<10240x8xf32, #tpu.memory_space<vmem_shared>> -> memref<640x8xf32, #tpu.memory_space<vmem_shared>>
      tpu.wait_dma2 semaphore(%run_scoped3A : memref<!tpu.dma_semaphore, #tpu.memory_space<semaphore_mem>>) src(%dma_wait3A_56 : memref<640x8xf32, #tpu.memory_space<vmem_shared>>) dst(%dma_wait3A_54 : memref<640x8xf32, #tpu.memory_space<hbm>>)
      tpu.yield
    }) : () -> ()
    return
  }
}

#map = affine_map<(d0, d1) -> (0, 0)>
#map1 = affine_map<(d0, d1) -> (0)>
module attributes {stable_mosaic.version = 14 : i64} {
  func.func @k(%arg0: i32, %arg1: i32, %arg2: memref<2x81920xf32, #tpu.memory_space<hbm>>, %arg3: memref<81920xf32, #tpu.memory_space<hbm>>, %arg4: memref<2560xf32, #tpu.memory_space<vmem>>, %arg5: memref<2560xf32, #tpu.memory_space<vmem>>, %arg6: memref<2560xf32, #tpu.memory_space<vmem>>) attributes {dimension_semantics = [#tpu.dimension_semantics<core_parallel>, #tpu.dimension_semantics<subcore_parallel>], iteration_bounds = array<i64: 2, 16>, scalar_prefetch = 0 : i64, scratch_operands = 3 : i64, tpu.core_type = #tpu.core_type<sc_vector_subcore>, window_params = [{transform_indices = #map}, {transform_indices = #map1}]} {
    %mul3A = arith.constant 16 : i32
    %mul3A_0 = arith.muli %arg0, %mul3A : i32
    %add3A = arith.addi %mul3A_0, %arg1 : i32
    %mul3A_1 = arith.constant 2560 : i32
    %mul3A_2 = arith.muli %add3A, %mul3A_1 : i32
    %run_scoped3A = arith.constant 0 : i32
    "tpu.region"() ({
      %run_scoped3A_9 = tpu.sem_alloc : memref<!tpu.dma_semaphore, #tpu.memory_space<semaphore_mem>>
      %dma_start3A = tpu.memref_slice %arg2[%run_scoped3A, %mul3A_2] : memref<2x81920xf32, #tpu.memory_space<hbm>> -> memref<1x2560xf32, #tpu.memory_space<hbm>>
      %dma_start3A_10 = tpu.memref_squeeze %dma_start3A : memref<1x2560xf32, #tpu.memory_space<hbm>> -> memref<2560xf32, #tpu.memory_space<hbm>>
      %dma_start3A_11 = tpu.memref_slice %arg2[%run_scoped3A, %mul3A_2] : memref<2x81920xf32, #tpu.memory_space<hbm>> -> memref<1x2560xf32, #tpu.memory_space<hbm>>
      %dma_start3A_12 = tpu.memref_squeeze %dma_start3A_11 : memref<1x2560xf32, #tpu.memory_space<hbm>> -> memref<2560xf32, #tpu.memory_space<hbm>>
      tpu.enqueue_dma source(%dma_start3A_12 : memref<2560xf32, #tpu.memory_space<hbm>>) target(%arg4 : memref<2560xf32, #tpu.memory_space<vmem>>) target_semaphore(%run_scoped3A_9 : memref<!tpu.dma_semaphore, #tpu.memory_space<semaphore_mem>>)
      %dma_wait3A = tpu.memref_slice %arg2[%run_scoped3A, %mul3A_2] : memref<2x81920xf32, #tpu.memory_space<hbm>> -> memref<1x2560xf32, #tpu.memory_space<hbm>>
      %dma_wait3A_13 = tpu.memref_squeeze %dma_wait3A : memref<1x2560xf32, #tpu.memory_space<hbm>> -> memref<2560xf32, #tpu.memory_space<hbm>>
      %dma_wait3A_14 = tpu.memref_slice %arg2[%run_scoped3A, %mul3A_2] : memref<2x81920xf32, #tpu.memory_space<hbm>> -> memref<1x2560xf32, #tpu.memory_space<hbm>>
      %dma_wait3A_15 = tpu.memref_squeeze %dma_wait3A_14 : memref<1x2560xf32, #tpu.memory_space<hbm>> -> memref<2560xf32, #tpu.memory_space<hbm>>
      tpu.wait_dma2 semaphore(%run_scoped3A_9 : memref<!tpu.dma_semaphore, #tpu.memory_space<semaphore_mem>>) src(%dma_wait3A_15 : memref<2560xf32, #tpu.memory_space<hbm>>) dst(%arg4 : memref<2560xf32, #tpu.memory_space<vmem>>)
      tpu.yield
    }) : () -> ()
    %run_scoped3A_3 = arith.constant 1 : i32
    "tpu.region"() ({
      %run_scoped3A_9 = tpu.sem_alloc : memref<!tpu.dma_semaphore, #tpu.memory_space<semaphore_mem>>
      %dma_start3A = tpu.memref_slice %arg2[%run_scoped3A_3, %mul3A_2] : memref<2x81920xf32, #tpu.memory_space<hbm>> -> memref<1x2560xf32, #tpu.memory_space<hbm>>
      %dma_start3A_10 = tpu.memref_squeeze %dma_start3A : memref<1x2560xf32, #tpu.memory_space<hbm>> -> memref<2560xf32, #tpu.memory_space<hbm>>
      %dma_start3A_11 = tpu.memref_slice %arg2[%run_scoped3A_3, %mul3A_2] : memref<2x81920xf32, #tpu.memory_space<hbm>> -> memref<1x2560xf32, #tpu.memory_space<hbm>>
      %dma_start3A_12 = tpu.memref_squeeze %dma_start3A_11 : memref<1x2560xf32, #tpu.memory_space<hbm>> -> memref<2560xf32, #tpu.memory_space<hbm>>
      tpu.enqueue_dma source(%dma_start3A_12 : memref<2560xf32, #tpu.memory_space<hbm>>) target(%arg5 : memref<2560xf32, #tpu.memory_space<vmem>>) target_semaphore(%run_scoped3A_9 : memref<!tpu.dma_semaphore, #tpu.memory_space<semaphore_mem>>)
      %dma_wait3A = tpu.memref_slice %arg2[%run_scoped3A_3, %mul3A_2] : memref<2x81920xf32, #tpu.memory_space<hbm>> -> memref<1x2560xf32, #tpu.memory_space<hbm>>
      %dma_wait3A_13 = tpu.memref_squeeze %dma_wait3A : memref<1x2560xf32, #tpu.memory_space<hbm>> -> memref<2560xf32, #tpu.memory_space<hbm>>
      %dma_wait3A_14 = tpu.memref_slice %arg2[%run_scoped3A_3, %mul3A_2] : memref<2x81920xf32, #tpu.memory_space<hbm>> -> memref<1x2560xf32, #tpu.memory_space<hbm>>
      %dma_wait3A_15 = tpu.memref_squeeze %dma_wait3A_14 : memref<1x2560xf32, #tpu.memory_space<hbm>> -> memref<2560xf32, #tpu.memory_space<hbm>>
      tpu.wait_dma2 semaphore(%run_scoped3A_9 : memref<!tpu.dma_semaphore, #tpu.memory_space<semaphore_mem>>) src(%dma_wait3A_15 : memref<2560xf32, #tpu.memory_space<hbm>>) dst(%arg5 : memref<2560xf32, #tpu.memory_space<vmem>>)
      tpu.yield
    }) : () -> ()
    %scan3A = arith.constant 0 : i32
    %scan3A_4 = arith.constant 0 : i32
    %scan3A_5 = arith.constant 160 : i32
    %scan3A_6 = arith.addi %scan3A_4, %scan3A_5 : i32
    %scan3A_7 = arith.constant 1 : i32
    scf.for %scan3A_9 = %scan3A_4 to %scan3A_6 step %scan3A_7  : i32 {
      %mul3A_10 = arith.constant 16 : i32
      %mul3A_11 = arith.muli %scan3A_9, %mul3A_10 : i32
      %get3A = arith.index_cast %mul3A_11 : i32 to index
      %get3A_12 = tpu.vector_load %arg4[%get3A] {strides = array<i32>} : memref<2560xf32, #tpu.memory_space<vmem>>, vector<16xf32>,
      %mul3A_13 = arith.constant 16 : i32
      %mul3A_14 = arith.muli %scan3A_9, %mul3A_13 : i32
      %get3A_15 = arith.index_cast %mul3A_14 : i32 to index
      %get3A_16 = tpu.vector_load %arg5[%get3A_15] {strides = array<i32>} : memref<2560xf32, #tpu.memory_space<vmem>>, vector<16xf32>,
      %add3A_17 = arith.addf %get3A_12, %get3A_16 : vector<16xf32>
      %div3A = arith.constant 1.000000e+00 : f32
      %div3A_18 = vector.broadcast %div3A : f32 to vector<16xf32>
      %div3A_19 = arith.divf %div3A_18, %add3A_17 : vector<16xf32>
      %mul3A_20 = arith.constant 16 : i32
      %mul3A_21 = arith.muli %scan3A_9, %mul3A_20 : i32
      %swap3A = arith.index_cast %mul3A_21 : i32 to index
      %swap3A_22 = tpu.vector_load %arg6[%swap3A] {strides = array<i32>} : memref<2560xf32, #tpu.memory_space<vmem>>, vector<16xf32>,
      tpu.vector_store %arg6[%swap3A], %div3A_19 {strides = array<i32>} : memref<2560xf32, #tpu.memory_space<vmem>>, vector<16xf32>,
    }
    %scan3A_8 = arith.constant 160 : i32
    "tpu.region"() ({
      %run_scoped3A_9 = tpu.sem_alloc : memref<!tpu.dma_semaphore, #tpu.memory_space<semaphore_mem>>
      %dma_start3A = tpu.memref_slice %arg3[%mul3A_2] : memref<81920xf32, #tpu.memory_space<hbm>> -> memref<2560xf32, #tpu.memory_space<hbm>>
      %dma_start3A_10 = tpu.memref_slice %arg3[%mul3A_2] : memref<81920xf32, #tpu.memory_space<hbm>> -> memref<2560xf32, #tpu.memory_space<hbm>>
      tpu.enqueue_dma source(%arg6 : memref<2560xf32, #tpu.memory_space<vmem>>) target(%dma_start3A_10 : memref<2560xf32, #tpu.memory_space<hbm>>) target_semaphore(%run_scoped3A_9 : memref<!tpu.dma_semaphore, #tpu.memory_space<semaphore_mem>>)
      %dma_wait3A = tpu.memref_slice %arg3[%mul3A_2] : memref<81920xf32, #tpu.memory_space<hbm>> -> memref<2560xf32, #tpu.memory_space<hbm>>
      %dma_wait3A_11 = tpu.memref_slice %arg3[%mul3A_2] : memref<81920xf32, #tpu.memory_space<hbm>> -> memref<2560xf32, #tpu.memory_space<hbm>>
      tpu.wait_dma2 semaphore(%run_scoped3A_9 : memref<!tpu.dma_semaphore, #tpu.memory_space<semaphore_mem>>) src(%arg6 : memref<2560xf32, #tpu.memory_space<vmem>>) dst(%dma_wait3A_11 : memref<2560xf32, #tpu.memory_space<hbm>>)
      tpu.yield
    }) : () -> ()
    return
  }
}

#map = affine_map<(d0, d1) -> (0, 0, 0)>
#map1 = affine_map<(d0, d1) -> (0, 0)>
module attributes {stable_mosaic.version = 14 : i64} {
  func.func @k(%arg0: i32, %arg1: i32, %arg2: memref<32x100x100xi32, #tpu.memory_space<hbm>>, %arg3: memref<32x100x100xi32, #tpu.memory_space<hbm>>, %arg4: memref<320000x8xf32, #tpu.memory_space<hbm>>, %arg5: memref<10240x8xf32, #tpu.memory_space<hbm>>, %arg6: memref<10000x128xf32, #tpu.memory_space<hbm>>, %arg7: memref<320000x8xf32, #tpu.memory_space<hbm>>, %arg8: memref<2x10000x128xf32, #tpu.memory_space<hbm>>, %arg9: memref<100x100xi32, #tpu.memory_space<vmem>>, %arg10: memref<100x100xi32, #tpu.memory_space<vmem>>, %arg11: memref<100x8xf32, #tpu.memory_space<vmem>>, %arg12: memref<100x8xf32, #tpu.memory_space<vmem>>, %arg13: memref<100x8xf32, #tpu.memory_space<vmem>>, %arg14: memref<100x8xf32, #tpu.memory_space<vmem>>, %arg15: memref<100x128xf32, #tpu.memory_space<vmem>>, %arg16: memref<100x128xf32, #tpu.memory_space<vmem>>, %arg17: memref<10000x128xf32, #tpu.memory_space<vmem_shared>>, %arg18: memref<!tpu.dma_semaphore, #tpu.memory_space<semaphore_mem>>, %arg19: memref<!tpu.dma_semaphore, #tpu.memory_space<semaphore_mem>>) attributes {dimension_semantics = [#tpu.dimension_semantics<core_parallel>, #tpu.dimension_semantics<subcore_parallel>], iteration_bounds = array<i64: 2, 16>, scalar_prefetch = 0 : i64, scratch_operands = 11 : i64, tpu.core_type = #tpu.core_type<sc_vector_subcore>, window_params = [{transform_indices = #map}, {transform_indices = #map}, {transform_indices = #map1}, {transform_indices = #map1}, {transform_indices = #map1}, {transform_indices = #map1}, {transform_indices = #map}]} {
    %mul3A = arith.constant 16 : i32
    %mul3A_0 = arith.muli %arg0, %mul3A : i32
    %add3A = arith.addi %mul3A_0, %arg1 : i32
    %broadcast_in_dim3A = arith.constant 0.000000e+00 : f32
    %broadcast_in_dim3A_1 = vector.broadcast %broadcast_in_dim3A : f32 to vector<16xf32>
    %parallel_loop3A = arith.constant 0 : i32
    %parallel_loop3A_2 = arith.constant 100 : i32
    %parallel_loop3A_3 = arith.constant 1 : i32
    scf.for %parallel_loop3A_49 = %parallel_loop3A to %parallel_loop3A_2 step %parallel_loop3A_3  : i32 {
      %parallel_loop3A_50 = arith.index_cast %parallel_loop3A_49 : i32 to index
      %parallel_loop3A_51 = arith.constant 0 : index
      %parallel_loop3A_52 = tpu.vector_load %arg15[%parallel_loop3A_50, %parallel_loop3A_51] {strides = array<i32>} : memref<100x128xf32, #tpu.memory_space<vmem>>, vector<16xf32>,
      tpu.vector_store %arg15[%parallel_loop3A_50, %parallel_loop3A_51], %broadcast_in_dim3A_1 {strides = array<i32>} : memref<100x128xf32, #tpu.memory_space<vmem>>, vector<16xf32>,
      %parallel_loop3A_53 = arith.index_cast %parallel_loop3A_49 : i32 to index
      %parallel_loop3A_54 = arith.constant 16 : index
      %parallel_loop3A_55 = tpu.vector_load %arg15[%parallel_loop3A_53, %parallel_loop3A_54] {strides = array<i32>} : memref<100x128xf32, #tpu.memory_space<vmem>>, vector<16xf32>,
      tpu.vector_store %arg15[%parallel_loop3A_53, %parallel_loop3A_54], %broadcast_in_dim3A_1 {strides = array<i32>} : memref<100x128xf32, #tpu.memory_space<vmem>>, vector<16xf32>,
      %parallel_loop3A_56 = arith.index_cast %parallel_loop3A_49 : i32 to index
      %parallel_loop3A_57 = arith.constant 32 : index
      %parallel_loop3A_58 = tpu.vector_load %arg15[%parallel_loop3A_56, %parallel_loop3A_57] {strides = array<i32>} : memref<100x128xf32, #tpu.memory_space<vmem>>, vector<16xf32>,
      tpu.vector_store %arg15[%parallel_loop3A_56, %parallel_loop3A_57], %broadcast_in_dim3A_1 {strides = array<i32>} : memref<100x128xf32, #tpu.memory_space<vmem>>, vector<16xf32>,
      %parallel_loop3A_59 = arith.index_cast %parallel_loop3A_49 : i32 to index
      %parallel_loop3A_60 = arith.constant 48 : index
      %parallel_loop3A_61 = tpu.vector_load %arg15[%parallel_loop3A_59, %parallel_loop3A_60] {strides = array<i32>} : memref<100x128xf32, #tpu.memory_space<vmem>>, vector<16xf32>,
      tpu.vector_store %arg15[%parallel_loop3A_59, %parallel_loop3A_60], %broadcast_in_dim3A_1 {strides = array<i32>} : memref<100x128xf32, #tpu.memory_space<vmem>>, vector<16xf32>,
      %parallel_loop3A_62 = arith.index_cast %parallel_loop3A_49 : i32 to index
      %parallel_loop3A_63 = arith.constant 64 : index
      %parallel_loop3A_64 = tpu.vector_load %arg15[%parallel_loop3A_62, %parallel_loop3A_63] {strides = array<i32>} : memref<100x128xf32, #tpu.memory_space<vmem>>, vector<16xf32>,
      tpu.vector_store %arg15[%parallel_loop3A_62, %parallel_loop3A_63], %broadcast_in_dim3A_1 {strides = array<i32>} : memref<100x128xf32, #tpu.memory_space<vmem>>, vector<16xf32>,
      %parallel_loop3A_65 = arith.index_cast %parallel_loop3A_49 : i32 to index
      %parallel_loop3A_66 = arith.constant 80 : index
      %parallel_loop3A_67 = tpu.vector_load %arg15[%parallel_loop3A_65, %parallel_loop3A_66] {strides = array<i32>} : memref<100x128xf32, #tpu.memory_space<vmem>>, vector<16xf32>,
      tpu.vector_store %arg15[%parallel_loop3A_65, %parallel_loop3A_66], %broadcast_in_dim3A_1 {strides = array<i32>} : memref<100x128xf32, #tpu.memory_space<vmem>>, vector<16xf32>,
      %parallel_loop3A_68 = arith.index_cast %parallel_loop3A_49 : i32 to index
      %parallel_loop3A_69 = arith.constant 96 : index
      %parallel_loop3A_70 = tpu.vector_load %arg15[%parallel_loop3A_68, %parallel_loop3A_69] {strides = array<i32>} : memref<100x128xf32, #tpu.memory_space<vmem>>, vector<16xf32>,
      tpu.vector_store %arg15[%parallel_loop3A_68, %parallel_loop3A_69], %broadcast_in_dim3A_1 {strides = array<i32>} : memref<100x128xf32, #tpu.memory_space<vmem>>, vector<16xf32>,
      %parallel_loop3A_71 = arith.index_cast %parallel_loop3A_49 : i32 to index
      %parallel_loop3A_72 = arith.constant 112 : index
      %parallel_loop3A_73 = tpu.vector_load %arg15[%parallel_loop3A_71, %parallel_loop3A_72] {strides = array<i32>} : memref<100x128xf32, #tpu.memory_space<vmem>>, vector<16xf32>,
      tpu.vector_store %arg15[%parallel_loop3A_71, %parallel_loop3A_72], %broadcast_in_dim3A_1 {strides = array<i32>} : memref<100x128xf32, #tpu.memory_space<vmem>>, vector<16xf32>,
    } {sc.loop_unroll_factor = 1 : i64, sc.parallel_access}
    %mul3A_4 = arith.constant 625 : i32
    %mul3A_5 = arith.muli %arg1, %mul3A_4 : i32
    %add3A_6 = arith.constant 0 : i32
    %add3A_7 = arith.addi %mul3A_5, %add3A_6 : i32
    "tpu.region"() ({
      %run_scoped3A = tpu.sem_alloc : memref<!tpu.dma_semaphore, #tpu.memory_space<semaphore_mem>>
      %dma_start3A = arith.constant 0 : i32
      %dma_start3A_49 = tpu.memref_slice %arg17[%add3A_7, %dma_start3A] : memref<10000x128xf32, #tpu.memory_space<vmem_shared>> -> memref<100x128xf32, #tpu.memory_space<vmem_shared>>
      %dma_start3A_50 = arith.constant 0 : i32
      %dma_start3A_51 = tpu.memref_slice %arg17[%add3A_7, %dma_start3A_50] : memref<10000x128xf32, #tpu.memory_space<vmem_shared>> -> memref<100x128xf32, #tpu.memory_space<vmem_shared>>
      tpu.enqueue_dma source(%arg15 : memref<100x128xf32, #tpu.memory_space<vmem>>) target(%dma_start3A_51 : memref<100x128xf32, #tpu.memory_space<vmem_shared>>) target_semaphore(%run_scoped3A : memref<!tpu.dma_semaphore, #tpu.memory_space<semaphore_mem>>)
      %dma_wait3A = arith.constant 0 : i32
      %dma_wait3A_52 = tpu.memref_slice %arg17[%add3A_7, %dma_wait3A] : memref<10000x128xf32, #tpu.memory_space<vmem_shared>> -> memref<100x128xf32, #tpu.memory_space<vmem_shared>>
      %dma_wait3A_53 = arith.constant 0 : i32
      %dma_wait3A_54 = tpu.memref_slice %arg17[%add3A_7, %dma_wait3A_53] : memref<10000x128xf32, #tpu.memory_space<vmem_shared>> -> memref<100x128xf32, #tpu.memory_space<vmem_shared>>
      tpu.wait_dma2 semaphore(%run_scoped3A : memref<!tpu.dma_semaphore, #tpu.memory_space<semaphore_mem>>) src(%arg15 : memref<100x128xf32, #tpu.memory_space<vmem>>) dst(%dma_wait3A_54 : memref<100x128xf32, #tpu.memory_space<vmem_shared>>)
      tpu.yield
    }) : () -> ()
    %mul3A_8 = arith.constant 625 : i32
    %mul3A_9 = arith.muli %arg1, %mul3A_8 : i32
    %add3A_10 = arith.constant 100 : i32
    %add3A_11 = arith.addi %mul3A_9, %add3A_10 : i32
    "tpu.region"() ({
      %run_scoped3A = tpu.sem_alloc : memref<!tpu.dma_semaphore, #tpu.memory_space<semaphore_mem>>
      %dma_start3A = arith.constant 0 : i32
      %dma_start3A_49 = tpu.memref_slice %arg17[%add3A_11, %dma_start3A] : memref<10000x128xf32, #tpu.memory_space<vmem_shared>> -> memref<100x128xf32, #tpu.memory_space<vmem_shared>>
      %dma_start3A_50 = arith.constant 0 : i32
      %dma_start3A_51 = tpu.memref_slice %arg17[%add3A_11, %dma_start3A_50] : memref<10000x128xf32, #tpu.memory_space<vmem_shared>> -> memref<100x128xf32, #tpu.memory_space<vmem_shared>>
      tpu.enqueue_dma source(%arg15 : memref<100x128xf32, #tpu.memory_space<vmem>>) target(%dma_start3A_51 : memref<100x128xf32, #tpu.memory_space<vmem_shared>>) target_semaphore(%run_scoped3A : memref<!tpu.dma_semaphore, #tpu.memory_space<semaphore_mem>>)
      %dma_wait3A = arith.constant 0 : i32
      %dma_wait3A_52 = tpu.memref_slice %arg17[%add3A_11, %dma_wait3A] : memref<10000x128xf32, #tpu.memory_space<vmem_shared>> -> memref<100x128xf32, #tpu.memory_space<vmem_shared>>
      %dma_wait3A_53 = arith.constant 0 : i32
      %dma_wait3A_54 = tpu.memref_slice %arg17[%add3A_11, %dma_wait3A_53] : memref<10000x128xf32, #tpu.memory_space<vmem_shared>> -> memref<100x128xf32, #tpu.memory_space<vmem_shared>>
      tpu.wait_dma2 semaphore(%run_scoped3A : memref<!tpu.dma_semaphore, #tpu.memory_space<semaphore_mem>>) src(%arg15 : memref<100x128xf32, #tpu.memory_space<vmem>>) dst(%dma_wait3A_54 : memref<100x128xf32, #tpu.memory_space<vmem_shared>>)
      tpu.yield
    }) : () -> ()
    %mul3A_12 = arith.constant 625 : i32
    %mul3A_13 = arith.muli %arg1, %mul3A_12 : i32
    %add3A_14 = arith.constant 200 : i32
    %add3A_15 = arith.addi %mul3A_13, %add3A_14 : i32
    "tpu.region"() ({
      %run_scoped3A = tpu.sem_alloc : memref<!tpu.dma_semaphore, #tpu.memory_space<semaphore_mem>>
      %dma_start3A = arith.constant 0 : i32
      %dma_start3A_49 = tpu.memref_slice %arg17[%add3A_15, %dma_start3A] : memref<10000x128xf32, #tpu.memory_space<vmem_shared>> -> memref<100x128xf32, #tpu.memory_space<vmem_shared>>
      %dma_start3A_50 = arith.constant 0 : i32
      %dma_start3A_51 = tpu.memref_slice %arg17[%add3A_15, %dma_start3A_50] : memref<10000x128xf32, #tpu.memory_space<vmem_shared>> -> memref<100x128xf32, #tpu.memory_space<vmem_shared>>
      tpu.enqueue_dma source(%arg15 : memref<100x128xf32, #tpu.memory_space<vmem>>) target(%dma_start3A_51 : memref<100x128xf32, #tpu.memory_space<vmem_shared>>) target_semaphore(%run_scoped3A : memref<!tpu.dma_semaphore, #tpu.memory_space<semaphore_mem>>)
      %dma_wait3A = arith.constant 0 : i32
      %dma_wait3A_52 = tpu.memref_slice %arg17[%add3A_15, %dma_wait3A] : memref<10000x128xf32, #tpu.memory_space<vmem_shared>> -> memref<100x128xf32, #tpu.memory_space<vmem_shared>>
      %dma_wait3A_53 = arith.constant 0 : i32
      %dma_wait3A_54 = tpu.memref_slice %arg17[%add3A_15, %dma_wait3A_53] : memref<10000x128xf32, #tpu.memory_space<vmem_shared>> -> memref<100x128xf32, #tpu.memory_space<vmem_shared>>
      tpu.wait_dma2 semaphore(%run_scoped3A : memref<!tpu.dma_semaphore, #tpu.memory_space<semaphore_mem>>) src(%arg15 : memref<100x128xf32, #tpu.memory_space<vmem>>) dst(%dma_wait3A_54 : memref<100x128xf32, #tpu.memory_space<vmem_shared>>)
      tpu.yield
    }) : () -> ()
    %mul3A_16 = arith.constant 625 : i32
    %mul3A_17 = arith.muli %arg1, %mul3A_16 : i32
    %add3A_18 = arith.constant 300 : i32
    %add3A_19 = arith.addi %mul3A_17, %add3A_18 : i32
    "tpu.region"() ({
      %run_scoped3A = tpu.sem_alloc : memref<!tpu.dma_semaphore, #tpu.memory_space<semaphore_mem>>
      %dma_start3A = arith.constant 0 : i32
      %dma_start3A_49 = tpu.memref_slice %arg17[%add3A_19, %dma_start3A] : memref<10000x128xf32, #tpu.memory_space<vmem_shared>> -> memref<100x128xf32, #tpu.memory_space<vmem_shared>>
      %dma_start3A_50 = arith.constant 0 : i32
      %dma_start3A_51 = tpu.memref_slice %arg17[%add3A_19, %dma_start3A_50] : memref<10000x128xf32, #tpu.memory_space<vmem_shared>> -> memref<100x128xf32, #tpu.memory_space<vmem_shared>>
      tpu.enqueue_dma source(%arg15 : memref<100x128xf32, #tpu.memory_space<vmem>>) target(%dma_start3A_51 : memref<100x128xf32, #tpu.memory_space<vmem_shared>>) target_semaphore(%run_scoped3A : memref<!tpu.dma_semaphore, #tpu.memory_space<semaphore_mem>>)
      %dma_wait3A = arith.constant 0 : i32
      %dma_wait3A_52 = tpu.memref_slice %arg17[%add3A_19, %dma_wait3A] : memref<10000x128xf32, #tpu.memory_space<vmem_shared>> -> memref<100x128xf32, #tpu.memory_space<vmem_shared>>
      %dma_wait3A_53 = arith.constant 0 : i32
      %dma_wait3A_54 = tpu.memref_slice %arg17[%add3A_19, %dma_wait3A_53] : memref<10000x128xf32, #tpu.memory_space<vmem_shared>> -> memref<100x128xf32, #tpu.memory_space<vmem_shared>>
      tpu.wait_dma2 semaphore(%run_scoped3A : memref<!tpu.dma_semaphore, #tpu.memory_space<semaphore_mem>>) src(%arg15 : memref<100x128xf32, #tpu.memory_space<vmem>>) dst(%dma_wait3A_54 : memref<100x128xf32, #tpu.memory_space<vmem_shared>>)
      tpu.yield
    }) : () -> ()
    %mul3A_20 = arith.constant 625 : i32
    %mul3A_21 = arith.muli %arg1, %mul3A_20 : i32
    %add3A_22 = arith.constant 400 : i32
    %add3A_23 = arith.addi %mul3A_21, %add3A_22 : i32
    "tpu.region"() ({
      %run_scoped3A = tpu.sem_alloc : memref<!tpu.dma_semaphore, #tpu.memory_space<semaphore_mem>>
      %dma_start3A = arith.constant 0 : i32
      %dma_start3A_49 = tpu.memref_slice %arg17[%add3A_23, %dma_start3A] : memref<10000x128xf32, #tpu.memory_space<vmem_shared>> -> memref<100x128xf32, #tpu.memory_space<vmem_shared>>
      %dma_start3A_50 = arith.constant 0 : i32
      %dma_start3A_51 = tpu.memref_slice %arg17[%add3A_23, %dma_start3A_50] : memref<10000x128xf32, #tpu.memory_space<vmem_shared>> -> memref<100x128xf32, #tpu.memory_space<vmem_shared>>
      tpu.enqueue_dma source(%arg15 : memref<100x128xf32, #tpu.memory_space<vmem>>) target(%dma_start3A_51 : memref<100x128xf32, #tpu.memory_space<vmem_shared>>) target_semaphore(%run_scoped3A : memref<!tpu.dma_semaphore, #tpu.memory_space<semaphore_mem>>)
      %dma_wait3A = arith.constant 0 : i32
      %dma_wait3A_52 = tpu.memref_slice %arg17[%add3A_23, %dma_wait3A] : memref<10000x128xf32, #tpu.memory_space<vmem_shared>> -> memref<100x128xf32, #tpu.memory_space<vmem_shared>>
      %dma_wait3A_53 = arith.constant 0 : i32
      %dma_wait3A_54 = tpu.memref_slice %arg17[%add3A_23, %dma_wait3A_53] : memref<10000x128xf32, #tpu.memory_space<vmem_shared>> -> memref<100x128xf32, #tpu.memory_space<vmem_shared>>
      tpu.wait_dma2 semaphore(%run_scoped3A : memref<!tpu.dma_semaphore, #tpu.memory_space<semaphore_mem>>) src(%arg15 : memref<100x128xf32, #tpu.memory_space<vmem>>) dst(%dma_wait3A_54 : memref<100x128xf32, #tpu.memory_space<vmem_shared>>)
      tpu.yield
    }) : () -> ()
    %mul3A_24 = arith.constant 625 : i32
    %mul3A_25 = arith.muli %arg1, %mul3A_24 : i32
    %add3A_26 = arith.constant 500 : i32
    %add3A_27 = arith.addi %mul3A_25, %add3A_26 : i32
    "tpu.region"() ({
      %run_scoped3A = tpu.sem_alloc : memref<!tpu.dma_semaphore, #tpu.memory_space<semaphore_mem>>
      %dma_start3A = arith.constant 0 : i32
      %dma_start3A_49 = tpu.memref_slice %arg17[%add3A_27, %dma_start3A] : memref<10000x128xf32, #tpu.memory_space<vmem_shared>> -> memref<100x128xf32, #tpu.memory_space<vmem_shared>>
      %dma_start3A_50 = arith.constant 0 : i32
      %dma_start3A_51 = tpu.memref_slice %arg17[%add3A_27, %dma_start3A_50] : memref<10000x128xf32, #tpu.memory_space<vmem_shared>> -> memref<100x128xf32, #tpu.memory_space<vmem_shared>>
      tpu.enqueue_dma source(%arg15 : memref<100x128xf32, #tpu.memory_space<vmem>>) target(%dma_start3A_51 : memref<100x128xf32, #tpu.memory_space<vmem_shared>>) target_semaphore(%run_scoped3A : memref<!tpu.dma_semaphore, #tpu.memory_space<semaphore_mem>>)
      %dma_wait3A = arith.constant 0 : i32
      %dma_wait3A_52 = tpu.memref_slice %arg17[%add3A_27, %dma_wait3A] : memref<10000x128xf32, #tpu.memory_space<vmem_shared>> -> memref<100x128xf32, #tpu.memory_space<vmem_shared>>
      %dma_wait3A_53 = arith.constant 0 : i32
      %dma_wait3A_54 = tpu.memref_slice %arg17[%add3A_27, %dma_wait3A_53] : memref<10000x128xf32, #tpu.memory_space<vmem_shared>> -> memref<100x128xf32, #tpu.memory_space<vmem_shared>>
      tpu.wait_dma2 semaphore(%run_scoped3A : memref<!tpu.dma_semaphore, #tpu.memory_space<semaphore_mem>>) src(%arg15 : memref<100x128xf32, #tpu.memory_space<vmem>>) dst(%dma_wait3A_54 : memref<100x128xf32, #tpu.memory_space<vmem_shared>>)
      tpu.yield
    }) : () -> ()
    %mul3A_28 = arith.constant 625 : i32
    %mul3A_29 = arith.muli %arg1, %mul3A_28 : i32
    %add3A_30 = arith.constant 600 : i32
    %add3A_31 = arith.addi %mul3A_29, %add3A_30 : i32
    "tpu.region"() ({
      %run_scoped3A = tpu.sem_alloc : memref<!tpu.dma_semaphore, #tpu.memory_space<semaphore_mem>>
      %dma_start3A = arith.constant 0 : i32
      %dma_start3A_49 = arith.constant 0 : i32
      %dma_start3A_50 = tpu.memref_slice %arg15[%dma_start3A, %dma_start3A_49] : memref<100x128xf32, #tpu.memory_space<vmem>> -> memref<25x128xf32, #tpu.memory_space<vmem>>
      %dma_start3A_51 = arith.constant 0 : i32
      %dma_start3A_52 = tpu.memref_slice %arg17[%add3A_31, %dma_start3A_51] : memref<10000x128xf32, #tpu.memory_space<vmem_shared>> -> memref<25x128xf32, #tpu.memory_space<vmem_shared>>
      %dma_start3A_53 = arith.constant 0 : i32
      %dma_start3A_54 = tpu.memref_slice %arg17[%add3A_31, %dma_start3A_53] : memref<10000x128xf32, #tpu.memory_space<vmem_shared>> -> memref<25x128xf32, #tpu.memory_space<vmem_shared>>
      %dma_start3A_55 = arith.constant 0 : i32
      %dma_start3A_56 = arith.constant 0 : i32
      %dma_start3A_57 = tpu.memref_slice %arg15[%dma_start3A_55, %dma_start3A_56] : memref<100x128xf32, #tpu.memory_space<vmem>> -> memref<25x128xf32, #tpu.memory_space<vmem>>
      tpu.enqueue_dma source(%dma_start3A_57 : memref<25x128xf32, #tpu.memory_space<vmem>>) target(%dma_start3A_54 : memref<25x128xf32, #tpu.memory_space<vmem_shared>>) target_semaphore(%run_scoped3A : memref<!tpu.dma_semaphore, #tpu.memory_space<semaphore_mem>>)
      %dma_wait3A = arith.constant 0 : i32
      %dma_wait3A_58 = arith.constant 0 : i32
      %dma_wait3A_59 = tpu.memref_slice %arg15[%dma_wait3A, %dma_wait3A_58] : memref<100x128xf32, #tpu.memory_space<vmem>> -> memref<25x128xf32, #tpu.memory_space<vmem>>
      %dma_wait3A_60 = arith.constant 0 : i32
      %dma_wait3A_61 = tpu.memref_slice %arg17[%add3A_31, %dma_wait3A_60] : memref<10000x128xf32, #tpu.memory_space<vmem_shared>> -> memref<25x128xf32, #tpu.memory_space<vmem_shared>>
      %dma_wait3A_62 = arith.constant 0 : i32
      %dma_wait3A_63 = tpu.memref_slice %arg17[%add3A_31, %dma_wait3A_62] : memref<10000x128xf32, #tpu.memory_space<vmem_shared>> -> memref<25x128xf32, #tpu.memory_space<vmem_shared>>
      %dma_wait3A_64 = arith.constant 0 : i32
      %dma_wait3A_65 = arith.constant 0 : i32
      %dma_wait3A_66 = tpu.memref_slice %arg15[%dma_wait3A_64, %dma_wait3A_65] : memref<100x128xf32, #tpu.memory_space<vmem>> -> memref<25x128xf32, #tpu.memory_space<vmem>>
      tpu.wait_dma2 semaphore(%run_scoped3A : memref<!tpu.dma_semaphore, #tpu.memory_space<semaphore_mem>>) src(%dma_wait3A_66 : memref<25x128xf32, #tpu.memory_space<vmem>>) dst(%dma_wait3A_63 : memref<25x128xf32, #tpu.memory_space<vmem_shared>>)
      tpu.yield
    }) : () -> ()
    "tpu.region"() ({
      %run_scoped3A = tpu.sem_alloc : memref<!tpu.dma_semaphore, #tpu.memory_space<semaphore_mem>>
      %dma_start3A = arith.constant 0 : i32
      %dma_start3A_49 = arith.constant 0 : i32
      %dma_start3A_50 = tpu.memref_slice %arg2[%add3A, %dma_start3A, %dma_start3A_49] : memref<32x100x100xi32, #tpu.memory_space<hbm>> -> memref<1x100x100xi32, #tpu.memory_space<hbm>>
      %dma_start3A_51 = tpu.memref_squeeze %dma_start3A_50 : memref<1x100x100xi32, #tpu.memory_space<hbm>> -> memref<100x100xi32, #tpu.memory_space<hbm>>
      %dma_start3A_52 = arith.constant 0 : i32
      %dma_start3A_53 = arith.constant 0 : i32
      %dma_start3A_54 = tpu.memref_slice %arg2[%add3A, %dma_start3A_52, %dma_start3A_53] : memref<32x100x100xi32, #tpu.memory_space<hbm>> -> memref<1x100x100xi32, #tpu.memory_space<hbm>>
      %dma_start3A_55 = tpu.memref_squeeze %dma_start3A_54 : memref<1x100x100xi32, #tpu.memory_space<hbm>> -> memref<100x100xi32, #tpu.memory_space<hbm>>
      tpu.enqueue_dma source(%dma_start3A_55 : memref<100x100xi32, #tpu.memory_space<hbm>>) target(%arg9 : memref<100x100xi32, #tpu.memory_space<vmem>>) target_semaphore(%run_scoped3A : memref<!tpu.dma_semaphore, #tpu.memory_space<semaphore_mem>>)
      %dma_wait3A = arith.constant 0 : i32
      %dma_wait3A_56 = arith.constant 0 : i32
      %dma_wait3A_57 = tpu.memref_slice %arg2[%add3A, %dma_wait3A, %dma_wait3A_56] : memref<32x100x100xi32, #tpu.memory_space<hbm>> -> memref<1x100x100xi32, #tpu.memory_space<hbm>>
      %dma_wait3A_58 = tpu.memref_squeeze %dma_wait3A_57 : memref<1x100x100xi32, #tpu.memory_space<hbm>> -> memref<100x100xi32, #tpu.memory_space<hbm>>
      %dma_wait3A_59 = arith.constant 0 : i32
      %dma_wait3A_60 = arith.constant 0 : i32
      %dma_wait3A_61 = tpu.memref_slice %arg2[%add3A, %dma_wait3A_59, %dma_wait3A_60] : memref<32x100x100xi32, #tpu.memory_space<hbm>> -> memref<1x100x100xi32, #tpu.memory_space<hbm>>
      %dma_wait3A_62 = tpu.memref_squeeze %dma_wait3A_61 : memref<1x100x100xi32, #tpu.memory_space<hbm>> -> memref<100x100xi32, #tpu.memory_space<hbm>>
      tpu.wait_dma2 semaphore(%run_scoped3A : memref<!tpu.dma_semaphore, #tpu.memory_space<semaphore_mem>>) src(%dma_wait3A_62 : memref<100x100xi32, #tpu.memory_space<hbm>>) dst(%arg9 : memref<100x100xi32, #tpu.memory_space<vmem>>)
      tpu.yield
    }) : () -> ()
    "tpu.region"() ({
      %run_scoped3A = tpu.sem_alloc : memref<!tpu.dma_semaphore, #tpu.memory_space<semaphore_mem>>
      %dma_start3A = arith.constant 0 : i32
      %dma_start3A_49 = arith.constant 0 : i32
      %dma_start3A_50 = tpu.memref_slice %arg3[%add3A, %dma_start3A, %dma_start3A_49] : memref<32x100x100xi32, #tpu.memory_space<hbm>> -> memref<1x100x100xi32, #tpu.memory_space<hbm>>
      %dma_start3A_51 = tpu.memref_squeeze %dma_start3A_50 : memref<1x100x100xi32, #tpu.memory_space<hbm>> -> memref<100x100xi32, #tpu.memory_space<hbm>>
      %dma_start3A_52 = arith.constant 0 : i32
      %dma_start3A_53 = arith.constant 0 : i32
      %dma_start3A_54 = tpu.memref_slice %arg3[%add3A, %dma_start3A_52, %dma_start3A_53] : memref<32x100x100xi32, #tpu.memory_space<hbm>> -> memref<1x100x100xi32, #tpu.memory_space<hbm>>
      %dma_start3A_55 = tpu.memref_squeeze %dma_start3A_54 : memref<1x100x100xi32, #tpu.memory_space<hbm>> -> memref<100x100xi32, #tpu.memory_space<hbm>>
      tpu.enqueue_dma source(%dma_start3A_55 : memref<100x100xi32, #tpu.memory_space<hbm>>) target(%arg10 : memref<100x100xi32, #tpu.memory_space<vmem>>) target_semaphore(%run_scoped3A : memref<!tpu.dma_semaphore, #tpu.memory_space<semaphore_mem>>)
      %dma_wait3A = arith.constant 0 : i32
      %dma_wait3A_56 = arith.constant 0 : i32
      %dma_wait3A_57 = tpu.memref_slice %arg3[%add3A, %dma_wait3A, %dma_wait3A_56] : memref<32x100x100xi32, #tpu.memory_space<hbm>> -> memref<1x100x100xi32, #tpu.memory_space<hbm>>
      %dma_wait3A_58 = tpu.memref_squeeze %dma_wait3A_57 : memref<1x100x100xi32, #tpu.memory_space<hbm>> -> memref<100x100xi32, #tpu.memory_space<hbm>>
      %dma_wait3A_59 = arith.constant 0 : i32
      %dma_wait3A_60 = arith.constant 0 : i32
      %dma_wait3A_61 = tpu.memref_slice %arg3[%add3A, %dma_wait3A_59, %dma_wait3A_60] : memref<32x100x100xi32, #tpu.memory_space<hbm>> -> memref<1x100x100xi32, #tpu.memory_space<hbm>>
      %dma_wait3A_62 = tpu.memref_squeeze %dma_wait3A_61 : memref<1x100x100xi32, #tpu.memory_space<hbm>> -> memref<100x100xi32, #tpu.memory_space<hbm>>
      tpu.wait_dma2 semaphore(%run_scoped3A : memref<!tpu.dma_semaphore, #tpu.memory_space<semaphore_mem>>) src(%dma_wait3A_62 : memref<100x100xi32, #tpu.memory_space<hbm>>) dst(%arg10 : memref<100x100xi32, #tpu.memory_space<vmem>>)
      tpu.yield
    }) : () -> ()
    %barrier3A = arith.constant 0 : index
    tpu.barrier barrier_id(%barrier3A)
    %iota3A = tpu.iota {dimensions = array<i32: 0>} : vector<16xi32>
    %ge3A = arith.constant 8 : i32
    %ge3A_32 = vector.broadcast %ge3A : i32 to vector<16xi32>
    %ge3A_33 = arith.cmpi sge, %iota3A, %ge3A_32 : vector<16xi32>
    %jit3A = arith.constant 1 : i32
    %jit3A_34 = arith.constant 0 : i32
    %broadcast_in_dim3A_35 = vector.broadcast %jit3A : i32 to vector<16xi32>
    %broadcast_in_dim3A_36 = vector.broadcast %jit3A_34 : i32 to vector<16xi32>
    %select_n3A = arith.select %ge3A_33, %broadcast_in_dim3A_35, %broadcast_in_dim3A_36 : vector<16xi1>, vector<16xi32>
    %and3A = arith.constant 7 : i32
    %and3A_37 = vector.broadcast %and3A : i32 to vector<16xi32>
    %and3A_38 = arith.andi %iota3A, %and3A_37 : vector<16xi32>
    %scan3A = arith.constant 0 : i32
    %scan3A_39 = arith.constant 0 : i32
    %scan3A_40 = arith.constant 50 : i32
    %scan3A_41 = arith.addi %scan3A_39, %scan3A_40 : i32
    %scan3A_42 = arith.constant 1 : i32
    scf.for %scan3A_49 = %scan3A_39 to %scan3A_41 step %scan3A_42  : i32 {
      %mul3A_50 = arith.constant 2 : i32
      %mul3A_51 = arith.muli %mul3A_50, %scan3A_49 : i32
      %add3A_52 = arith.constant 1 : i32
      %add3A_53 = arith.addi %mul3A_51, %add3A_52 : i32
      %mul3A_54 = arith.constant 10000 : i32
      %mul3A_55 = arith.muli %add3A, %mul3A_54 : i32
      %mul3A_56 = arith.constant 100 : i32
      %mul3A_57 = arith.muli %mul3A_51, %mul3A_56 : i32
      %add3A_58 = arith.addi %mul3A_55, %mul3A_57 : i32
      %dma_start3A = arith.constant 0 : i32
      %dma_start3A_59 = tpu.memref_slice %arg9[%mul3A_51, %dma_start3A] : memref<100x100xi32, #tpu.memory_space<vmem>> -> memref<1x100xi32, #tpu.memory_space<vmem>>
      %dma_start3A_60 = tpu.memref_squeeze %dma_start3A_59 : memref<1x100xi32, #tpu.memory_space<vmem>> -> memref<100xi32, #tpu.memory_space<vmem>>
      %dma_start3A_61 = arith.constant 0 : i32
      %dma_start3A_62 = arith.constant 0 : i32
      %dma_start3A_63 = tpu.memref_slice %arg6[%dma_start3A_61, %dma_start3A_62] : memref<10000x128xf32, #tpu.memory_space<hbm>> -> memref<10000x128xf32, #tpu.memory_space<hbm>>
      tpu.enqueue_indirect_dma source(%dma_start3A_63 : memref<10000x128xf32, #tpu.memory_space<hbm>>) target(%arg15 : memref<100x128xf32, #tpu.memory_space<vmem>>) offsets(%dma_start3A_60 : memref<100xi32, #tpu.memory_space<vmem>>) semaphore(%arg18 : memref<!tpu.dma_semaphore, #tpu.memory_space<semaphore_mem>>)
      %dma_start3A_64 = arith.constant 0 : i32
      %dma_start3A_65 = tpu.memref_slice %arg10[%mul3A_51, %dma_start3A_64] : memref<100x100xi32, #tpu.memory_space<vmem>> -> memref<1x100xi32, #tpu.memory_space<vmem>>
      %dma_start3A_66 = tpu.memref_squeeze %dma_start3A_65 : memref<1x100xi32, #tpu.memory_space<vmem>> -> memref<100xi32, #tpu.memory_space<vmem>>
      %dma_start3A_67 = arith.constant 0 : i32
      %dma_start3A_68 = arith.constant 0 : i32
      %dma_start3A_69 = tpu.memref_slice %arg5[%dma_start3A_67, %dma_start3A_68] : memref<10240x8xf32, #tpu.memory_space<hbm>> -> memref<10240x8xf32, #tpu.memory_space<hbm>>
      tpu.enqueue_indirect_dma source(%dma_start3A_69 : memref<10240x8xf32, #tpu.memory_space<hbm>>) target(%arg13 : memref<100x8xf32, #tpu.memory_space<vmem>>) offsets(%dma_start3A_66 : memref<100xi32, #tpu.memory_space<vmem>>) semaphore(%arg18 : memref<!tpu.dma_semaphore, #tpu.memory_space<semaphore_mem>>)
      %dma_start3A_70 = arith.constant 0 : i32
      %dma_start3A_71 = tpu.memref_slice %arg4[%add3A_58, %dma_start3A_70] : memref<320000x8xf32, #tpu.memory_space<hbm>> -> memref<100x8xf32, #tpu.memory_space<hbm>>
      %dma_start3A_72 = arith.constant 0 : i32
      %dma_start3A_73 = tpu.memref_slice %arg4[%add3A_58, %dma_start3A_72] : memref<320000x8xf32, #tpu.memory_space<hbm>> -> memref<100x8xf32, #tpu.memory_space<hbm>>
      tpu.enqueue_dma source(%dma_start3A_73 : memref<100x8xf32, #tpu.memory_space<hbm>>) target(%arg11 : memref<100x8xf32, #tpu.memory_space<vmem>>) target_semaphore(%arg18 : memref<!tpu.dma_semaphore, #tpu.memory_space<semaphore_mem>>)
      %mul3A_74 = arith.constant 10000 : i32
      %mul3A_75 = arith.muli %add3A, %mul3A_74 : i32
      %mul3A_76 = arith.constant 100 : i32
      %mul3A_77 = arith.muli %add3A_53, %mul3A_76 : i32
      %add3A_78 = arith.addi %mul3A_75, %mul3A_77 : i32
      %dma_start3A_79 = arith.constant 0 : i32
      %dma_start3A_80 = tpu.memref_slice %arg9[%add3A_53, %dma_start3A_79] : memref<100x100xi32, #tpu.memory_space<vmem>> -> memref<1x100xi32, #tpu.memory_space<vmem>>
      %dma_start3A_81 = tpu.memref_squeeze %dma_start3A_80 : memref<1x100xi32, #tpu.memory_space<vmem>> -> memref<100xi32, #tpu.memory_space<vmem>>
      %dma_start3A_82 = arith.constant 0 : i32
      %dma_start3A_83 = arith.constant 0 : i32
      %dma_start3A_84 = tpu.memref_slice %arg6[%dma_start3A_82, %dma_start3A_83] : memref<10000x128xf32, #tpu.memory_space<hbm>> -> memref<10000x128xf32, #tpu.memory_space<hbm>>
      tpu.enqueue_indirect_dma source(%dma_start3A_84 : memref<10000x128xf32, #tpu.memory_space<hbm>>) target(%arg16 : memref<100x128xf32, #tpu.memory_space<vmem>>) offsets(%dma_start3A_81 : memref<100xi32, #tpu.memory_space<vmem>>) semaphore(%arg19 : memref<!tpu.dma_semaphore, #tpu.memory_space<semaphore_mem>>)
      %dma_start3A_85 = arith.constant 0 : i32
      %dma_start3A_86 = tpu.memref_slice %arg10[%add3A_53, %dma_start3A_85] : memref<100x100xi32, #tpu.memory_space<vmem>> -> memref<1x100xi32, #tpu.memory_space<vmem>>
      %dma_start3A_87 = tpu.memref_squeeze %dma_start3A_86 : memref<1x100xi32, #tpu.memory_space<vmem>> -> memref<100xi32, #tpu.memory_space<vmem>>
      %dma_start3A_88 = arith.constant 0 : i32
      %dma_start3A_89 = arith.constant 0 : i32
      %dma_start3A_90 = tpu.memref_slice %arg5[%dma_start3A_88, %dma_start3A_89] : memref<10240x8xf32, #tpu.memory_space<hbm>> -> memref<10240x8xf32, #tpu.memory_space<hbm>>
      tpu.enqueue_indirect_dma source(%dma_start3A_90 : memref<10240x8xf32, #tpu.memory_space<hbm>>) target(%arg14 : memref<100x8xf32, #tpu.memory_space<vmem>>) offsets(%dma_start3A_87 : memref<100xi32, #tpu.memory_space<vmem>>) semaphore(%arg19 : memref<!tpu.dma_semaphore, #tpu.memory_space<semaphore_mem>>)
      %dma_start3A_91 = arith.constant 0 : i32
      %dma_start3A_92 = tpu.memref_slice %arg4[%add3A_78, %dma_start3A_91] : memref<320000x8xf32, #tpu.memory_space<hbm>> -> memref<100x8xf32, #tpu.memory_space<hbm>>
      %dma_start3A_93 = arith.constant 0 : i32
      %dma_start3A_94 = tpu.memref_slice %arg4[%add3A_78, %dma_start3A_93] : memref<320000x8xf32, #tpu.memory_space<hbm>> -> memref<100x8xf32, #tpu.memory_space<hbm>>
      tpu.enqueue_dma source(%dma_start3A_94 : memref<100x8xf32, #tpu.memory_space<hbm>>) target(%arg12 : memref<100x8xf32, #tpu.memory_space<vmem>>) target_semaphore(%arg19 : memref<!tpu.dma_semaphore, #tpu.memory_space<semaphore_mem>>)
      %dma_wait3A = arith.constant 0 : i32
      %dma_wait3A_95 = tpu.memref_slice %arg9[%mul3A_51, %dma_wait3A] : memref<100x100xi32, #tpu.memory_space<vmem>> -> memref<1x100xi32, #tpu.memory_space<vmem>>
      %dma_wait3A_96 = tpu.memref_squeeze %dma_wait3A_95 : memref<1x100xi32, #tpu.memory_space<vmem>> -> memref<100xi32, #tpu.memory_space<vmem>>
      %dma_wait3A_97 = arith.constant 0 : i32
      %dma_wait3A_98 = arith.constant 0 : i32
      %dma_wait3A_99 = tpu.memref_slice %arg6[%dma_wait3A_97, %dma_wait3A_98] : memref<10000x128xf32, #tpu.memory_space<hbm>> -> memref<10000x128xf32, #tpu.memory_space<hbm>>
      tpu.wait_indirect_dma semaphore(%arg18 : memref<!tpu.dma_semaphore, #tpu.memory_space<semaphore_mem>>) src(%dma_wait3A_99 : memref<10000x128xf32, #tpu.memory_space<hbm>>) dst(%arg15 : memref<100x128xf32, #tpu.memory_space<vmem>>)
      %dma_wait3A_100 = arith.constant 0 : i32
      %dma_wait3A_101 = tpu.memref_slice %arg10[%mul3A_51, %dma_wait3A_100] : memref<100x100xi32, #tpu.memory_space<vmem>> -> memref<1x100xi32, #tpu.memory_space<vmem>>
      %dma_wait3A_102 = tpu.memref_squeeze %dma_wait3A_101 : memref<1x100xi32, #tpu.memory_space<vmem>> -> memref<100xi32, #tpu.memory_space<vmem>>
      %dma_wait3A_103 = arith.constant 0 : i32
      %dma_wait3A_104 = arith.constant 0 : i32
      %dma_wait3A_105 = tpu.memref_slice %arg5[%dma_wait3A_103, %dma_wait3A_104] : memref<10240x8xf32, #tpu.memory_space<hbm>> -> memref<10240x8xf32, #tpu.memory_space<hbm>>
      tpu.wait_indirect_dma semaphore(%arg18 : memref<!tpu.dma_semaphore, #tpu.memory_space<semaphore_mem>>) src(%dma_wait3A_105 : memref<10240x8xf32, #tpu.memory_space<hbm>>) dst(%arg13 : memref<100x8xf32, #tpu.memory_space<vmem>>)
      %dma_wait3A_106 = arith.constant 0 : i32
      %dma_wait3A_107 = tpu.memref_slice %arg4[%add3A_58, %dma_wait3A_106] : memref<320000x8xf32, #tpu.memory_space<hbm>> -> memref<100x8xf32, #tpu.memory_space<hbm>>
      %dma_wait3A_108 = arith.constant 0 : i32
      %dma_wait3A_109 = tpu.memref_slice %arg4[%add3A_58, %dma_wait3A_108] : memref<320000x8xf32, #tpu.memory_space<hbm>> -> memref<100x8xf32, #tpu.memory_space<hbm>>
      tpu.wait_dma2 semaphore(%arg18 : memref<!tpu.dma_semaphore, #tpu.memory_space<semaphore_mem>>) src(%dma_wait3A_109 : memref<100x8xf32, #tpu.memory_space<hbm>>) dst(%arg11 : memref<100x8xf32, #tpu.memory_space<vmem>>)
      %parallel_loop3A_110 = arith.constant 0 : i32
      %parallel_loop3A_111 = arith.constant 50 : i32
      %parallel_loop3A_112 = arith.constant 1 : i32
      scf.for %parallel_loop3A_142 = %parallel_loop3A_110 to %parallel_loop3A_111 step %parallel_loop3A_112  : i32 {
        %parallel_loop3A_143 = arith.constant 2 : i32
        %parallel_loop3A_144 = arith.muli %parallel_loop3A_143, %parallel_loop3A_142 : i32
        %parallel_loop3A_145 = vector.broadcast %parallel_loop3A_144 : i32 to vector<16xi32>
        %parallel_loop3A_146 = arith.addi %parallel_loop3A_145, %select_n3A : vector<16xi32>
        %parallel_loop3A_147 = tpu.vector_load_idx %arg11[%parallel_loop3A_146, %and3A_38] : memref<100x8xf32, #tpu.memory_space<vmem>>[vector<16xi32>, vector<16xi32>], vector<16xf32>,
        %parallel_loop3A_148 = tpu.vector_load_idx %arg13[%parallel_loop3A_146, %and3A_38] : memref<100x8xf32, #tpu.memory_space<vmem>>[vector<16xi32>, vector<16xi32>], vector<16xf32>,
        %parallel_loop3A_149 = arith.mulf %parallel_loop3A_147, %parallel_loop3A_148 : vector<16xf32>
        tpu.vector_store_idx %arg11[%parallel_loop3A_146, %and3A_38], %parallel_loop3A_149 : memref<100x8xf32, #tpu.memory_space<vmem>>[vector<16xi32>, vector<16xi32>], vector<16xf32>,
        %parallel_loop3A_150 = arith.constant 2 : i32
        %parallel_loop3A_151 = arith.muli %parallel_loop3A_150, %parallel_loop3A_142 : i32
        %parallel_loop3A_152 = arith.constant 1 : i32
        %parallel_loop3A_153 = arith.addi %parallel_loop3A_151, %parallel_loop3A_152 : i32
        %parallel_loop3A_154 = arith.constant 0 : i32
        %parallel_loop3A_155 = vector.broadcast %parallel_loop3A_154 : i32 to vector<16xi32>
        %parallel_loop3A_156 = arith.constant 0 : i32
        %parallel_loop3A_157 = vector.broadcast %parallel_loop3A_156 : i32 to vector<16xi32>
        %parallel_loop3A_158 = arith.cmpi slt, %parallel_loop3A_155, %parallel_loop3A_157 : vector<16xi32>
        %parallel_loop3A_159 = arith.constant 16 : i32
        %parallel_loop3A_160 = vector.broadcast %parallel_loop3A_159 : i32 to vector<16xi32>
        %parallel_loop3A_161 = arith.addi %parallel_loop3A_155, %parallel_loop3A_160 : vector<16xi32>
        %parallel_loop3A_162 = arith.select %parallel_loop3A_158, %parallel_loop3A_161, %parallel_loop3A_155 : vector<16xi1>, vector<16xi32>
        %parallel_loop3A_163 = vector.shape_cast %parallel_loop3A_162 : vector<16xi32> to vector<16x1xi32>
        %parallel_loop3A_164 = vector.shape_cast %parallel_loop3A_163 : vector<16x1xi32> to vector<16xi32>
        %parallel_loop3A_165 = tpu.dynamic_gather %parallel_loop3A_149[%parallel_loop3A_164] in [0] : vector<16xf32>, vector<16xi32> -> vector<16xf32>
        %parallel_loop3A_166 = arith.index_cast %parallel_loop3A_151 : i32 to index
        %parallel_loop3A_167 = arith.constant 0 : index
        %parallel_loop3A_168 = tpu.vector_load %arg15[%parallel_loop3A_166, %parallel_loop3A_167] {strides = array<i32>} : memref<100x128xf32, #tpu.memory_space<vmem>>, vector<16xf32>,
        %parallel_loop3A_169 = arith.mulf %parallel_loop3A_168, %parallel_loop3A_165 : vector<16xf32>
        %parallel_loop3A_170 = arith.index_cast %parallel_loop3A_151 : i32 to index
        %parallel_loop3A_171 = arith.constant 0 : index
        %parallel_loop3A_172 = tpu.vector_load %arg15[%parallel_loop3A_170, %parallel_loop3A_171] {strides = array<i32>} : memref<100x128xf32, #tpu.memory_space<vmem>>, vector<16xf32>,
        tpu.vector_store %arg15[%parallel_loop3A_170, %parallel_loop3A_171], %parallel_loop3A_169 {strides = array<i32>} : memref<100x128xf32, #tpu.memory_space<vmem>>, vector<16xf32>,
        %parallel_loop3A_173 = arith.constant 1 : i32
        %parallel_loop3A_174 = vector.broadcast %parallel_loop3A_173 : i32 to vector<16xi32>
        %parallel_loop3A_175 = arith.constant 0 : i32
        %parallel_loop3A_176 = vector.broadcast %parallel_loop3A_175 : i32 to vector<16xi32>
        %parallel_loop3A_177 = arith.cmpi slt, %parallel_loop3A_174, %parallel_loop3A_176 : vector<16xi32>
        %parallel_loop3A_178 = arith.constant 16 : i32
        %parallel_loop3A_179 = vector.broadcast %parallel_loop3A_178 : i32 to vector<16xi32>
        %parallel_loop3A_180 = arith.addi %parallel_loop3A_174, %parallel_loop3A_179 : vector<16xi32>
        %parallel_loop3A_181 = arith.select %parallel_loop3A_177, %parallel_loop3A_180, %parallel_loop3A_174 : vector<16xi1>, vector<16xi32>
        %parallel_loop3A_182 = vector.shape_cast %parallel_loop3A_181 : vector<16xi32> to vector<16x1xi32>
        %parallel_loop3A_183 = vector.shape_cast %parallel_loop3A_182 : vector<16x1xi32> to vector<16xi32>
        %parallel_loop3A_184 = tpu.dynamic_gather %parallel_loop3A_149[%parallel_loop3A_183] in [0] : vector<16xf32>, vector<16xi32> -> vector<16xf32>
        %parallel_loop3A_185 = arith.index_cast %parallel_loop3A_151 : i32 to index
        %parallel_loop3A_186 = arith.constant 16 : index
        %parallel_loop3A_187 = tpu.vector_load %arg15[%parallel_loop3A_185, %parallel_loop3A_186] {strides = array<i32>} : memref<100x128xf32, #tpu.memory_space<vmem>>, vector<16xf32>,
        %parallel_loop3A_188 = arith.mulf %parallel_loop3A_187, %parallel_loop3A_184 : vector<16xf32>
        %parallel_loop3A_189 = arith.index_cast %parallel_loop3A_151 : i32 to index
        %parallel_loop3A_190 = arith.constant 16 : index
        %parallel_loop3A_191 = tpu.vector_load %arg15[%parallel_loop3A_189, %parallel_loop3A_190] {strides = array<i32>} : memref<100x128xf32, #tpu.memory_space<vmem>>, vector<16xf32>,
        tpu.vector_store %arg15[%parallel_loop3A_189, %parallel_loop3A_190], %parallel_loop3A_188 {strides = array<i32>} : memref<100x128xf32, #tpu.memory_space<vmem>>, vector<16xf32>,
        %parallel_loop3A_192 = arith.constant 2 : i32
        %parallel_loop3A_193 = vector.broadcast %parallel_loop3A_192 : i32 to vector<16xi32>
        %parallel_loop3A_194 = arith.constant 0 : i32
        %parallel_loop3A_195 = vector.broadcast %parallel_loop3A_194 : i32 to vector<16xi32>
        %parallel_loop3A_196 = arith.cmpi slt, %parallel_loop3A_193, %parallel_loop3A_195 : vector<16xi32>
        %parallel_loop3A_197 = arith.constant 16 : i32
        %parallel_loop3A_198 = vector.broadcast %parallel_loop3A_197 : i32 to vector<16xi32>
        %parallel_loop3A_199 = arith.addi %parallel_loop3A_193, %parallel_loop3A_198 : vector<16xi32>
        %parallel_loop3A_200 = arith.select %parallel_loop3A_196, %parallel_loop3A_199, %parallel_loop3A_193 : vector<16xi1>, vector<16xi32>
        %parallel_loop3A_201 = vector.shape_cast %parallel_loop3A_200 : vector<16xi32> to vector<16x1xi32>
        %parallel_loop3A_202 = vector.shape_cast %parallel_loop3A_201 : vector<16x1xi32> to vector<16xi32>
        %parallel_loop3A_203 = tpu.dynamic_gather %parallel_loop3A_149[%parallel_loop3A_202] in [0] : vector<16xf32>, vector<16xi32> -> vector<16xf32>
        %parallel_loop3A_204 = arith.index_cast %parallel_loop3A_151 : i32 to index
        %parallel_loop3A_205 = arith.constant 32 : index
        %parallel_loop3A_206 = tpu.vector_load %arg15[%parallel_loop3A_204, %parallel_loop3A_205] {strides = array<i32>} : memref<100x128xf32, #tpu.memory_space<vmem>>, vector<16xf32>,
        %parallel_loop3A_207 = arith.mulf %parallel_loop3A_206, %parallel_loop3A_203 : vector<16xf32>
        %parallel_loop3A_208 = arith.index_cast %parallel_loop3A_151 : i32 to index
        %parallel_loop3A_209 = arith.constant 32 : index
        %parallel_loop3A_210 = tpu.vector_load %arg15[%parallel_loop3A_208, %parallel_loop3A_209] {strides = array<i32>} : memref<100x128xf32, #tpu.memory_space<vmem>>, vector<16xf32>,
        tpu.vector_store %arg15[%parallel_loop3A_208, %parallel_loop3A_209], %parallel_loop3A_207 {strides = array<i32>} : memref<100x128xf32, #tpu.memory_space<vmem>>, vector<16xf32>,
        %parallel_loop3A_211 = arith.constant 3 : i32
        %parallel_loop3A_212 = vector.broadcast %parallel_loop3A_211 : i32 to vector<16xi32>
        %parallel_loop3A_213 = arith.constant 0 : i32
        %parallel_loop3A_214 = vector.broadcast %parallel_loop3A_213 : i32 to vector<16xi32>
        %parallel_loop3A_215 = arith.cmpi slt, %parallel_loop3A_212, %parallel_loop3A_214 : vector<16xi32>
        %parallel_loop3A_216 = arith.constant 16 : i32
        %parallel_loop3A_217 = vector.broadcast %parallel_loop3A_216 : i32 to vector<16xi32>
        %parallel_loop3A_218 = arith.addi %parallel_loop3A_212, %parallel_loop3A_217 : vector<16xi32>
        %parallel_loop3A_219 = arith.select %parallel_loop3A_215, %parallel_loop3A_218, %parallel_loop3A_212 : vector<16xi1>, vector<16xi32>
        %parallel_loop3A_220 = vector.shape_cast %parallel_loop3A_219 : vector<16xi32> to vector<16x1xi32>
        %parallel_loop3A_221 = vector.shape_cast %parallel_loop3A_220 : vector<16x1xi32> to vector<16xi32>
        %parallel_loop3A_222 = tpu.dynamic_gather %parallel_loop3A_149[%parallel_loop3A_221] in [0] : vector<16xf32>, vector<16xi32> -> vector<16xf32>
        %parallel_loop3A_223 = arith.index_cast %parallel_loop3A_151 : i32 to index
        %parallel_loop3A_224 = arith.constant 48 : index
        %parallel_loop3A_225 = tpu.vector_load %arg15[%parallel_loop3A_223, %parallel_loop3A_224] {strides = array<i32>} : memref<100x128xf32, #tpu.memory_space<vmem>>, vector<16xf32>,
        %parallel_loop3A_226 = arith.mulf %parallel_loop3A_225, %parallel_loop3A_222 : vector<16xf32>
        %parallel_loop3A_227 = arith.index_cast %parallel_loop3A_151 : i32 to index
        %parallel_loop3A_228 = arith.constant 48 : index
        %parallel_loop3A_229 = tpu.vector_load %arg15[%parallel_loop3A_227, %parallel_loop3A_228] {strides = array<i32>} : memref<100x128xf32, #tpu.memory_space<vmem>>, vector<16xf32>,
        tpu.vector_store %arg15[%parallel_loop3A_227, %parallel_loop3A_228], %parallel_loop3A_226 {strides = array<i32>} : memref<100x128xf32, #tpu.memory_space<vmem>>, vector<16xf32>,
        %parallel_loop3A_230 = arith.constant 4 : i32
        %parallel_loop3A_231 = vector.broadcast %parallel_loop3A_230 : i32 to vector<16xi32>
        %parallel_loop3A_232 = arith.constant 0 : i32
        %parallel_loop3A_233 = vector.broadcast %parallel_loop3A_232 : i32 to vector<16xi32>
        %parallel_loop3A_234 = arith.cmpi slt, %parallel_loop3A_231, %parallel_loop3A_233 : vector<16xi32>
        %parallel_loop3A_235 = arith.constant 16 : i32
        %parallel_loop3A_236 = vector.broadcast %parallel_loop3A_235 : i32 to vector<16xi32>
        %parallel_loop3A_237 = arith.addi %parallel_loop3A_231, %parallel_loop3A_236 : vector<16xi32>
        %parallel_loop3A_238 = arith.select %parallel_loop3A_234, %parallel_loop3A_237, %parallel_loop3A_231 : vector<16xi1>, vector<16xi32>
        %parallel_loop3A_239 = vector.shape_cast %parallel_loop3A_238 : vector<16xi32> to vector<16x1xi32>
        %parallel_loop3A_240 = vector.shape_cast %parallel_loop3A_239 : vector<16x1xi32> to vector<16xi32>
        %parallel_loop3A_241 = tpu.dynamic_gather %parallel_loop3A_149[%parallel_loop3A_240] in [0] : vector<16xf32>, vector<16xi32> -> vector<16xf32>
        %parallel_loop3A_242 = arith.index_cast %parallel_loop3A_151 : i32 to index
        %parallel_loop3A_243 = arith.constant 64 : index
        %parallel_loop3A_244 = tpu.vector_load %arg15[%parallel_loop3A_242, %parallel_loop3A_243] {strides = array<i32>} : memref<100x128xf32, #tpu.memory_space<vmem>>, vector<16xf32>,
        %parallel_loop3A_245 = arith.mulf %parallel_loop3A_244, %parallel_loop3A_241 : vector<16xf32>
        %parallel_loop3A_246 = arith.index_cast %parallel_loop3A_151 : i32 to index
        %parallel_loop3A_247 = arith.constant 64 : index
        %parallel_loop3A_248 = tpu.vector_load %arg15[%parallel_loop3A_246, %parallel_loop3A_247] {strides = array<i32>} : memref<100x128xf32, #tpu.memory_space<vmem>>, vector<16xf32>,
        tpu.vector_store %arg15[%parallel_loop3A_246, %parallel_loop3A_247], %parallel_loop3A_245 {strides = array<i32>} : memref<100x128xf32, #tpu.memory_space<vmem>>, vector<16xf32>,
        %parallel_loop3A_249 = arith.constant 5 : i32
        %parallel_loop3A_250 = vector.broadcast %parallel_loop3A_249 : i32 to vector<16xi32>
        %parallel_loop3A_251 = arith.constant 0 : i32
        %parallel_loop3A_252 = vector.broadcast %parallel_loop3A_251 : i32 to vector<16xi32>
        %parallel_loop3A_253 = arith.cmpi slt, %parallel_loop3A_250, %parallel_loop3A_252 : vector<16xi32>
        %parallel_loop3A_254 = arith.constant 16 : i32
        %parallel_loop3A_255 = vector.broadcast %parallel_loop3A_254 : i32 to vector<16xi32>
        %parallel_loop3A_256 = arith.addi %parallel_loop3A_250, %parallel_loop3A_255 : vector<16xi32>
        %parallel_loop3A_257 = arith.select %parallel_loop3A_253, %parallel_loop3A_256, %parallel_loop3A_250 : vector<16xi1>, vector<16xi32>
        %parallel_loop3A_258 = vector.shape_cast %parallel_loop3A_257 : vector<16xi32> to vector<16x1xi32>
        %parallel_loop3A_259 = vector.shape_cast %parallel_loop3A_258 : vector<16x1xi32> to vector<16xi32>
        %parallel_loop3A_260 = tpu.dynamic_gather %parallel_loop3A_149[%parallel_loop3A_259] in [0] : vector<16xf32>, vector<16xi32> -> vector<16xf32>
        %parallel_loop3A_261 = arith.index_cast %parallel_loop3A_151 : i32 to index
        %parallel_loop3A_262 = arith.constant 80 : index
        %parallel_loop3A_263 = tpu.vector_load %arg15[%parallel_loop3A_261, %parallel_loop3A_262] {strides = array<i32>} : memref<100x128xf32, #tpu.memory_space<vmem>>, vector<16xf32>,
        %parallel_loop3A_264 = arith.mulf %parallel_loop3A_263, %parallel_loop3A_260 : vector<16xf32>
        %parallel_loop3A_265 = arith.index_cast %parallel_loop3A_151 : i32 to index
        %parallel_loop3A_266 = arith.constant 80 : index
        %parallel_loop3A_267 = tpu.vector_load %arg15[%parallel_loop3A_265, %parallel_loop3A_266] {strides = array<i32>} : memref<100x128xf32, #tpu.memory_space<vmem>>, vector<16xf32>,
        tpu.vector_store %arg15[%parallel_loop3A_265, %parallel_loop3A_266], %parallel_loop3A_264 {strides = array<i32>} : memref<100x128xf32, #tpu.memory_space<vmem>>, vector<16xf32>,
        %parallel_loop3A_268 = arith.constant 6 : i32
        %parallel_loop3A_269 = vector.broadcast %parallel_loop3A_268 : i32 to vector<16xi32>
        %parallel_loop3A_270 = arith.constant 0 : i32
        %parallel_loop3A_271 = vector.broadcast %parallel_loop3A_270 : i32 to vector<16xi32>
        %parallel_loop3A_272 = arith.cmpi slt, %parallel_loop3A_269, %parallel_loop3A_271 : vector<16xi32>
        %parallel_loop3A_273 = arith.constant 16 : i32
        %parallel_loop3A_274 = vector.broadcast %parallel_loop3A_273 : i32 to vector<16xi32>
        %parallel_loop3A_275 = arith.addi %parallel_loop3A_269, %parallel_loop3A_274 : vector<16xi32>
        %parallel_loop3A_276 = arith.select %parallel_loop3A_272, %parallel_loop3A_275, %parallel_loop3A_269 : vector<16xi1>, vector<16xi32>
        %parallel_loop3A_277 = vector.shape_cast %parallel_loop3A_276 : vector<16xi32> to vector<16x1xi32>
        %parallel_loop3A_278 = vector.shape_cast %parallel_loop3A_277 : vector<16x1xi32> to vector<16xi32>
        %parallel_loop3A_279 = tpu.dynamic_gather %parallel_loop3A_149[%parallel_loop3A_278] in [0] : vector<16xf32>, vector<16xi32> -> vector<16xf32>
        %parallel_loop3A_280 = arith.index_cast %parallel_loop3A_151 : i32 to index
        %parallel_loop3A_281 = arith.constant 96 : index
        %parallel_loop3A_282 = tpu.vector_load %arg15[%parallel_loop3A_280, %parallel_loop3A_281] {strides = array<i32>} : memref<100x128xf32, #tpu.memory_space<vmem>>, vector<16xf32>,
        %parallel_loop3A_283 = arith.mulf %parallel_loop3A_282, %parallel_loop3A_279 : vector<16xf32>
        %parallel_loop3A_284 = arith.index_cast %parallel_loop3A_151 : i32 to index
        %parallel_loop3A_285 = arith.constant 96 : index
        %parallel_loop3A_286 = tpu.vector_load %arg15[%parallel_loop3A_284, %parallel_loop3A_285] {strides = array<i32>} : memref<100x128xf32, #tpu.memory_space<vmem>>, vector<16xf32>,
        tpu.vector_store %arg15[%parallel_loop3A_284, %parallel_loop3A_285], %parallel_loop3A_283 {strides = array<i32>} : memref<100x128xf32, #tpu.memory_space<vmem>>, vector<16xf32>,
        %parallel_loop3A_287 = arith.constant 7 : i32
        %parallel_loop3A_288 = vector.broadcast %parallel_loop3A_287 : i32 to vector<16xi32>
        %parallel_loop3A_289 = arith.constant 0 : i32
        %parallel_loop3A_290 = vector.broadcast %parallel_loop3A_289 : i32 to vector<16xi32>
        %parallel_loop3A_291 = arith.cmpi slt, %parallel_loop3A_288, %parallel_loop3A_290 : vector<16xi32>
        %parallel_loop3A_292 = arith.constant 16 : i32
        %parallel_loop3A_293 = vector.broadcast %parallel_loop3A_292 : i32 to vector<16xi32>
        %parallel_loop3A_294 = arith.addi %parallel_loop3A_288, %parallel_loop3A_293 : vector<16xi32>
        %parallel_loop3A_295 = arith.select %parallel_loop3A_291, %parallel_loop3A_294, %parallel_loop3A_288 : vector<16xi1>, vector<16xi32>
        %parallel_loop3A_296 = vector.shape_cast %parallel_loop3A_295 : vector<16xi32> to vector<16x1xi32>
        %parallel_loop3A_297 = vector.shape_cast %parallel_loop3A_296 : vector<16x1xi32> to vector<16xi32>
        %parallel_loop3A_298 = tpu.dynamic_gather %parallel_loop3A_149[%parallel_loop3A_297] in [0] : vector<16xf32>, vector<16xi32> -> vector<16xf32>
        %parallel_loop3A_299 = arith.index_cast %parallel_loop3A_151 : i32 to index
        %parallel_loop3A_300 = arith.constant 112 : index
        %parallel_loop3A_301 = tpu.vector_load %arg15[%parallel_loop3A_299, %parallel_loop3A_300] {strides = array<i32>} : memref<100x128xf32, #tpu.memory_space<vmem>>, vector<16xf32>,
        %parallel_loop3A_302 = arith.mulf %parallel_loop3A_301, %parallel_loop3A_298 : vector<16xf32>
        %parallel_loop3A_303 = arith.index_cast %parallel_loop3A_151 : i32 to index
        %parallel_loop3A_304 = arith.constant 112 : index
        %parallel_loop3A_305 = tpu.vector_load %arg15[%parallel_loop3A_303, %parallel_loop3A_304] {strides = array<i32>} : memref<100x128xf32, #tpu.memory_space<vmem>>, vector<16xf32>,
        tpu.vector_store %arg15[%parallel_loop3A_303, %parallel_loop3A_304], %parallel_loop3A_302 {strides = array<i32>} : memref<100x128xf32, #tpu.memory_space<vmem>>, vector<16xf32>,
        %parallel_loop3A_306 = arith.constant 8 : i32
        %parallel_loop3A_307 = vector.broadcast %parallel_loop3A_306 : i32 to vector<16xi32>
        %parallel_loop3A_308 = arith.constant 0 : i32
        %parallel_loop3A_309 = vector.broadcast %parallel_loop3A_308 : i32 to vector<16xi32>
        %parallel_loop3A_310 = arith.cmpi slt, %parallel_loop3A_307, %parallel_loop3A_309 : vector<16xi32>
        %parallel_loop3A_311 = arith.constant 16 : i32
        %parallel_loop3A_312 = vector.broadcast %parallel_loop3A_311 : i32 to vector<16xi32>
        %parallel_loop3A_313 = arith.addi %parallel_loop3A_307, %parallel_loop3A_312 : vector<16xi32>
        %parallel_loop3A_314 = arith.select %parallel_loop3A_310, %parallel_loop3A_313, %parallel_loop3A_307 : vector<16xi1>, vector<16xi32>
        %parallel_loop3A_315 = vector.shape_cast %parallel_loop3A_314 : vector<16xi32> to vector<16x1xi32>
        %parallel_loop3A_316 = vector.shape_cast %parallel_loop3A_315 : vector<16x1xi32> to vector<16xi32>
        %parallel_loop3A_317 = tpu.dynamic_gather %parallel_loop3A_149[%parallel_loop3A_316] in [0] : vector<16xf32>, vector<16xi32> -> vector<16xf32>
        %parallel_loop3A_318 = arith.index_cast %parallel_loop3A_153 : i32 to index
        %parallel_loop3A_319 = arith.constant 0 : index
        %parallel_loop3A_320 = tpu.vector_load %arg15[%parallel_loop3A_318, %parallel_loop3A_319] {strides = array<i32>} : memref<100x128xf32, #tpu.memory_space<vmem>>, vector<16xf32>,
        %parallel_loop3A_321 = arith.mulf %parallel_loop3A_320, %parallel_loop3A_317 : vector<16xf32>
        %parallel_loop3A_322 = arith.index_cast %parallel_loop3A_153 : i32 to index
        %parallel_loop3A_323 = arith.constant 0 : index
        %parallel_loop3A_324 = tpu.vector_load %arg15[%parallel_loop3A_322, %parallel_loop3A_323] {strides = array<i32>} : memref<100x128xf32, #tpu.memory_space<vmem>>, vector<16xf32>,
        tpu.vector_store %arg15[%parallel_loop3A_322, %parallel_loop3A_323], %parallel_loop3A_321 {strides = array<i32>} : memref<100x128xf32, #tpu.memory_space<vmem>>, vector<16xf32>,
        %parallel_loop3A_325 = arith.constant 9 : i32
        %parallel_loop3A_326 = vector.broadcast %parallel_loop3A_325 : i32 to vector<16xi32>
        %parallel_loop3A_327 = arith.constant 0 : i32
        %parallel_loop3A_328 = vector.broadcast %parallel_loop3A_327 : i32 to vector<16xi32>
        %parallel_loop3A_329 = arith.cmpi slt, %parallel_loop3A_326, %parallel_loop3A_328 : vector<16xi32>
        %parallel_loop3A_330 = arith.constant 16 : i32
        %parallel_loop3A_331 = vector.broadcast %parallel_loop3A_330 : i32 to vector<16xi32>
        %parallel_loop3A_332 = arith.addi %parallel_loop3A_326, %parallel_loop3A_331 : vector<16xi32>
        %parallel_loop3A_333 = arith.select %parallel_loop3A_329, %parallel_loop3A_332, %parallel_loop3A_326 : vector<16xi1>, vector<16xi32>
        %parallel_loop3A_334 = vector.shape_cast %parallel_loop3A_333 : vector<16xi32> to vector<16x1xi32>
        %parallel_loop3A_335 = vector.shape_cast %parallel_loop3A_334 : vector<16x1xi32> to vector<16xi32>
        %parallel_loop3A_336 = tpu.dynamic_gather %parallel_loop3A_149[%parallel_loop3A_335] in [0] : vector<16xf32>, vector<16xi32> -> vector<16xf32>
        %parallel_loop3A_337 = arith.index_cast %parallel_loop3A_153 : i32 to index
        %parallel_loop3A_338 = arith.constant 16 : index
        %parallel_loop3A_339 = tpu.vector_load %arg15[%parallel_loop3A_337, %parallel_loop3A_338] {strides = array<i32>} : memref<100x128xf32, #tpu.memory_space<vmem>>, vector<16xf32>,
        %parallel_loop3A_340 = arith.mulf %parallel_loop3A_339, %parallel_loop3A_336 : vector<16xf32>
        %parallel_loop3A_341 = arith.index_cast %parallel_loop3A_153 : i32 to index
        %parallel_loop3A_342 = arith.constant 16 : index
        %parallel_loop3A_343 = tpu.vector_load %arg15[%parallel_loop3A_341, %parallel_loop3A_342] {strides = array<i32>} : memref<100x128xf32, #tpu.memory_space<vmem>>, vector<16xf32>,
        tpu.vector_store %arg15[%parallel_loop3A_341, %parallel_loop3A_342], %parallel_loop3A_340 {strides = array<i32>} : memref<100x128xf32, #tpu.memory_space<vmem>>, vector<16xf32>,
        %parallel_loop3A_344 = arith.constant 10 : i32
        %parallel_loop3A_345 = vector.broadcast %parallel_loop3A_344 : i32 to vector<16xi32>
        %parallel_loop3A_346 = arith.constant 0 : i32
        %parallel_loop3A_347 = vector.broadcast %parallel_loop3A_346 : i32 to vector<16xi32>
        %parallel_loop3A_348 = arith.cmpi slt, %parallel_loop3A_345, %parallel_loop3A_347 : vector<16xi32>
        %parallel_loop3A_349 = arith.constant 16 : i32
        %parallel_loop3A_350 = vector.broadcast %parallel_loop3A_349 : i32 to vector<16xi32>
        %parallel_loop3A_351 = arith.addi %parallel_loop3A_345, %parallel_loop3A_350 : vector<16xi32>
        %parallel_loop3A_352 = arith.select %parallel_loop3A_348, %parallel_loop3A_351, %parallel_loop3A_345 : vector<16xi1>, vector<16xi32>
        %parallel_loop3A_353 = vector.shape_cast %parallel_loop3A_352 : vector<16xi32> to vector<16x1xi32>
        %parallel_loop3A_354 = vector.shape_cast %parallel_loop3A_353 : vector<16x1xi32> to vector<16xi32>
        %parallel_loop3A_355 = tpu.dynamic_gather %parallel_loop3A_149[%parallel_loop3A_354] in [0] : vector<16xf32>, vector<16xi32> -> vector<16xf32>
        %parallel_loop3A_356 = arith.index_cast %parallel_loop3A_153 : i32 to index
        %parallel_loop3A_357 = arith.constant 32 : index
        %parallel_loop3A_358 = tpu.vector_load %arg15[%parallel_loop3A_356, %parallel_loop3A_357] {strides = array<i32>} : memref<100x128xf32, #tpu.memory_space<vmem>>, vector<16xf32>,
        %parallel_loop3A_359 = arith.mulf %parallel_loop3A_358, %parallel_loop3A_355 : vector<16xf32>
        %parallel_loop3A_360 = arith.index_cast %parallel_loop3A_153 : i32 to index
        %parallel_loop3A_361 = arith.constant 32 : index
        %parallel_loop3A_362 = tpu.vector_load %arg15[%parallel_loop3A_360, %parallel_loop3A_361] {strides = array<i32>} : memref<100x128xf32, #tpu.memory_space<vmem>>, vector<16xf32>,
        tpu.vector_store %arg15[%parallel_loop3A_360, %parallel_loop3A_361], %parallel_loop3A_359 {strides = array<i32>} : memref<100x128xf32, #tpu.memory_space<vmem>>, vector<16xf32>,
        %parallel_loop3A_363 = arith.constant 11 : i32
        %parallel_loop3A_364 = vector.broadcast %parallel_loop3A_363 : i32 to vector<16xi32>
        %parallel_loop3A_365 = arith.constant 0 : i32
        %parallel_loop3A_366 = vector.broadcast %parallel_loop3A_365 : i32 to vector<16xi32>
        %parallel_loop3A_367 = arith.cmpi slt, %parallel_loop3A_364, %parallel_loop3A_366 : vector<16xi32>
        %parallel_loop3A_368 = arith.constant 16 : i32
        %parallel_loop3A_369 = vector.broadcast %parallel_loop3A_368 : i32 to vector<16xi32>
        %parallel_loop3A_370 = arith.addi %parallel_loop3A_364, %parallel_loop3A_369 : vector<16xi32>
        %parallel_loop3A_371 = arith.select %parallel_loop3A_367, %parallel_loop3A_370, %parallel_loop3A_364 : vector<16xi1>, vector<16xi32>
        %parallel_loop3A_372 = vector.shape_cast %parallel_loop3A_371 : vector<16xi32> to vector<16x1xi32>
        %parallel_loop3A_373 = vector.shape_cast %parallel_loop3A_372 : vector<16x1xi32> to vector<16xi32>
        %parallel_loop3A_374 = tpu.dynamic_gather %parallel_loop3A_149[%parallel_loop3A_373] in [0] : vector<16xf32>, vector<16xi32> -> vector<16xf32>
        %parallel_loop3A_375 = arith.index_cast %parallel_loop3A_153 : i32 to index
        %parallel_loop3A_376 = arith.constant 48 : index
        %parallel_loop3A_377 = tpu.vector_load %arg15[%parallel_loop3A_375, %parallel_loop3A_376] {strides = array<i32>} : memref<100x128xf32, #tpu.memory_space<vmem>>, vector<16xf32>,
        %parallel_loop3A_378 = arith.mulf %parallel_loop3A_377, %parallel_loop3A_374 : vector<16xf32>
        %parallel_loop3A_379 = arith.index_cast %parallel_loop3A_153 : i32 to index
        %parallel_loop3A_380 = arith.constant 48 : index
        %parallel_loop3A_381 = tpu.vector_load %arg15[%parallel_loop3A_379, %parallel_loop3A_380] {strides = array<i32>} : memref<100x128xf32, #tpu.memory_space<vmem>>, vector<16xf32>,
        tpu.vector_store %arg15[%parallel_loop3A_379, %parallel_loop3A_380], %parallel_loop3A_378 {strides = array<i32>} : memref<100x128xf32, #tpu.memory_space<vmem>>, vector<16xf32>,
        %parallel_loop3A_382 = arith.constant 12 : i32
        %parallel_loop3A_383 = vector.broadcast %parallel_loop3A_382 : i32 to vector<16xi32>
        %parallel_loop3A_384 = arith.constant 0 : i32
        %parallel_loop3A_385 = vector.broadcast %parallel_loop3A_384 : i32 to vector<16xi32>
        %parallel_loop3A_386 = arith.cmpi slt, %parallel_loop3A_383, %parallel_loop3A_385 : vector<16xi32>
        %parallel_loop3A_387 = arith.constant 16 : i32
        %parallel_loop3A_388 = vector.broadcast %parallel_loop3A_387 : i32 to vector<16xi32>
        %parallel_loop3A_389 = arith.addi %parallel_loop3A_383, %parallel_loop3A_388 : vector<16xi32>
        %parallel_loop3A_390 = arith.select %parallel_loop3A_386, %parallel_loop3A_389, %parallel_loop3A_383 : vector<16xi1>, vector<16xi32>
        %parallel_loop3A_391 = vector.shape_cast %parallel_loop3A_390 : vector<16xi32> to vector<16x1xi32>
        %parallel_loop3A_392 = vector.shape_cast %parallel_loop3A_391 : vector<16x1xi32> to vector<16xi32>
        %parallel_loop3A_393 = tpu.dynamic_gather %parallel_loop3A_149[%parallel_loop3A_392] in [0] : vector<16xf32>, vector<16xi32> -> vector<16xf32>
        %parallel_loop3A_394 = arith.index_cast %parallel_loop3A_153 : i32 to index
        %parallel_loop3A_395 = arith.constant 64 : index
        %parallel_loop3A_396 = tpu.vector_load %arg15[%parallel_loop3A_394, %parallel_loop3A_395] {strides = array<i32>} : memref<100x128xf32, #tpu.memory_space<vmem>>, vector<16xf32>,
        %parallel_loop3A_397 = arith.mulf %parallel_loop3A_396, %parallel_loop3A_393 : vector<16xf32>
        %parallel_loop3A_398 = arith.index_cast %parallel_loop3A_153 : i32 to index
        %parallel_loop3A_399 = arith.constant 64 : index
        %parallel_loop3A_400 = tpu.vector_load %arg15[%parallel_loop3A_398, %parallel_loop3A_399] {strides = array<i32>} : memref<100x128xf32, #tpu.memory_space<vmem>>, vector<16xf32>,
        tpu.vector_store %arg15[%parallel_loop3A_398, %parallel_loop3A_399], %parallel_loop3A_397 {strides = array<i32>} : memref<100x128xf32, #tpu.memory_space<vmem>>, vector<16xf32>,
        %parallel_loop3A_401 = arith.constant 13 : i32
        %parallel_loop3A_402 = vector.broadcast %parallel_loop3A_401 : i32 to vector<16xi32>
        %parallel_loop3A_403 = arith.constant 0 : i32
        %parallel_loop3A_404 = vector.broadcast %parallel_loop3A_403 : i32 to vector<16xi32>
        %parallel_loop3A_405 = arith.cmpi slt, %parallel_loop3A_402, %parallel_loop3A_404 : vector<16xi32>
        %parallel_loop3A_406 = arith.constant 16 : i32
        %parallel_loop3A_407 = vector.broadcast %parallel_loop3A_406 : i32 to vector<16xi32>
        %parallel_loop3A_408 = arith.addi %parallel_loop3A_402, %parallel_loop3A_407 : vector<16xi32>
        %parallel_loop3A_409 = arith.select %parallel_loop3A_405, %parallel_loop3A_408, %parallel_loop3A_402 : vector<16xi1>, vector<16xi32>
        %parallel_loop3A_410 = vector.shape_cast %parallel_loop3A_409 : vector<16xi32> to vector<16x1xi32>
        %parallel_loop3A_411 = vector.shape_cast %parallel_loop3A_410 : vector<16x1xi32> to vector<16xi32>
        %parallel_loop3A_412 = tpu.dynamic_gather %parallel_loop3A_149[%parallel_loop3A_411] in [0] : vector<16xf32>, vector<16xi32> -> vector<16xf32>
        %parallel_loop3A_413 = arith.index_cast %parallel_loop3A_153 : i32 to index
        %parallel_loop3A_414 = arith.constant 80 : index
        %parallel_loop3A_415 = tpu.vector_load %arg15[%parallel_loop3A_413, %parallel_loop3A_414] {strides = array<i32>} : memref<100x128xf32, #tpu.memory_space<vmem>>, vector<16xf32>,
        %parallel_loop3A_416 = arith.mulf %parallel_loop3A_415, %parallel_loop3A_412 : vector<16xf32>
        %parallel_loop3A_417 = arith.index_cast %parallel_loop3A_153 : i32 to index
        %parallel_loop3A_418 = arith.constant 80 : index
        %parallel_loop3A_419 = tpu.vector_load %arg15[%parallel_loop3A_417, %parallel_loop3A_418] {strides = array<i32>} : memref<100x128xf32, #tpu.memory_space<vmem>>, vector<16xf32>,
        tpu.vector_store %arg15[%parallel_loop3A_417, %parallel_loop3A_418], %parallel_loop3A_416 {strides = array<i32>} : memref<100x128xf32, #tpu.memory_space<vmem>>, vector<16xf32>,
        %parallel_loop3A_420 = arith.constant 14 : i32
        %parallel_loop3A_421 = vector.broadcast %parallel_loop3A_420 : i32 to vector<16xi32>
        %parallel_loop3A_422 = arith.constant 0 : i32
        %parallel_loop3A_423 = vector.broadcast %parallel_loop3A_422 : i32 to vector<16xi32>
        %parallel_loop3A_424 = arith.cmpi slt, %parallel_loop3A_421, %parallel_loop3A_423 : vector<16xi32>
        %parallel_loop3A_425 = arith.constant 16 : i32
        %parallel_loop3A_426 = vector.broadcast %parallel_loop3A_425 : i32 to vector<16xi32>
        %parallel_loop3A_427 = arith.addi %parallel_loop3A_421, %parallel_loop3A_426 : vector<16xi32>
        %parallel_loop3A_428 = arith.select %parallel_loop3A_424, %parallel_loop3A_427, %parallel_loop3A_421 : vector<16xi1>, vector<16xi32>
        %parallel_loop3A_429 = vector.shape_cast %parallel_loop3A_428 : vector<16xi32> to vector<16x1xi32>
        %parallel_loop3A_430 = vector.shape_cast %parallel_loop3A_429 : vector<16x1xi32> to vector<16xi32>
        %parallel_loop3A_431 = tpu.dynamic_gather %parallel_loop3A_149[%parallel_loop3A_430] in [0] : vector<16xf32>, vector<16xi32> -> vector<16xf32>
        %parallel_loop3A_432 = arith.index_cast %parallel_loop3A_153 : i32 to index
        %parallel_loop3A_433 = arith.constant 96 : index
        %parallel_loop3A_434 = tpu.vector_load %arg15[%parallel_loop3A_432, %parallel_loop3A_433] {strides = array<i32>} : memref<100x128xf32, #tpu.memory_space<vmem>>, vector<16xf32>,
        %parallel_loop3A_435 = arith.mulf %parallel_loop3A_434, %parallel_loop3A_431 : vector<16xf32>
        %parallel_loop3A_436 = arith.index_cast %parallel_loop3A_153 : i32 to index
        %parallel_loop3A_437 = arith.constant 96 : index
        %parallel_loop3A_438 = tpu.vector_load %arg15[%parallel_loop3A_436, %parallel_loop3A_437] {strides = array<i32>} : memref<100x128xf32, #tpu.memory_space<vmem>>, vector<16xf32>,
        tpu.vector_store %arg15[%parallel_loop3A_436, %parallel_loop3A_437], %parallel_loop3A_435 {strides = array<i32>} : memref<100x128xf32, #tpu.memory_space<vmem>>, vector<16xf32>,
        %parallel_loop3A_439 = arith.constant 15 : i32
        %parallel_loop3A_440 = vector.broadcast %parallel_loop3A_439 : i32 to vector<16xi32>
        %parallel_loop3A_441 = arith.constant 0 : i32
        %parallel_loop3A_442 = vector.broadcast %parallel_loop3A_441 : i32 to vector<16xi32>
        %parallel_loop3A_443 = arith.cmpi slt, %parallel_loop3A_440, %parallel_loop3A_442 : vector<16xi32>
        %parallel_loop3A_444 = arith.constant 16 : i32
        %parallel_loop3A_445 = vector.broadcast %parallel_loop3A_444 : i32 to vector<16xi32>
        %parallel_loop3A_446 = arith.addi %parallel_loop3A_440, %parallel_loop3A_445 : vector<16xi32>
        %parallel_loop3A_447 = arith.select %parallel_loop3A_443, %parallel_loop3A_446, %parallel_loop3A_440 : vector<16xi1>, vector<16xi32>
        %parallel_loop3A_448 = vector.shape_cast %parallel_loop3A_447 : vector<16xi32> to vector<16x1xi32>
        %parallel_loop3A_449 = vector.shape_cast %parallel_loop3A_448 : vector<16x1xi32> to vector<16xi32>
        %parallel_loop3A_450 = tpu.dynamic_gather %parallel_loop3A_149[%parallel_loop3A_449] in [0] : vector<16xf32>, vector<16xi32> -> vector<16xf32>
        %parallel_loop3A_451 = arith.index_cast %parallel_loop3A_153 : i32 to index
        %parallel_loop3A_452 = arith.constant 112 : index
        %parallel_loop3A_453 = tpu.vector_load %arg15[%parallel_loop3A_451, %parallel_loop3A_452] {strides = array<i32>} : memref<100x128xf32, #tpu.memory_space<vmem>>, vector<16xf32>,
        %parallel_loop3A_454 = arith.mulf %parallel_loop3A_453, %parallel_loop3A_450 : vector<16xf32>
        %parallel_loop3A_455 = arith.index_cast %parallel_loop3A_153 : i32 to index
        %parallel_loop3A_456 = arith.constant 112 : index
        %parallel_loop3A_457 = tpu.vector_load %arg15[%parallel_loop3A_455, %parallel_loop3A_456] {strides = array<i32>} : memref<100x128xf32, #tpu.memory_space<vmem>>, vector<16xf32>,
        tpu.vector_store %arg15[%parallel_loop3A_455, %parallel_loop3A_456], %parallel_loop3A_454 {strides = array<i32>} : memref<100x128xf32, #tpu.memory_space<vmem>>, vector<16xf32>,
      } {sc.loop_unroll_factor = 2 : i64, sc.parallel_access}
      %mul3A_113 = arith.constant 10000 : i32
      %mul3A_114 = arith.muli %add3A, %mul3A_113 : i32
      %mul3A_115 = arith.constant 100 : i32
      %mul3A_116 = arith.muli %mul3A_51, %mul3A_115 : i32
      %add3A_117 = arith.addi %mul3A_114, %mul3A_116 : i32
      "tpu.region"() ({
        %run_scoped3A = tpu.sem_alloc : memref<!tpu.dma_semaphore, #tpu.memory_space<semaphore_mem>>
        %dma_start3A_142 = arith.constant 0 : i32
        %dma_start3A_143 = tpu.memref_slice %arg7[%add3A_117, %dma_start3A_142] : memref<320000x8xf32, #tpu.memory_space<hbm>> -> memref<100x8xf32, #tpu.memory_space<hbm>>
        %dma_start3A_144 = arith.constant 0 : i32
        %dma_start3A_145 = tpu.memref_slice %arg7[%add3A_117, %dma_start3A_144] : memref<320000x8xf32, #tpu.memory_space<hbm>> -> memref<100x8xf32, #tpu.memory_space<hbm>>
        tpu.enqueue_dma source(%arg11 : memref<100x8xf32, #tpu.memory_space<vmem>>) target(%dma_start3A_145 : memref<100x8xf32, #tpu.memory_space<hbm>>) target_semaphore(%run_scoped3A : memref<!tpu.dma_semaphore, #tpu.memory_space<semaphore_mem>>)
        %dma_wait3A_146 = arith.constant 0 : i32
        %dma_wait3A_147 = tpu.memref_slice %arg7[%add3A_117, %dma_wait3A_146] : memref<320000x8xf32, #tpu.memory_space<hbm>> -> memref<100x8xf32, #tpu.memory_space<hbm>>
        %dma_wait3A_148 = arith.constant 0 : i32
        %dma_wait3A_149 = tpu.memref_slice %arg7[%add3A_117, %dma_wait3A_148] : memref<320000x8xf32, #tpu.memory_space<hbm>> -> memref<100x8xf32, #tpu.memory_space<hbm>>
        tpu.wait_dma2 semaphore(%run_scoped3A : memref<!tpu.dma_semaphore, #tpu.memory_space<semaphore_mem>>) src(%arg11 : memref<100x8xf32, #tpu.memory_space<vmem>>) dst(%dma_wait3A_149 : memref<100x8xf32, #tpu.memory_space<hbm>>)
        tpu.yield
      }) : () -> ()
      "tpu.region"() ({
        %run_scoped3A = tpu.sem_alloc : memref<!tpu.dma_semaphore, #tpu.memory_space<semaphore_mem>>
        %dma_start3A_142 = arith.constant 0 : i32
        %dma_start3A_143 = tpu.memref_slice %arg10[%mul3A_51, %dma_start3A_142] : memref<100x100xi32, #tpu.memory_space<vmem>> -> memref<1x100xi32, #tpu.memory_space<vmem>>
        %dma_start3A_144 = tpu.memref_squeeze %dma_start3A_143 : memref<1x100xi32, #tpu.memory_space<vmem>> -> memref<100xi32, #tpu.memory_space<vmem>>
        %dma_start3A_145 = arith.constant 0 : i32
        %dma_start3A_146 = arith.constant 0 : i32
        %dma_start3A_147 = tpu.memref_slice %arg17[%dma_start3A_145, %dma_start3A_146] : memref<10000x128xf32, #tpu.memory_space<vmem_shared>> -> memref<10000x128xf32, #tpu.memory_space<vmem_shared>>
        tpu.enqueue_indirect_dma source(%arg15 : memref<100x128xf32, #tpu.memory_space<vmem>>) target(%dma_start3A_147 : memref<10000x128xf32, #tpu.memory_space<vmem_shared>>) offsets(%dma_start3A_144 : memref<100xi32, #tpu.memory_space<vmem>>) semaphore(%run_scoped3A : memref<!tpu.dma_semaphore, #tpu.memory_space<semaphore_mem>>) {add = true}
        %dma_wait3A_148 = arith.constant 0 : i32
        %dma_wait3A_149 = tpu.memref_slice %arg10[%mul3A_51, %dma_wait3A_148] : memref<100x100xi32, #tpu.memory_space<vmem>> -> memref<1x100xi32, #tpu.memory_space<vmem>>
        %dma_wait3A_150 = tpu.memref_squeeze %dma_wait3A_149 : memref<1x100xi32, #tpu.memory_space<vmem>> -> memref<100xi32, #tpu.memory_space<vmem>>
        %dma_wait3A_151 = arith.constant 0 : i32
        %dma_wait3A_152 = arith.constant 0 : i32
        %dma_wait3A_153 = tpu.memref_slice %arg17[%dma_wait3A_151, %dma_wait3A_152] : memref<10000x128xf32, #tpu.memory_space<vmem_shared>> -> memref<10000x128xf32, #tpu.memory_space<vmem_shared>>
        tpu.wait_indirect_dma semaphore(%run_scoped3A : memref<!tpu.dma_semaphore, #tpu.memory_space<semaphore_mem>>) src(%arg15 : memref<100x128xf32, #tpu.memory_space<vmem>>) dst(%dma_wait3A_153 : memref<10000x128xf32, #tpu.memory_space<vmem_shared>>)
        tpu.yield
      }) : () -> ()
      %dma_wait3A_118 = arith.constant 0 : i32
      %dma_wait3A_119 = tpu.memref_slice %arg9[%add3A_53, %dma_wait3A_118] : memref<100x100xi32, #tpu.memory_space<vmem>> -> memref<1x100xi32, #tpu.memory_space<vmem>>
      %dma_wait3A_120 = tpu.memref_squeeze %dma_wait3A_119 : memref<1x100xi32, #tpu.memory_space<vmem>> -> memref<100xi32, #tpu.memory_space<vmem>>
      %dma_wait3A_121 = arith.constant 0 : i32
      %dma_wait3A_122 = arith.constant 0 : i32
      %dma_wait3A_123 = tpu.memref_slice %arg6[%dma_wait3A_121, %dma_wait3A_122] : memref<10000x128xf32, #tpu.memory_space<hbm>> -> memref<10000x128xf32, #tpu.memory_space<hbm>>
      tpu.wait_indirect_dma semaphore(%arg19 : memref<!tpu.dma_semaphore, #tpu.memory_space<semaphore_mem>>) src(%dma_wait3A_123 : memref<10000x128xf32, #tpu.memory_space<hbm>>) dst(%arg16 : memref<100x128xf32, #tpu.memory_space<vmem>>)
      %dma_wait3A_124 = arith.constant 0 : i32
      %dma_wait3A_125 = tpu.memref_slice %arg10[%add3A_53, %dma_wait3A_124] : memref<100x100xi32, #tpu.memory_space<vmem>> -> memref<1x100xi32, #tpu.memory_space<vmem>>
      %dma_wait3A_126 = tpu.memref_squeeze %dma_wait3A_125 : memref<1x100xi32, #tpu.memory_space<vmem>> -> memref<100xi32, #tpu.memory_space<vmem>>
      %dma_wait3A_127 = arith.constant 0 : i32
      %dma_wait3A_128 = arith.constant 0 : i32
      %dma_wait3A_129 = tpu.memref_slice %arg5[%dma_wait3A_127, %dma_wait3A_128] : memref<10240x8xf32, #tpu.memory_space<hbm>> -> memref<10240x8xf32, #tpu.memory_space<hbm>>
      tpu.wait_indirect_dma semaphore(%arg19 : memref<!tpu.dma_semaphore, #tpu.memory_space<semaphore_mem>>) src(%dma_wait3A_129 : memref<10240x8xf32, #tpu.memory_space<hbm>>) dst(%arg14 : memref<100x8xf32, #tpu.memory_space<vmem>>)
      %dma_wait3A_130 = arith.constant 0 : i32
      %dma_wait3A_131 = tpu.memref_slice %arg4[%add3A_78, %dma_wait3A_130] : memref<320000x8xf32, #tpu.memory_space<hbm>> -> memref<100x8xf32, #tpu.memory_space<hbm>>
      %dma_wait3A_132 = arith.constant 0 : i32
      %dma_wait3A_133 = tpu.memref_slice %arg4[%add3A_78, %dma_wait3A_132] : memref<320000x8xf32, #tpu.memory_space<hbm>> -> memref<100x8xf32, #tpu.memory_space<hbm>>
      tpu.wait_dma2 semaphore(%arg19 : memref<!tpu.dma_semaphore, #tpu.memory_space<semaphore_mem>>) src(%dma_wait3A_133 : memref<100x8xf32, #tpu.memory_space<hbm>>) dst(%arg12 : memref<100x8xf32, #tpu.memory_space<vmem>>)
      %parallel_loop3A_134 = arith.constant 0 : i32
      %parallel_loop3A_135 = arith.constant 50 : i32
      %parallel_loop3A_136 = arith.constant 1 : i32
      scf.for %parallel_loop3A_142 = %parallel_loop3A_134 to %parallel_loop3A_135 step %parallel_loop3A_136  : i32 {
        %parallel_loop3A_143 = arith.constant 2 : i32
        %parallel_loop3A_144 = arith.muli %parallel_loop3A_143, %parallel_loop3A_142 : i32
        %parallel_loop3A_145 = vector.broadcast %parallel_loop3A_144 : i32 to vector<16xi32>
        %parallel_loop3A_146 = arith.addi %parallel_loop3A_145, %select_n3A : vector<16xi32>
        %parallel_loop3A_147 = tpu.vector_load_idx %arg12[%parallel_loop3A_146, %and3A_38] : memref<100x8xf32, #tpu.memory_space<vmem>>[vector<16xi32>, vector<16xi32>], vector<16xf32>,
        %parallel_loop3A_148 = tpu.vector_load_idx %arg14[%parallel_loop3A_146, %and3A_38] : memref<100x8xf32, #tpu.memory_space<vmem>>[vector<16xi32>, vector<16xi32>], vector<16xf32>,
        %parallel_loop3A_149 = arith.mulf %parallel_loop3A_147, %parallel_loop3A_148 : vector<16xf32>
        tpu.vector_store_idx %arg12[%parallel_loop3A_146, %and3A_38], %parallel_loop3A_149 : memref<100x8xf32, #tpu.memory_space<vmem>>[vector<16xi32>, vector<16xi32>], vector<16xf32>,
        %parallel_loop3A_150 = arith.constant 2 : i32
        %parallel_loop3A_151 = arith.muli %parallel_loop3A_150, %parallel_loop3A_142 : i32
        %parallel_loop3A_152 = arith.constant 1 : i32
        %parallel_loop3A_153 = arith.addi %parallel_loop3A_151, %parallel_loop3A_152 : i32
        %parallel_loop3A_154 = arith.constant 0 : i32
        %parallel_loop3A_155 = vector.broadcast %parallel_loop3A_154 : i32 to vector<16xi32>
        %parallel_loop3A_156 = arith.constant 0 : i32
        %parallel_loop3A_157 = vector.broadcast %parallel_loop3A_156 : i32 to vector<16xi32>
        %parallel_loop3A_158 = arith.cmpi slt, %parallel_loop3A_155, %parallel_loop3A_157 : vector<16xi32>
        %parallel_loop3A_159 = arith.constant 16 : i32
        %parallel_loop3A_160 = vector.broadcast %parallel_loop3A_159 : i32 to vector<16xi32>
        %parallel_loop3A_161 = arith.addi %parallel_loop3A_155, %parallel_loop3A_160 : vector<16xi32>
        %parallel_loop3A_162 = arith.select %parallel_loop3A_158, %parallel_loop3A_161, %parallel_loop3A_155 : vector<16xi1>, vector<16xi32>
        %parallel_loop3A_163 = vector.shape_cast %parallel_loop3A_162 : vector<16xi32> to vector<16x1xi32>
        %parallel_loop3A_164 = vector.shape_cast %parallel_loop3A_163 : vector<16x1xi32> to vector<16xi32>
        %parallel_loop3A_165 = tpu.dynamic_gather %parallel_loop3A_149[%parallel_loop3A_164] in [0] : vector<16xf32>, vector<16xi32> -> vector<16xf32>
        %parallel_loop3A_166 = arith.index_cast %parallel_loop3A_151 : i32 to index
        %parallel_loop3A_167 = arith.constant 0 : index
        %parallel_loop3A_168 = tpu.vector_load %arg16[%parallel_loop3A_166, %parallel_loop3A_167] {strides = array<i32>} : memref<100x128xf32, #tpu.memory_space<vmem>>, vector<16xf32>,
        %parallel_loop3A_169 = arith.mulf %parallel_loop3A_168, %parallel_loop3A_165 : vector<16xf32>
        %parallel_loop3A_170 = arith.index_cast %parallel_loop3A_151 : i32 to index
        %parallel_loop3A_171 = arith.constant 0 : index
        %parallel_loop3A_172 = tpu.vector_load %arg16[%parallel_loop3A_170, %parallel_loop3A_171] {strides = array<i32>} : memref<100x128xf32, #tpu.memory_space<vmem>>, vector<16xf32>,
        tpu.vector_store %arg16[%parallel_loop3A_170, %parallel_loop3A_171], %parallel_loop3A_169 {strides = array<i32>} : memref<100x128xf32, #tpu.memory_space<vmem>>, vector<16xf32>,
        %parallel_loop3A_173 = arith.constant 1 : i32
        %parallel_loop3A_174 = vector.broadcast %parallel_loop3A_173 : i32 to vector<16xi32>
        %parallel_loop3A_175 = arith.constant 0 : i32
        %parallel_loop3A_176 = vector.broadcast %parallel_loop3A_175 : i32 to vector<16xi32>
        %parallel_loop3A_177 = arith.cmpi slt, %parallel_loop3A_174, %parallel_loop3A_176 : vector<16xi32>
        %parallel_loop3A_178 = arith.constant 16 : i32
        %parallel_loop3A_179 = vector.broadcast %parallel_loop3A_178 : i32 to vector<16xi32>
        %parallel_loop3A_180 = arith.addi %parallel_loop3A_174, %parallel_loop3A_179 : vector<16xi32>
        %parallel_loop3A_181 = arith.select %parallel_loop3A_177, %parallel_loop3A_180, %parallel_loop3A_174 : vector<16xi1>, vector<16xi32>
        %parallel_loop3A_182 = vector.shape_cast %parallel_loop3A_181 : vector<16xi32> to vector<16x1xi32>
        %parallel_loop3A_183 = vector.shape_cast %parallel_loop3A_182 : vector<16x1xi32> to vector<16xi32>
        %parallel_loop3A_184 = tpu.dynamic_gather %parallel_loop3A_149[%parallel_loop3A_183] in [0] : vector<16xf32>, vector<16xi32> -> vector<16xf32>
        %parallel_loop3A_185 = arith.index_cast %parallel_loop3A_151 : i32 to index
        %parallel_loop3A_186 = arith.constant 16 : index
        %parallel_loop3A_187 = tpu.vector_load %arg16[%parallel_loop3A_185, %parallel_loop3A_186] {strides = array<i32>} : memref<100x128xf32, #tpu.memory_space<vmem>>, vector<16xf32>,
        %parallel_loop3A_188 = arith.mulf %parallel_loop3A_187, %parallel_loop3A_184 : vector<16xf32>
        %parallel_loop3A_189 = arith.index_cast %parallel_loop3A_151 : i32 to index
        %parallel_loop3A_190 = arith.constant 16 : index
        %parallel_loop3A_191 = tpu.vector_load %arg16[%parallel_loop3A_189, %parallel_loop3A_190] {strides = array<i32>} : memref<100x128xf32, #tpu.memory_space<vmem>>, vector<16xf32>,
        tpu.vector_store %arg16[%parallel_loop3A_189, %parallel_loop3A_190], %parallel_loop3A_188 {strides = array<i32>} : memref<100x128xf32, #tpu.memory_space<vmem>>, vector<16xf32>,
        %parallel_loop3A_192 = arith.constant 2 : i32
        %parallel_loop3A_193 = vector.broadcast %parallel_loop3A_192 : i32 to vector<16xi32>
        %parallel_loop3A_194 = arith.constant 0 : i32
        %parallel_loop3A_195 = vector.broadcast %parallel_loop3A_194 : i32 to vector<16xi32>
        %parallel_loop3A_196 = arith.cmpi slt, %parallel_loop3A_193, %parallel_loop3A_195 : vector<16xi32>
        %parallel_loop3A_197 = arith.constant 16 : i32
        %parallel_loop3A_198 = vector.broadcast %parallel_loop3A_197 : i32 to vector<16xi32>
        %parallel_loop3A_199 = arith.addi %parallel_loop3A_193, %parallel_loop3A_198 : vector<16xi32>
        %parallel_loop3A_200 = arith.select %parallel_loop3A_196, %parallel_loop3A_199, %parallel_loop3A_193 : vector<16xi1>, vector<16xi32>
        %parallel_loop3A_201 = vector.shape_cast %parallel_loop3A_200 : vector<16xi32> to vector<16x1xi32>
        %parallel_loop3A_202 = vector.shape_cast %parallel_loop3A_201 : vector<16x1xi32> to vector<16xi32>
        %parallel_loop3A_203 = tpu.dynamic_gather %parallel_loop3A_149[%parallel_loop3A_202] in [0] : vector<16xf32>, vector<16xi32> -> vector<16xf32>
        %parallel_loop3A_204 = arith.index_cast %parallel_loop3A_151 : i32 to index
        %parallel_loop3A_205 = arith.constant 32 : index
        %parallel_loop3A_206 = tpu.vector_load %arg16[%parallel_loop3A_204, %parallel_loop3A_205] {strides = array<i32>} : memref<100x128xf32, #tpu.memory_space<vmem>>, vector<16xf32>,
        %parallel_loop3A_207 = arith.mulf %parallel_loop3A_206, %parallel_loop3A_203 : vector<16xf32>
        %parallel_loop3A_208 = arith.index_cast %parallel_loop3A_151 : i32 to index
        %parallel_loop3A_209 = arith.constant 32 : index
        %parallel_loop3A_210 = tpu.vector_load %arg16[%parallel_loop3A_208, %parallel_loop3A_209] {strides = array<i32>} : memref<100x128xf32, #tpu.memory_space<vmem>>, vector<16xf32>,
        tpu.vector_store %arg16[%parallel_loop3A_208, %parallel_loop3A_209], %parallel_loop3A_207 {strides = array<i32>} : memref<100x128xf32, #tpu.memory_space<vmem>>, vector<16xf32>,
        %parallel_loop3A_211 = arith.constant 3 : i32
        %parallel_loop3A_212 = vector.broadcast %parallel_loop3A_211 : i32 to vector<16xi32>
        %parallel_loop3A_213 = arith.constant 0 : i32
        %parallel_loop3A_214 = vector.broadcast %parallel_loop3A_213 : i32 to vector<16xi32>
        %parallel_loop3A_215 = arith.cmpi slt, %parallel_loop3A_212, %parallel_loop3A_214 : vector<16xi32>
        %parallel_loop3A_216 = arith.constant 16 : i32
        %parallel_loop3A_217 = vector.broadcast %parallel_loop3A_216 : i32 to vector<16xi32>
        %parallel_loop3A_218 = arith.addi %parallel_loop3A_212, %parallel_loop3A_217 : vector<16xi32>
        %parallel_loop3A_219 = arith.select %parallel_loop3A_215, %parallel_loop3A_218, %parallel_loop3A_212 : vector<16xi1>, vector<16xi32>
        %parallel_loop3A_220 = vector.shape_cast %parallel_loop3A_219 : vector<16xi32> to vector<16x1xi32>
        %parallel_loop3A_221 = vector.shape_cast %parallel_loop3A_220 : vector<16x1xi32> to vector<16xi32>
        %parallel_loop3A_222 = tpu.dynamic_gather %parallel_loop3A_149[%parallel_loop3A_221] in [0] : vector<16xf32>, vector<16xi32> -> vector<16xf32>
        %parallel_loop3A_223 = arith.index_cast %parallel_loop3A_151 : i32 to index
        %parallel_loop3A_224 = arith.constant 48 : index
        %parallel_loop3A_225 = tpu.vector_load %arg16[%parallel_loop3A_223, %parallel_loop3A_224] {strides = array<i32>} : memref<100x128xf32, #tpu.memory_space<vmem>>, vector<16xf32>,
        %parallel_loop3A_226 = arith.mulf %parallel_loop3A_225, %parallel_loop3A_222 : vector<16xf32>
        %parallel_loop3A_227 = arith.index_cast %parallel_loop3A_151 : i32 to index
        %parallel_loop3A_228 = arith.constant 48 : index
        %parallel_loop3A_229 = tpu.vector_load %arg16[%parallel_loop3A_227, %parallel_loop3A_228] {strides = array<i32>} : memref<100x128xf32, #tpu.memory_space<vmem>>, vector<16xf32>,
        tpu.vector_store %arg16[%parallel_loop3A_227, %parallel_loop3A_228], %parallel_loop3A_226 {strides = array<i32>} : memref<100x128xf32, #tpu.memory_space<vmem>>, vector<16xf32>,
        %parallel_loop3A_230 = arith.constant 4 : i32
        %parallel_loop3A_231 = vector.broadcast %parallel_loop3A_230 : i32 to vector<16xi32>
        %parallel_loop3A_232 = arith.constant 0 : i32
        %parallel_loop3A_233 = vector.broadcast %parallel_loop3A_232 : i32 to vector<16xi32>
        %parallel_loop3A_234 = arith.cmpi slt, %parallel_loop3A_231, %parallel_loop3A_233 : vector<16xi32>
        %parallel_loop3A_235 = arith.constant 16 : i32
        %parallel_loop3A_236 = vector.broadcast %parallel_loop3A_235 : i32 to vector<16xi32>
        %parallel_loop3A_237 = arith.addi %parallel_loop3A_231, %parallel_loop3A_236 : vector<16xi32>
        %parallel_loop3A_238 = arith.select %parallel_loop3A_234, %parallel_loop3A_237, %parallel_loop3A_231 : vector<16xi1>, vector<16xi32>
        %parallel_loop3A_239 = vector.shape_cast %parallel_loop3A_238 : vector<16xi32> to vector<16x1xi32>
        %parallel_loop3A_240 = vector.shape_cast %parallel_loop3A_239 : vector<16x1xi32> to vector<16xi32>
        %parallel_loop3A_241 = tpu.dynamic_gather %parallel_loop3A_149[%parallel_loop3A_240] in [0] : vector<16xf32>, vector<16xi32> -> vector<16xf32>
        %parallel_loop3A_242 = arith.index_cast %parallel_loop3A_151 : i32 to index
        %parallel_loop3A_243 = arith.constant 64 : index
        %parallel_loop3A_244 = tpu.vector_load %arg16[%parallel_loop3A_242, %parallel_loop3A_243] {strides = array<i32>} : memref<100x128xf32, #tpu.memory_space<vmem>>, vector<16xf32>,
        %parallel_loop3A_245 = arith.mulf %parallel_loop3A_244, %parallel_loop3A_241 : vector<16xf32>
        %parallel_loop3A_246 = arith.index_cast %parallel_loop3A_151 : i32 to index
        %parallel_loop3A_247 = arith.constant 64 : index
        %parallel_loop3A_248 = tpu.vector_load %arg16[%parallel_loop3A_246, %parallel_loop3A_247] {strides = array<i32>} : memref<100x128xf32, #tpu.memory_space<vmem>>, vector<16xf32>,
        tpu.vector_store %arg16[%parallel_loop3A_246, %parallel_loop3A_247], %parallel_loop3A_245 {strides = array<i32>} : memref<100x128xf32, #tpu.memory_space<vmem>>, vector<16xf32>,
        %parallel_loop3A_249 = arith.constant 5 : i32
        %parallel_loop3A_250 = vector.broadcast %parallel_loop3A_249 : i32 to vector<16xi32>
        %parallel_loop3A_251 = arith.constant 0 : i32
        %parallel_loop3A_252 = vector.broadcast %parallel_loop3A_251 : i32 to vector<16xi32>
        %parallel_loop3A_253 = arith.cmpi slt, %parallel_loop3A_250, %parallel_loop3A_252 : vector<16xi32>
        %parallel_loop3A_254 = arith.constant 16 : i32
        %parallel_loop3A_255 = vector.broadcast %parallel_loop3A_254 : i32 to vector<16xi32>
        %parallel_loop3A_256 = arith.addi %parallel_loop3A_250, %parallel_loop3A_255 : vector<16xi32>
        %parallel_loop3A_257 = arith.select %parallel_loop3A_253, %parallel_loop3A_256, %parallel_loop3A_250 : vector<16xi1>, vector<16xi32>
        %parallel_loop3A_258 = vector.shape_cast %parallel_loop3A_257 : vector<16xi32> to vector<16x1xi32>
        %parallel_loop3A_259 = vector.shape_cast %parallel_loop3A_258 : vector<16x1xi32> to vector<16xi32>
        %parallel_loop3A_260 = tpu.dynamic_gather %parallel_loop3A_149[%parallel_loop3A_259] in [0] : vector<16xf32>, vector<16xi32> -> vector<16xf32>
        %parallel_loop3A_261 = arith.index_cast %parallel_loop3A_151 : i32 to index
        %parallel_loop3A_262 = arith.constant 80 : index
        %parallel_loop3A_263 = tpu.vector_load %arg16[%parallel_loop3A_261, %parallel_loop3A_262] {strides = array<i32>} : memref<100x128xf32, #tpu.memory_space<vmem>>, vector<16xf32>,
        %parallel_loop3A_264 = arith.mulf %parallel_loop3A_263, %parallel_loop3A_260 : vector<16xf32>
        %parallel_loop3A_265 = arith.index_cast %parallel_loop3A_151 : i32 to index
        %parallel_loop3A_266 = arith.constant 80 : index
        %parallel_loop3A_267 = tpu.vector_load %arg16[%parallel_loop3A_265, %parallel_loop3A_266] {strides = array<i32>} : memref<100x128xf32, #tpu.memory_space<vmem>>, vector<16xf32>,
        tpu.vector_store %arg16[%parallel_loop3A_265, %parallel_loop3A_266], %parallel_loop3A_264 {strides = array<i32>} : memref<100x128xf32, #tpu.memory_space<vmem>>, vector<16xf32>,
        %parallel_loop3A_268 = arith.constant 6 : i32
        %parallel_loop3A_269 = vector.broadcast %parallel_loop3A_268 : i32 to vector<16xi32>
        %parallel_loop3A_270 = arith.constant 0 : i32
        %parallel_loop3A_271 = vector.broadcast %parallel_loop3A_270 : i32 to vector<16xi32>
        %parallel_loop3A_272 = arith.cmpi slt, %parallel_loop3A_269, %parallel_loop3A_271 : vector<16xi32>
        %parallel_loop3A_273 = arith.constant 16 : i32
        %parallel_loop3A_274 = vector.broadcast %parallel_loop3A_273 : i32 to vector<16xi32>
        %parallel_loop3A_275 = arith.addi %parallel_loop3A_269, %parallel_loop3A_274 : vector<16xi32>
        %parallel_loop3A_276 = arith.select %parallel_loop3A_272, %parallel_loop3A_275, %parallel_loop3A_269 : vector<16xi1>, vector<16xi32>
        %parallel_loop3A_277 = vector.shape_cast %parallel_loop3A_276 : vector<16xi32> to vector<16x1xi32>
        %parallel_loop3A_278 = vector.shape_cast %parallel_loop3A_277 : vector<16x1xi32> to vector<16xi32>
        %parallel_loop3A_279 = tpu.dynamic_gather %parallel_loop3A_149[%parallel_loop3A_278] in [0] : vector<16xf32>, vector<16xi32> -> vector<16xf32>
        %parallel_loop3A_280 = arith.index_cast %parallel_loop3A_151 : i32 to index
        %parallel_loop3A_281 = arith.constant 96 : index
        %parallel_loop3A_282 = tpu.vector_load %arg16[%parallel_loop3A_280, %parallel_loop3A_281] {strides = array<i32>} : memref<100x128xf32, #tpu.memory_space<vmem>>, vector<16xf32>,
        %parallel_loop3A_283 = arith.mulf %parallel_loop3A_282, %parallel_loop3A_279 : vector<16xf32>
        %parallel_loop3A_284 = arith.index_cast %parallel_loop3A_151 : i32 to index
        %parallel_loop3A_285 = arith.constant 96 : index
        %parallel_loop3A_286 = tpu.vector_load %arg16[%parallel_loop3A_284, %parallel_loop3A_285] {strides = array<i32>} : memref<100x128xf32, #tpu.memory_space<vmem>>, vector<16xf32>,
        tpu.vector_store %arg16[%parallel_loop3A_284, %parallel_loop3A_285], %parallel_loop3A_283 {strides = array<i32>} : memref<100x128xf32, #tpu.memory_space<vmem>>, vector<16xf32>,
        %parallel_loop3A_287 = arith.constant 7 : i32
        %parallel_loop3A_288 = vector.broadcast %parallel_loop3A_287 : i32 to vector<16xi32>
        %parallel_loop3A_289 = arith.constant 0 : i32
        %parallel_loop3A_290 = vector.broadcast %parallel_loop3A_289 : i32 to vector<16xi32>
        %parallel_loop3A_291 = arith.cmpi slt, %parallel_loop3A_288, %parallel_loop3A_290 : vector<16xi32>
        %parallel_loop3A_292 = arith.constant 16 : i32
        %parallel_loop3A_293 = vector.broadcast %parallel_loop3A_292 : i32 to vector<16xi32>
        %parallel_loop3A_294 = arith.addi %parallel_loop3A_288, %parallel_loop3A_293 : vector<16xi32>
        %parallel_loop3A_295 = arith.select %parallel_loop3A_291, %parallel_loop3A_294, %parallel_loop3A_288 : vector<16xi1>, vector<16xi32>
        %parallel_loop3A_296 = vector.shape_cast %parallel_loop3A_295 : vector<16xi32> to vector<16x1xi32>
        %parallel_loop3A_297 = vector.shape_cast %parallel_loop3A_296 : vector<16x1xi32> to vector<16xi32>
        %parallel_loop3A_298 = tpu.dynamic_gather %parallel_loop3A_149[%parallel_loop3A_297] in [0] : vector<16xf32>, vector<16xi32> -> vector<16xf32>
        %parallel_loop3A_299 = arith.index_cast %parallel_loop3A_151 : i32 to index
        %parallel_loop3A_300 = arith.constant 112 : index
        %parallel_loop3A_301 = tpu.vector_load %arg16[%parallel_loop3A_299, %parallel_loop3A_300] {strides = array<i32>} : memref<100x128xf32, #tpu.memory_space<vmem>>, vector<16xf32>,
        %parallel_loop3A_302 = arith.mulf %parallel_loop3A_301, %parallel_loop3A_298 : vector<16xf32>
        %parallel_loop3A_303 = arith.index_cast %parallel_loop3A_151 : i32 to index
        %parallel_loop3A_304 = arith.constant 112 : index
        %parallel_loop3A_305 = tpu.vector_load %arg16[%parallel_loop3A_303, %parallel_loop3A_304] {strides = array<i32>} : memref<100x128xf32, #tpu.memory_space<vmem>>, vector<16xf32>,
        tpu.vector_store %arg16[%parallel_loop3A_303, %parallel_loop3A_304], %parallel_loop3A_302 {strides = array<i32>} : memref<100x128xf32, #tpu.memory_space<vmem>>, vector<16xf32>,
        %parallel_loop3A_306 = arith.constant 8 : i32
        %parallel_loop3A_307 = vector.broadcast %parallel_loop3A_306 : i32 to vector<16xi32>
        %parallel_loop3A_308 = arith.constant 0 : i32
        %parallel_loop3A_309 = vector.broadcast %parallel_loop3A_308 : i32 to vector<16xi32>
        %parallel_loop3A_310 = arith.cmpi slt, %parallel_loop3A_307, %parallel_loop3A_309 : vector<16xi32>
        %parallel_loop3A_311 = arith.constant 16 : i32
        %parallel_loop3A_312 = vector.broadcast %parallel_loop3A_311 : i32 to vector<16xi32>
        %parallel_loop3A_313 = arith.addi %parallel_loop3A_307, %parallel_loop3A_312 : vector<16xi32>
        %parallel_loop3A_314 = arith.select %parallel_loop3A_310, %parallel_loop3A_313, %parallel_loop3A_307 : vector<16xi1>, vector<16xi32>
        %parallel_loop3A_315 = vector.shape_cast %parallel_loop3A_314 : vector<16xi32> to vector<16x1xi32>
        %parallel_loop3A_316 = vector.shape_cast %parallel_loop3A_315 : vector<16x1xi32> to vector<16xi32>
        %parallel_loop3A_317 = tpu.dynamic_gather %parallel_loop3A_149[%parallel_loop3A_316] in [0] : vector<16xf32>, vector<16xi32> -> vector<16xf32>
        %parallel_loop3A_318 = arith.index_cast %parallel_loop3A_153 : i32 to index
        %parallel_loop3A_319 = arith.constant 0 : index
        %parallel_loop3A_320 = tpu.vector_load %arg16[%parallel_loop3A_318, %parallel_loop3A_319] {strides = array<i32>} : memref<100x128xf32, #tpu.memory_space<vmem>>, vector<16xf32>,
        %parallel_loop3A_321 = arith.mulf %parallel_loop3A_320, %parallel_loop3A_317 : vector<16xf32>
        %parallel_loop3A_322 = arith.index_cast %parallel_loop3A_153 : i32 to index
        %parallel_loop3A_323 = arith.constant 0 : index
        %parallel_loop3A_324 = tpu.vector_load %arg16[%parallel_loop3A_322, %parallel_loop3A_323] {strides = array<i32>} : memref<100x128xf32, #tpu.memory_space<vmem>>, vector<16xf32>,
        tpu.vector_store %arg16[%parallel_loop3A_322, %parallel_loop3A_323], %parallel_loop3A_321 {strides = array<i32>} : memref<100x128xf32, #tpu.memory_space<vmem>>, vector<16xf32>,
        %parallel_loop3A_325 = arith.constant 9 : i32
        %parallel_loop3A_326 = vector.broadcast %parallel_loop3A_325 : i32 to vector<16xi32>
        %parallel_loop3A_327 = arith.constant 0 : i32
        %parallel_loop3A_328 = vector.broadcast %parallel_loop3A_327 : i32 to vector<16xi32>
        %parallel_loop3A_329 = arith.cmpi slt, %parallel_loop3A_326, %parallel_loop3A_328 : vector<16xi32>
        %parallel_loop3A_330 = arith.constant 16 : i32
        %parallel_loop3A_331 = vector.broadcast %parallel_loop3A_330 : i32 to vector<16xi32>
        %parallel_loop3A_332 = arith.addi %parallel_loop3A_326, %parallel_loop3A_331 : vector<16xi32>
        %parallel_loop3A_333 = arith.select %parallel_loop3A_329, %parallel_loop3A_332, %parallel_loop3A_326 : vector<16xi1>, vector<16xi32>
        %parallel_loop3A_334 = vector.shape_cast %parallel_loop3A_333 : vector<16xi32> to vector<16x1xi32>
        %parallel_loop3A_335 = vector.shape_cast %parallel_loop3A_334 : vector<16x1xi32> to vector<16xi32>
        %parallel_loop3A_336 = tpu.dynamic_gather %parallel_loop3A_149[%parallel_loop3A_335] in [0] : vector<16xf32>, vector<16xi32> -> vector<16xf32>
        %parallel_loop3A_337 = arith.index_cast %parallel_loop3A_153 : i32 to index
        %parallel_loop3A_338 = arith.constant 16 : index
        %parallel_loop3A_339 = tpu.vector_load %arg16[%parallel_loop3A_337, %parallel_loop3A_338] {strides = array<i32>} : memref<100x128xf32, #tpu.memory_space<vmem>>, vector<16xf32>,
        %parallel_loop3A_340 = arith.mulf %parallel_loop3A_339, %parallel_loop3A_336 : vector<16xf32>
        %parallel_loop3A_341 = arith.index_cast %parallel_loop3A_153 : i32 to index
        %parallel_loop3A_342 = arith.constant 16 : index
        %parallel_loop3A_343 = tpu.vector_load %arg16[%parallel_loop3A_341, %parallel_loop3A_342] {strides = array<i32>} : memref<100x128xf32, #tpu.memory_space<vmem>>, vector<16xf32>,
        tpu.vector_store %arg16[%parallel_loop3A_341, %parallel_loop3A_342], %parallel_loop3A_340 {strides = array<i32>} : memref<100x128xf32, #tpu.memory_space<vmem>>, vector<16xf32>,
        %parallel_loop3A_344 = arith.constant 10 : i32
        %parallel_loop3A_345 = vector.broadcast %parallel_loop3A_344 : i32 to vector<16xi32>
        %parallel_loop3A_346 = arith.constant 0 : i32
        %parallel_loop3A_347 = vector.broadcast %parallel_loop3A_346 : i32 to vector<16xi32>
        %parallel_loop3A_348 = arith.cmpi slt, %parallel_loop3A_345, %parallel_loop3A_347 : vector<16xi32>
        %parallel_loop3A_349 = arith.constant 16 : i32
        %parallel_loop3A_350 = vector.broadcast %parallel_loop3A_349 : i32 to vector<16xi32>
        %parallel_loop3A_351 = arith.addi %parallel_loop3A_345, %parallel_loop3A_350 : vector<16xi32>
        %parallel_loop3A_352 = arith.select %parallel_loop3A_348, %parallel_loop3A_351, %parallel_loop3A_345 : vector<16xi1>, vector<16xi32>
        %parallel_loop3A_353 = vector.shape_cast %parallel_loop3A_352 : vector<16xi32> to vector<16x1xi32>
        %parallel_loop3A_354 = vector.shape_cast %parallel_loop3A_353 : vector<16x1xi32> to vector<16xi32>
        %parallel_loop3A_355 = tpu.dynamic_gather %parallel_loop3A_149[%parallel_loop3A_354] in [0] : vector<16xf32>, vector<16xi32> -> vector<16xf32>
        %parallel_loop3A_356 = arith.index_cast %parallel_loop3A_153 : i32 to index
        %parallel_loop3A_357 = arith.constant 32 : index
        %parallel_loop3A_358 = tpu.vector_load %arg16[%parallel_loop3A_356, %parallel_loop3A_357] {strides = array<i32>} : memref<100x128xf32, #tpu.memory_space<vmem>>, vector<16xf32>,
        %parallel_loop3A_359 = arith.mulf %parallel_loop3A_358, %parallel_loop3A_355 : vector<16xf32>
        %parallel_loop3A_360 = arith.index_cast %parallel_loop3A_153 : i32 to index
        %parallel_loop3A_361 = arith.constant 32 : index
        %parallel_loop3A_362 = tpu.vector_load %arg16[%parallel_loop3A_360, %parallel_loop3A_361] {strides = array<i32>} : memref<100x128xf32, #tpu.memory_space<vmem>>, vector<16xf32>,
        tpu.vector_store %arg16[%parallel_loop3A_360, %parallel_loop3A_361], %parallel_loop3A_359 {strides = array<i32>} : memref<100x128xf32, #tpu.memory_space<vmem>>, vector<16xf32>,
        %parallel_loop3A_363 = arith.constant 11 : i32
        %parallel_loop3A_364 = vector.broadcast %parallel_loop3A_363 : i32 to vector<16xi32>
        %parallel_loop3A_365 = arith.constant 0 : i32
        %parallel_loop3A_366 = vector.broadcast %parallel_loop3A_365 : i32 to vector<16xi32>
        %parallel_loop3A_367 = arith.cmpi slt, %parallel_loop3A_364, %parallel_loop3A_366 : vector<16xi32>
        %parallel_loop3A_368 = arith.constant 16 : i32
        %parallel_loop3A_369 = vector.broadcast %parallel_loop3A_368 : i32 to vector<16xi32>
        %parallel_loop3A_370 = arith.addi %parallel_loop3A_364, %parallel_loop3A_369 : vector<16xi32>
        %parallel_loop3A_371 = arith.select %parallel_loop3A_367, %parallel_loop3A_370, %parallel_loop3A_364 : vector<16xi1>, vector<16xi32>
        %parallel_loop3A_372 = vector.shape_cast %parallel_loop3A_371 : vector<16xi32> to vector<16x1xi32>
        %parallel_loop3A_373 = vector.shape_cast %parallel_loop3A_372 : vector<16x1xi32> to vector<16xi32>
        %parallel_loop3A_374 = tpu.dynamic_gather %parallel_loop3A_149[%parallel_loop3A_373] in [0] : vector<16xf32>, vector<16xi32> -> vector<16xf32>
        %parallel_loop3A_375 = arith.index_cast %parallel_loop3A_153 : i32 to index
        %parallel_loop3A_376 = arith.constant 48 : index
        %parallel_loop3A_377 = tpu.vector_load %arg16[%parallel_loop3A_375, %parallel_loop3A_376] {strides = array<i32>} : memref<100x128xf32, #tpu.memory_space<vmem>>, vector<16xf32>,
        %parallel_loop3A_378 = arith.mulf %parallel_loop3A_377, %parallel_loop3A_374 : vector<16xf32>
        %parallel_loop3A_379 = arith.index_cast %parallel_loop3A_153 : i32 to index
        %parallel_loop3A_380 = arith.constant 48 : index
        %parallel_loop3A_381 = tpu.vector_load %arg16[%parallel_loop3A_379, %parallel_loop3A_380] {strides = array<i32>} : memref<100x128xf32, #tpu.memory_space<vmem>>, vector<16xf32>,
        tpu.vector_store %arg16[%parallel_loop3A_379, %parallel_loop3A_380], %parallel_loop3A_378 {strides = array<i32>} : memref<100x128xf32, #tpu.memory_space<vmem>>, vector<16xf32>,
        %parallel_loop3A_382 = arith.constant 12 : i32
        %parallel_loop3A_383 = vector.broadcast %parallel_loop3A_382 : i32 to vector<16xi32>
        %parallel_loop3A_384 = arith.constant 0 : i32
        %parallel_loop3A_385 = vector.broadcast %parallel_loop3A_384 : i32 to vector<16xi32>
        %parallel_loop3A_386 = arith.cmpi slt, %parallel_loop3A_383, %parallel_loop3A_385 : vector<16xi32>
        %parallel_loop3A_387 = arith.constant 16 : i32
        %parallel_loop3A_388 = vector.broadcast %parallel_loop3A_387 : i32 to vector<16xi32>
        %parallel_loop3A_389 = arith.addi %parallel_loop3A_383, %parallel_loop3A_388 : vector<16xi32>
        %parallel_loop3A_390 = arith.select %parallel_loop3A_386, %parallel_loop3A_389, %parallel_loop3A_383 : vector<16xi1>, vector<16xi32>
        %parallel_loop3A_391 = vector.shape_cast %parallel_loop3A_390 : vector<16xi32> to vector<16x1xi32>
        %parallel_loop3A_392 = vector.shape_cast %parallel_loop3A_391 : vector<16x1xi32> to vector<16xi32>
        %parallel_loop3A_393 = tpu.dynamic_gather %parallel_loop3A_149[%parallel_loop3A_392] in [0] : vector<16xf32>, vector<16xi32> -> vector<16xf32>
        %parallel_loop3A_394 = arith.index_cast %parallel_loop3A_153 : i32 to index
        %parallel_loop3A_395 = arith.constant 64 : index
        %parallel_loop3A_396 = tpu.vector_load %arg16[%parallel_loop3A_394, %parallel_loop3A_395] {strides = array<i32>} : memref<100x128xf32, #tpu.memory_space<vmem>>, vector<16xf32>,
        %parallel_loop3A_397 = arith.mulf %parallel_loop3A_396, %parallel_loop3A_393 : vector<16xf32>
        %parallel_loop3A_398 = arith.index_cast %parallel_loop3A_153 : i32 to index
        %parallel_loop3A_399 = arith.constant 64 : index
        %parallel_loop3A_400 = tpu.vector_load %arg16[%parallel_loop3A_398, %parallel_loop3A_399] {strides = array<i32>} : memref<100x128xf32, #tpu.memory_space<vmem>>, vector<16xf32>,
        tpu.vector_store %arg16[%parallel_loop3A_398, %parallel_loop3A_399], %parallel_loop3A_397 {strides = array<i32>} : memref<100x128xf32, #tpu.memory_space<vmem>>, vector<16xf32>,
        %parallel_loop3A_401 = arith.constant 13 : i32
        %parallel_loop3A_402 = vector.broadcast %parallel_loop3A_401 : i32 to vector<16xi32>
        %parallel_loop3A_403 = arith.constant 0 : i32
        %parallel_loop3A_404 = vector.broadcast %parallel_loop3A_403 : i32 to vector<16xi32>
        %parallel_loop3A_405 = arith.cmpi slt, %parallel_loop3A_402, %parallel_loop3A_404 : vector<16xi32>
        %parallel_loop3A_406 = arith.constant 16 : i32
        %parallel_loop3A_407 = vector.broadcast %parallel_loop3A_406 : i32 to vector<16xi32>
        %parallel_loop3A_408 = arith.addi %parallel_loop3A_402, %parallel_loop3A_407 : vector<16xi32>
        %parallel_loop3A_409 = arith.select %parallel_loop3A_405, %parallel_loop3A_408, %parallel_loop3A_402 : vector<16xi1>, vector<16xi32>
        %parallel_loop3A_410 = vector.shape_cast %parallel_loop3A_409 : vector<16xi32> to vector<16x1xi32>
        %parallel_loop3A_411 = vector.shape_cast %parallel_loop3A_410 : vector<16x1xi32> to vector<16xi32>
        %parallel_loop3A_412 = tpu.dynamic_gather %parallel_loop3A_149[%parallel_loop3A_411] in [0] : vector<16xf32>, vector<16xi32> -> vector<16xf32>
        %parallel_loop3A_413 = arith.index_cast %parallel_loop3A_153 : i32 to index
        %parallel_loop3A_414 = arith.constant 80 : index
        %parallel_loop3A_415 = tpu.vector_load %arg16[%parallel_loop3A_413, %parallel_loop3A_414] {strides = array<i32>} : memref<100x128xf32, #tpu.memory_space<vmem>>, vector<16xf32>,
        %parallel_loop3A_416 = arith.mulf %parallel_loop3A_415, %parallel_loop3A_412 : vector<16xf32>
        %parallel_loop3A_417 = arith.index_cast %parallel_loop3A_153 : i32 to index
        %parallel_loop3A_418 = arith.constant 80 : index
        %parallel_loop3A_419 = tpu.vector_load %arg16[%parallel_loop3A_417, %parallel_loop3A_418] {strides = array<i32>} : memref<100x128xf32, #tpu.memory_space<vmem>>, vector<16xf32>,
        tpu.vector_store %arg16[%parallel_loop3A_417, %parallel_loop3A_418], %parallel_loop3A_416 {strides = array<i32>} : memref<100x128xf32, #tpu.memory_space<vmem>>, vector<16xf32>,
        %parallel_loop3A_420 = arith.constant 14 : i32
        %parallel_loop3A_421 = vector.broadcast %parallel_loop3A_420 : i32 to vector<16xi32>
        %parallel_loop3A_422 = arith.constant 0 : i32
        %parallel_loop3A_423 = vector.broadcast %parallel_loop3A_422 : i32 to vector<16xi32>
        %parallel_loop3A_424 = arith.cmpi slt, %parallel_loop3A_421, %parallel_loop3A_423 : vector<16xi32>
        %parallel_loop3A_425 = arith.constant 16 : i32
        %parallel_loop3A_426 = vector.broadcast %parallel_loop3A_425 : i32 to vector<16xi32>
        %parallel_loop3A_427 = arith.addi %parallel_loop3A_421, %parallel_loop3A_426 : vector<16xi32>
        %parallel_loop3A_428 = arith.select %parallel_loop3A_424, %parallel_loop3A_427, %parallel_loop3A_421 : vector<16xi1>, vector<16xi32>
        %parallel_loop3A_429 = vector.shape_cast %parallel_loop3A_428 : vector<16xi32> to vector<16x1xi32>
        %parallel_loop3A_430 = vector.shape_cast %parallel_loop3A_429 : vector<16x1xi32> to vector<16xi32>
        %parallel_loop3A_431 = tpu.dynamic_gather %parallel_loop3A_149[%parallel_loop3A_430] in [0] : vector<16xf32>, vector<16xi32> -> vector<16xf32>
        %parallel_loop3A_432 = arith.index_cast %parallel_loop3A_153 : i32 to index
        %parallel_loop3A_433 = arith.constant 96 : index
        %parallel_loop3A_434 = tpu.vector_load %arg16[%parallel_loop3A_432, %parallel_loop3A_433] {strides = array<i32>} : memref<100x128xf32, #tpu.memory_space<vmem>>, vector<16xf32>,
        %parallel_loop3A_435 = arith.mulf %parallel_loop3A_434, %parallel_loop3A_431 : vector<16xf32>
        %parallel_loop3A_436 = arith.index_cast %parallel_loop3A_153 : i32 to index
        %parallel_loop3A_437 = arith.constant 96 : index
        %parallel_loop3A_438 = tpu.vector_load %arg16[%parallel_loop3A_436, %parallel_loop3A_437] {strides = array<i32>} : memref<100x128xf32, #tpu.memory_space<vmem>>, vector<16xf32>,
        tpu.vector_store %arg16[%parallel_loop3A_436, %parallel_loop3A_437], %parallel_loop3A_435 {strides = array<i32>} : memref<100x128xf32, #tpu.memory_space<vmem>>, vector<16xf32>,
        %parallel_loop3A_439 = arith.constant 15 : i32
        %parallel_loop3A_440 = vector.broadcast %parallel_loop3A_439 : i32 to vector<16xi32>
        %parallel_loop3A_441 = arith.constant 0 : i32
        %parallel_loop3A_442 = vector.broadcast %parallel_loop3A_441 : i32 to vector<16xi32>
        %parallel_loop3A_443 = arith.cmpi slt, %parallel_loop3A_440, %parallel_loop3A_442 : vector<16xi32>
        %parallel_loop3A_444 = arith.constant 16 : i32
        %parallel_loop3A_445 = vector.broadcast %parallel_loop3A_444 : i32 to vector<16xi32>
        %parallel_loop3A_446 = arith.addi %parallel_loop3A_440, %parallel_loop3A_445 : vector<16xi32>
        %parallel_loop3A_447 = arith.select %parallel_loop3A_443, %parallel_loop3A_446, %parallel_loop3A_440 : vector<16xi1>, vector<16xi32>
        %parallel_loop3A_448 = vector.shape_cast %parallel_loop3A_447 : vector<16xi32> to vector<16x1xi32>
        %parallel_loop3A_449 = vector.shape_cast %parallel_loop3A_448 : vector<16x1xi32> to vector<16xi32>
        %parallel_loop3A_450 = tpu.dynamic_gather %parallel_loop3A_149[%parallel_loop3A_449] in [0] : vector<16xf32>, vector<16xi32> -> vector<16xf32>
        %parallel_loop3A_451 = arith.index_cast %parallel_loop3A_153 : i32 to index
        %parallel_loop3A_452 = arith.constant 112 : index
        %parallel_loop3A_453 = tpu.vector_load %arg16[%parallel_loop3A_451, %parallel_loop3A_452] {strides = array<i32>} : memref<100x128xf32, #tpu.memory_space<vmem>>, vector<16xf32>,
        %parallel_loop3A_454 = arith.mulf %parallel_loop3A_453, %parallel_loop3A_450 : vector<16xf32>
        %parallel_loop3A_455 = arith.index_cast %parallel_loop3A_153 : i32 to index
        %parallel_loop3A_456 = arith.constant 112 : index
        %parallel_loop3A_457 = tpu.vector_load %arg16[%parallel_loop3A_455, %parallel_loop3A_456] {strides = array<i32>} : memref<100x128xf32, #tpu.memory_space<vmem>>, vector<16xf32>,
        tpu.vector_store %arg16[%parallel_loop3A_455, %parallel_loop3A_456], %parallel_loop3A_454 {strides = array<i32>} : memref<100x128xf32, #tpu.memory_space<vmem>>, vector<16xf32>,
      } {sc.loop_unroll_factor = 2 : i64, sc.parallel_access}
      %mul3A_137 = arith.constant 10000 : i32
      %mul3A_138 = arith.muli %add3A, %mul3A_137 : i32
      %mul3A_139 = arith.constant 100 : i32
      %mul3A_140 = arith.muli %add3A_53, %mul3A_139 : i32
      %add3A_141 = arith.addi %mul3A_138, %mul3A_140 : i32
      "tpu.region"() ({
        %run_scoped3A = tpu.sem_alloc : memref<!tpu.dma_semaphore, #tpu.memory_space<semaphore_mem>>
        %dma_start3A_142 = arith.constant 0 : i32
        %dma_start3A_143 = tpu.memref_slice %arg7[%add3A_141, %dma_start3A_142] : memref<320000x8xf32, #tpu.memory_space<hbm>> -> memref<100x8xf32, #tpu.memory_space<hbm>>
        %dma_start3A_144 = arith.constant 0 : i32
        %dma_start3A_145 = tpu.memref_slice %arg7[%add3A_141, %dma_start3A_144] : memref<320000x8xf32, #tpu.memory_space<hbm>> -> memref<100x8xf32, #tpu.memory_space<hbm>>
        tpu.enqueue_dma source(%arg12 : memref<100x8xf32, #tpu.memory_space<vmem>>) target(%dma_start3A_145 : memref<100x8xf32, #tpu.memory_space<hbm>>) target_semaphore(%run_scoped3A : memref<!tpu.dma_semaphore, #tpu.memory_space<semaphore_mem>>)
        %dma_wait3A_146 = arith.constant 0 : i32
        %dma_wait3A_147 = tpu.memref_slice %arg7[%add3A_141, %dma_wait3A_146] : memref<320000x8xf32, #tpu.memory_space<hbm>> -> memref<100x8xf32, #tpu.memory_space<hbm>>
        %dma_wait3A_148 = arith.constant 0 : i32
        %dma_wait3A_149 = tpu.memref_slice %arg7[%add3A_141, %dma_wait3A_148] : memref<320000x8xf32, #tpu.memory_space<hbm>> -> memref<100x8xf32, #tpu.memory_space<hbm>>
        tpu.wait_dma2 semaphore(%run_scoped3A : memref<!tpu.dma_semaphore, #tpu.memory_space<semaphore_mem>>) src(%arg12 : memref<100x8xf32, #tpu.memory_space<vmem>>) dst(%dma_wait3A_149 : memref<100x8xf32, #tpu.memory_space<hbm>>)
        tpu.yield
      }) : () -> ()
      "tpu.region"() ({
        %run_scoped3A = tpu.sem_alloc : memref<!tpu.dma_semaphore, #tpu.memory_space<semaphore_mem>>
        %dma_start3A_142 = arith.constant 0 : i32
        %dma_start3A_143 = tpu.memref_slice %arg10[%add3A_53, %dma_start3A_142] : memref<100x100xi32, #tpu.memory_space<vmem>> -> memref<1x100xi32, #tpu.memory_space<vmem>>
        %dma_start3A_144 = tpu.memref_squeeze %dma_start3A_143 : memref<1x100xi32, #tpu.memory_space<vmem>> -> memref<100xi32, #tpu.memory_space<vmem>>
        %dma_start3A_145 = arith.constant 0 : i32
        %dma_start3A_146 = arith.constant 0 : i32
        %dma_start3A_147 = tpu.memref_slice %arg17[%dma_start3A_145, %dma_start3A_146] : memref<10000x128xf32, #tpu.memory_space<vmem_shared>> -> memref<10000x128xf32, #tpu.memory_space<vmem_shared>>
        tpu.enqueue_indirect_dma source(%arg16 : memref<100x128xf32, #tpu.memory_space<vmem>>) target(%dma_start3A_147 : memref<10000x128xf32, #tpu.memory_space<vmem_shared>>) offsets(%dma_start3A_144 : memref<100xi32, #tpu.memory_space<vmem>>) semaphore(%run_scoped3A : memref<!tpu.dma_semaphore, #tpu.memory_space<semaphore_mem>>) {add = true}
        %dma_wait3A_148 = arith.constant 0 : i32
        %dma_wait3A_149 = tpu.memref_slice %arg10[%add3A_53, %dma_wait3A_148] : memref<100x100xi32, #tpu.memory_space<vmem>> -> memref<1x100xi32, #tpu.memory_space<vmem>>
        %dma_wait3A_150 = tpu.memref_squeeze %dma_wait3A_149 : memref<1x100xi32, #tpu.memory_space<vmem>> -> memref<100xi32, #tpu.memory_space<vmem>>
        %dma_wait3A_151 = arith.constant 0 : i32
        %dma_wait3A_152 = arith.constant 0 : i32
        %dma_wait3A_153 = tpu.memref_slice %arg17[%dma_wait3A_151, %dma_wait3A_152] : memref<10000x128xf32, #tpu.memory_space<vmem_shared>> -> memref<10000x128xf32, #tpu.memory_space<vmem_shared>>
        tpu.wait_indirect_dma semaphore(%run_scoped3A : memref<!tpu.dma_semaphore, #tpu.memory_space<semaphore_mem>>) src(%arg16 : memref<100x128xf32, #tpu.memory_space<vmem>>) dst(%dma_wait3A_153 : memref<10000x128xf32, #tpu.memory_space<vmem_shared>>)
        tpu.yield
      }) : () -> ()
    }
    %scan3A_43 = arith.constant 50 : i32
    %barrier3A_44 = arith.constant 0 : index
    tpu.barrier barrier_id(%barrier3A_44)
    %mul3A_45 = arith.constant 625 : i32
    %mul3A_46 = arith.muli %arg1, %mul3A_45 : i32
    %mul3A_47 = arith.constant 625 : i32
    %mul3A_48 = arith.muli %arg1, %mul3A_47 : i32
    "tpu.region"() ({
      %run_scoped3A = tpu.sem_alloc : memref<!tpu.dma_semaphore, #tpu.memory_space<semaphore_mem>>
      %dma_start3A = arith.constant 0 : i32
      %dma_start3A_49 = tpu.memref_slice %arg8[%arg0, %mul3A_48, %dma_start3A] : memref<2x10000x128xf32, #tpu.memory_space<hbm>> -> memref<1x625x128xf32, #tpu.memory_space<hbm>>
      %dma_start3A_50 = tpu.memref_squeeze %dma_start3A_49 : memref<1x625x128xf32, #tpu.memory_space<hbm>> -> memref<625x128xf32, #tpu.memory_space<hbm>>
      %dma_start3A_51 = arith.constant 0 : i32
      %dma_start3A_52 = tpu.memref_slice %arg17[%mul3A_46, %dma_start3A_51] : memref<10000x128xf32, #tpu.memory_space<vmem_shared>> -> memref<625x128xf32, #tpu.memory_space<vmem_shared>>
      tpu.enqueue_dma source(%dma_start3A_52 : memref<625x128xf32, #tpu.memory_space<vmem_shared>>) target(%dma_start3A_50 : memref<625x128xf32, #tpu.memory_space<hbm>>) target_semaphore(%run_scoped3A : memref<!tpu.dma_semaphore, #tpu.memory_space<semaphore_mem>>)
      %dma_wait3A = arith.constant 0 : i32
      %dma_wait3A_53 = tpu.memref_slice %arg8[%arg0, %mul3A_48, %dma_wait3A] : memref<2x10000x128xf32, #tpu.memory_space<hbm>> -> memref<1x625x128xf32, #tpu.memory_space<hbm>>
      %dma_wait3A_54 = tpu.memref_squeeze %dma_wait3A_53 : memref<1x625x128xf32, #tpu.memory_space<hbm>> -> memref<625x128xf32, #tpu.memory_space<hbm>>
      %dma_wait3A_55 = arith.constant 0 : i32
      %dma_wait3A_56 = tpu.memref_slice %arg17[%mul3A_46, %dma_wait3A_55] : memref<10000x128xf32, #tpu.memory_space<vmem_shared>> -> memref<625x128xf32, #tpu.memory_space<vmem_shared>>
      tpu.wait_dma2 semaphore(%run_scoped3A : memref<!tpu.dma_semaphore, #tpu.memory_space<semaphore_mem>>) src(%dma_wait3A_56 : memref<625x128xf32, #tpu.memory_space<vmem_shared>>) dst(%dma_wait3A_54 : memref<625x128xf32, #tpu.memory_space<hbm>>)
      tpu.yield
    }) : () -> ()
    return
  }
}

module attributes {stable_mosaic.version = 14 : i64} {
  func.func @body(%arg0: i32, %arg1: memref<1000x128xf32, #tpu.memory_space<vmem>>, %arg2: memref<128x128xf32, #tpu.memory_space<vmem>>, %arg3: memref<128x16xf32, #tpu.memory_space<vmem>>, %arg4: memref<1000x128xf32, #tpu.memory_space<vmem>>, %arg5: memref<1000x16xf32, #tpu.memory_space<vmem>>) attributes {dimension_semantics = [#tpu.dimension_semantics<arbitrary>], iteration_bounds = array<i64: 10>, scalar_prefetch = 0 : i64, scratch_operands = 0 : i64, tpu.core_type = #tpu.core_type<tc>, window_params = [{transform_indices = @transform_0, window_bounds = array<i64: 1000, 128>}, {pipeline_mode = #tpu.pipeline_mode<synchronous>, transform_indices = @transform_1, window_bounds = array<i64: 128, 128>}, {pipeline_mode = #tpu.pipeline_mode<synchronous>, transform_indices = @transform_2, window_bounds = array<i64: 128, 16>}, {transform_indices = @transform_3, window_bounds = array<i64: 1000, 128>}, {transform_indices = @transform_4, window_bounds = array<i64: 1000, 16>}]} {
    %get3A = arith.constant 0 : index
    %get3A_0 = arith.constant 0 : index
    %get3A_1 = vector.load %arg1[%get3A, %get3A_0] : memref<1000x128xf32, #tpu.memory_space<vmem>>, vector<1000x128xf32>
    %get3A_2 = arith.constant 0 : index
    %get3A_3 = arith.constant 0 : index
    %get3A_4 = vector.load %arg2[%get3A_2, %get3A_3] : memref<128x128xf32, #tpu.memory_space<vmem>>, vector<128x128xf32>
    %dot_general3A = arith.constant dense<0.000000e+00> : vector<1000x128xf32>
    %dot_general3A_5 = tpu.matmul %get3A_1, %get3A_4, %dot_general3A {dimension_numbers = #tpu.dot_dimension_numbers<[1], [0], [0], [1], [0, 0, 1, 1], [], []>, transpose_lhs_hint = false} : vector<1000x128xf32>, vector<128x128xf32>, vector<1000x128xf32> -> vector<1000x128xf32>
    %swap3A = arith.constant 0 : index
    %swap3A_6 = arith.constant 0 : index
    %swap3A_7 = vector.load %arg4[%swap3A, %swap3A_6] : memref<1000x128xf32, #tpu.memory_space<vmem>>, vector<1000x128xf32>
    tpu.vector_store %arg4[%swap3A, %swap3A_6], %dot_general3A_5 {strides = array<i32>} : memref<1000x128xf32, #tpu.memory_space<vmem>>, vector<1000x128xf32>,
    %get3A_8 = arith.constant 0 : index
    %get3A_9 = arith.constant 0 : index
    %get3A_10 = vector.load %arg3[%get3A_8, %get3A_9] : memref<128x16xf32, #tpu.memory_space<vmem>>, vector<128x16xf32>
    %dot_general3A_11 = arith.constant dense<0.000000e+00> : vector<1000x16xf32>
    %dot_general3A_12 = tpu.matmul %dot_general3A_5, %get3A_10, %dot_general3A_11 {dimension_numbers = #tpu.dot_dimension_numbers<[1], [0], [0], [1], [0, 0, 1, 1], [], []>, transpose_lhs_hint = false} : vector<1000x128xf32>, vector<128x16xf32>, vector<1000x16xf32> -> vector<1000x16xf32>
    %swap3A_13 = arith.constant 0 : index
    %swap3A_14 = arith.constant 0 : index
    %swap3A_15 = vector.load %arg5[%swap3A_13, %swap3A_14] : memref<1000x16xf32, #tpu.memory_space<vmem>>, vector<1000x16xf32>
    tpu.vector_store %arg5[%swap3A_13, %swap3A_14], %dot_general3A_12 {strides = array<i32>} : memref<1000x16xf32, #tpu.memory_space<vmem>>, vector<1000x16xf32>,
    return
  }
  func.func @transform_0(%arg0: i32) -> (i32, i32) {
    %c0_i32 = arith.constant 0 : i32
    %c0_i32_0 = arith.constant 0 : i32
    return %arg0, %c0_i32 : i32, i32
  }
  func.func @transform_1(%arg0: i32) -> (i32, i32) {
    %c0_i32 = arith.constant 0 : i32
    %c0_i32_0 = arith.constant 0 : i32
    %c0_i32_1 = arith.constant 0 : i32
    return %c0_i32, %c0_i32_0 : i32, i32
  }
  func.func @transform_2(%arg0: i32) -> (i32, i32) {
    %c0_i32 = arith.constant 0 : i32
    %c0_i32_0 = arith.constant 0 : i32
    %c0_i32_1 = arith.constant 0 : i32
    return %c0_i32, %c0_i32_0 : i32, i32
  }
  func.func @transform_3(%arg0: i32) -> (i32, i32) {
    %c0_i32 = arith.constant 0 : i32
    %c0_i32_0 = arith.constant 0 : i32
    return %arg0, %c0_i32 : i32, i32
  }
  func.func @transform_4(%arg0: i32) -> (i32, i32) {
    %c0_i32 = arith.constant 0 : i32
    %c0_i32_0 = arith.constant 0 : i32
    return %arg0, %c0_i32 : i32, i32
  }
}

module attributes {stable_mosaic.version = 14 : i64} {
  func.func @body(%arg0: i32, %arg1: memref<1000x128xf32, #tpu.memory_space<vmem>>, %arg2: memref<1000x128xf32, #tpu.memory_space<vmem>>, %arg3: memref<1000x128xf32, #tpu.memory_space<vmem>>) attributes {dimension_semantics = [#tpu.dimension_semantics<arbitrary>], iteration_bounds = array<i64: 10>, scalar_prefetch = 0 : i64, scratch_operands = 0 : i64, tpu.core_type = #tpu.core_type<tc>, window_params = [{transform_indices = @transform_0, window_bounds = array<i64: 1000, 128>}, {transform_indices = @transform_1, window_bounds = array<i64: 1000, 128>}, {transform_indices = @transform_2, window_bounds = array<i64: 1000, 128>}]} {
    %get3A = arith.constant 0 : index
    %get3A_0 = arith.constant 0 : index
    %get3A_1 = vector.load %arg1[%get3A, %get3A_0] : memref<1000x128xf32, #tpu.memory_space<vmem>>, vector<1000x128xf32>
    %get3A_2 = arith.constant 0 : index
    %get3A_3 = arith.constant 0 : index
    %get3A_4 = vector.load %arg2[%get3A_2, %get3A_3] : memref<1000x128xf32, #tpu.memory_space<vmem>>, vector<1000x128xf32>
    %add3A = arith.addf %get3A_1, %get3A_4 : vector<1000x128xf32>
    %swap3A = arith.constant 0 : index
    %swap3A_5 = arith.constant 0 : index
    %swap3A_6 = vector.load %arg3[%swap3A, %swap3A_5] : memref<1000x128xf32, #tpu.memory_space<vmem>>, vector<1000x128xf32>
    tpu.vector_store %arg3[%swap3A, %swap3A_5], %add3A {strides = array<i32>} : memref<1000x128xf32, #tpu.memory_space<vmem>>, vector<1000x128xf32>,
    return
  }
  func.func @transform_0(%arg0: i32) -> (i32, i32) {
    %c0_i32 = arith.constant 0 : i32
    %c0_i32_0 = arith.constant 0 : i32
    return %arg0, %c0_i32 : i32, i32
  }
  func.func @transform_1(%arg0: i32) -> (i32, i32) {
    %c0_i32 = arith.constant 0 : i32
    %c0_i32_0 = arith.constant 0 : i32
    return %arg0, %c0_i32 : i32, i32
  }
  func.func @transform_2(%arg0: i32) -> (i32, i32) {
    %c0_i32 = arith.constant 0 : i32
    %c0_i32_0 = arith.constant 0 : i32
    return %arg0, %c0_i32 : i32, i32
  }
}

</mosaic_0001>

<sc_bundles>
// kernel: kernel.10.cloned.1.call-start
scs
__scs_entry_jumppad:
0x0: {  	(pc) =	sbr.rel $0x88, $3  }
0x1: {  	(tag) =	ssettag $0x0;
	lr =	simm.s32 $0x1  }
0x2: {  	[smem:$0x3F9C] =	sst lr;
	_ =	strace $0xD0000000  }
0x3: {  	_ = 	snop  }
0x4: {  	_ = 	snop  }
0x5: {  	_ = 	snop  }
0x6: {  	_ = 	snop  }
0x7: {  	_ = 	snop  }
__scs_overlays_trampoline_lowered:
0x8: {  	[smem:$0x3FAB] =	sst s0  }
0x9: {  	[smem:$0x3FAC] =	sst s1  }
0xa: {  	[smem:$0x3FAD] =	sst s2  }
0xb: {  	[smem:$0x3FAE] =	sst s3  }
0xc: {  	[smem:$0x3FAF] =	sst s4  }
0xd: {  	[smem:$0x3FB0] =	sst s5  }
0xe: {  	[smem:$0x3FB1] =	sst s6  }
0xf: {  	[smem:$0x3FB2] =	sst s7  }
0x10: {  	[smem:$0x3FB3] =	sst s8  }
0x11: {  	[smem:$0x3FB4] =	sst s9;
	s0 =	simm.s32 @!p0 $0x0  }
0x12: {  	s1 =	sld [smem:$0x3F9A];
	s0 =	simm.s32 @p0 $0x1  }
0x13: {  	[smem:$0x3FB5] =	sst s0;
	s0 =	simm.s32 @!p1 $0x0  }
0x14: {  	s2 =	sld [smem:$0x3F99];
	s0 =	simm.s32 @p1 $0x1  }
0x15: {  	[smem:$0x3FB6] =	sst s0;
	s0 =	simm.s32 @!p2 $0x0  }
0x16: {  	s3 =	sld [smem:$0x3FDB];
	s0 =	simm.s32 @p2 $0x1  }
0x17: {  	s4 =	simm.s32 $0x1BF5;
	[smem:$0x3FB8] =	sst s0  }
0x18: {  	s0 =	sld [smem:$0x3F9B];
	_ =	swait.ge [sflag:s4], $0x0  }
0x19: {  	s7 =	sld [smem:$0x3F9C]  }
0x1a: {  	s8 =	sadd.s32 $0xFFFFE003, lr  }
0x1b: {  	s9 =	sadd.s32 $0xFFFFFEF7, lr;
	s5 =	simm.s32 $0xFFFFFFFF;
	p2 =	slt.u32 s8, $0xFFFFF086  }
0x1c: {  	p1 =	slt.u32 s9, $0xF7A;
	s5 =	simm.s32 @!p2 $0x0  }
0x1d: {  	s5 =	simm.s32 @p1 $0x1;
	p0 =	seq.s32 s7, s2  }
0x1e: {  	s7 =	smul.u32 @!p0 $0xF7A, s2;
	p2 =	seq.s32 @!p0 s5, $0x0  }
0x1f: {  	s9 =	smul.u32 $0xF7A, s1;
	s8 =	simm.s32 @!p0 $0x1BF5;
	p2 =	por !p2, p0  }
0x20: {  	[sflag:s8] =	ssyncset.s32 @!p0 $0xFFFFF086;
	s6 =	sadd.s32 @!p0 s3, s7;
	s7 =	simm.s32 @!p0 $0x108  }
0x21: {  	s3 =	sadd.s32 s3, s9;
	s6 =	sadd.s32 @!p0 $0x88, s6;
	s7 =	simm.s32 @p2 $0x1082  }
0x22: {  	[simem:s7], [sflag:s8] =	dma.local @!p0 [hbm:s6], $0xF7A  }
0x23: {  	s9 =	sor.u32 $0xD0000000, s2;
	s6 =	simm.s32 $0x108;
	_ =	swait.ge @!p0 [sflag:s8], $0x0  }
0x24: {  	s3 =	sadd.s32 $0x88, s3;
	s6 =	simm.s32 @!p1 $0x1082;
	[sflag:s4] =	ssyncset.s32 $0xFFFFF086  }
0x25: {  	[simem:s6], [sflag:s4] =	dma.local [hbm:s3], $0xF7A  }
0x26: {  	[smem:$0x3F9C] =	sst s1;
	(tag) =	ssettag s2;
	_ =	strace s9  }
0x27: {  	s1 =	sld [smem:$0x3FAC]  }
0x28: {  	s2 =	sld [smem:$0x3FAD]  }
0x29: {  	s4 =	sld [smem:$0x3FAF]  }
0x2a: {  	p0 =	seq.s32 s5, $0x0;
	s5 =	sld [smem:$0x3FB0]  }
0x2b: {  	s6 =	sld [smem:$0x3FB1]  }
0x2c: {  	s7 =	sld [smem:$0x3FB2]  }
0x2d: {  	s3 =	simm.s32 $0x108;
	s8 =	sld [smem:$0x3FB3]  }
0x2e: {  	s3 =	simm.s32 @!p0 $0x1082;
	s9 =	sld [smem:$0x3FB4]  }
0x2f: {  	lr =	sadd.s32 s0, s3;
	s0 =	sld [smem:$0x3FAB]  }
0x30: {  	s3 =	sld [smem:$0x3FAE]  }
0x31: {  	[smem:$0x3FB7] =	sst s10  }
0x32: {  	s10 =	sld [smem:$0x3FB5];
	_ =	sdelay $0x3  }
0x33: {  	p0 =	seq.s32 s10, $0x1;
	s10 =	sld [smem:$0x3FB7];
	_ =	sdelay $0x3  }
0x34: {  	[smem:$0x3FB7] =	sst s10  }
0x35: {  	s10 =	sld [smem:$0x3FB6];
	_ =	sdelay $0x3  }
0x36: {  	p1 =	seq.s32 s10, $0x1;
	s10 =	sld [smem:$0x3FB7];
	_ =	sdelay $0x3  }
0x37: {  	[smem:$0x3FB7] =	sst s10  }
0x38: {  	s10 =	sld [smem:$0x3FB8]  }
0x39: {  	_ = 	snop;
	(pc) =	sbr.ind lr, $3  }
0x3a: {  	_ = 	snop  }
0x3b: {  	_ = 	snop  }
0x3c: {  	p2 =	seq.s32 s10, $0x1;
	s10 =	sld [smem:$0x3FB7]  }
0x3d: {  	_ =	shalt  }
0x3e: {  	_ =	shalt  }
0x3f: {  	_ =	shalt  }
0x40: {  	_ =	shalt  }
0x41: {  	_ =	shalt  }
0x42: {  	_ =	shalt  }
0x43: {  	_ =	shalt  }
0x44: {  	_ =	shalt  }
0x45: {  	_ =	shalt  }
0x46: {  	_ =	shalt  }
0x47: {  	_ =	shalt  }
0x48: {  	_ =	shalt  }
0x49: {  	_ =	shalt  }
0x4a: {  	_ =	shalt  }
0x4b: {  	_ =	shalt  }
0x4c: {  	_ =	shalt  }
0x4d: {  	_ =	shalt  }
0x4e: {  	_ =	shalt  }
0x4f: {  	_ =	shalt  }
0x50: {  	_ =	shalt  }
0x51: {  	_ =	shalt  }
0x52: {  	_ =	shalt  }
0x53: {  	_ =	shalt  }
0x54: {  	_ =	shalt  }
0x55: {  	_ =	shalt  }
0x56: {  	_ =	shalt  }
0x57: {  	_ =	shalt  }
0x58: {  	_ =	shalt  }
0x59: {  	_ =	shalt  }
0x5a: {  	_ =	shalt  }
0x5b: {  	_ =	shalt  }
0x5c: {  	_ =	shalt  }
0x5d: {  	_ =	shalt  }
0x5e: {  	_ =	shalt  }
0x5f: {  	_ =	shalt  }
0x60: {  	_ =	shalt  }
0x61: {  	_ =	shalt  }
0x62: {  	_ =	shalt  }
0x63: {  	_ =	shalt  }
0x64: {  	_ =	shalt  }
0x65: {  	_ =	shalt  }
0x66: {  	_ =	shalt  }
0x67: {  	_ =	shalt  }
0x68: {  	_ =	shalt  }
0x69: {  	_ =	shalt  }
0x6a: {  	_ =	shalt  }
0x6b: {  	_ =	shalt  }
0x6c: {  	_ =	shalt  }
0x6d: {  	_ =	shalt  }
0x6e: {  	_ =	shalt  }
0x6f: {  	_ =	shalt  }
0x70: {  	_ =	shalt  }
0x71: {  	_ =	shalt  }
0x72: {  	_ =	shalt  }
0x73: {  	_ =	shalt  }
0x74: {  	_ =	shalt  }
0x75: {  	_ =	shalt  }
0x76: {  	_ =	shalt  }
0x77: {  	_ =	shalt  }
0x78: {  	_ =	shalt  }
0x79: {  	_ =	shalt  }
0x7a: {  	_ =	shalt  }
0x7b: {  	_ =	shalt  }
0x7c: {  	_ =	shalt  }
0x7d: {  	_ =	shalt  }
0x7e: {  	_ =	shalt  }
0x7f: {  	_ =	shalt  }
0x80: {  	_ =	shalt  }
0x81: {  	_ =	shalt  }
0x82: {  	_ =	shalt  }
0x83: {  	_ =	shalt  }
0x84: {  	_ =	shalt  }
0x85: {  	_ =	shalt  }
0x86: {  	_ =	shalt  }
0x87: {  	_ =	shalt  }
.Lfunc_end0:
.L_simem_size_0:
called_computation.1_lowered:
.L_overlay_start_0:
0x88: {  	s2 =	sld [smem:$0x3FD9]  }
0x89: {  	s3 =	sld [smem:$0x3FFE];
	_ =	sdelay $0x1  }
0x8a: {  	s1 =	srdreg.scid  }
0x8b: {  	s0 =	sand.u32 $0x1, s1  }
0x8c: {  	s14 =	sshll.u32 s0, $0xA;
	s2 =	sadd.s32 s3, s2  }
0x8d: {  	s2 =	sadd.s32 s2, s14  }
0x8e: {  	[smem:$0x3FC3] =	sst s2  }
0x8f: {  	_ = 	snop  }
0x90: {  	s2 =	sld [smem:$0x3FD0];
	_ =	sdelay $0x2  }
0x91: {  	s15 =	simm.s32 $0xA;
	s4 =	simm.s32 $0x10  }
0x92: {  	[smem:s4], [sflag:s15] =	dma.local [hbm:s2], $0x1  }
0x93: {  	_ =	swait.eq [sflag:s15], $0x1  }
0x94: {  	[sflag:s15] =	ssyncset.done $0x0  }
0x95: {  	[sflag:s15] =	ssyncadd.s32 $0xFFFFFFFF  }
0x96: {  	s16 =	sld [smem:$0x11];
	(tm) =	ssettm $0x1  }
0x97: {  	s17 =	sld [smem:$0x3FFB];
	_ =	sdelay $0x3  }
0x98: {  	_ =	strace s17  }
0x99: {  	s3 =	sld [smem:$0x3FFC];
	_ =	sdelay $0x3  }
0x9a: {  	_ =	strace s3  }
0x9b: {  	s3 =	sld [smem:$0x3FFD];
	_ =	sdelay $0x3  }
0x9c: {  	_ =	strace s3  }
0x9d: {  	_ =	strace $0x8FFFFFFF  }
0x9e: {  	s18 =	sld [smem:$0x3FDB];
	_ =	sdelay $0x1  }
0x9f: {  	s19 =	simm.s32 $_scs_section_size  }
0xa0: {  	s5 =	simm.s32 $_size__tile_overlayer_lowered;
	s6 =	simm.s32 $_tile_overlayer_lowered  }
0xa1: {  	s22 =	simm.s32 $0x1BFF;
	s21 =	sshll.u32 s6, $0x1;
	s3 =	sadd.s32 s19, s18  }
0xa2: {  	s7 =	simm.s32 $0x0;
	s20 =	sshll.u32 s5, $0x1;
	s5 =	sadd.s32 s21, s3  }
0xa3: {  	[timem:s7], [sflag:s22] =	dma.local [hbm:s5], s20  }
0xa4: {  	_ =	swait.ge [sflag:s22], s20  }
0xa5: {  	s4 =	ssub.s32 $0x0, s20;
	[sflag:s22] =	ssyncset.done $0x0  }
0xa6: {  	[sflag:s22] =	ssyncadd.s32 s4;
	_ =	sdelay $0x1  }
0xa7: {  	s23 =	simm.s32 $0x1B8B  }
0xa8: {  	_ =	swait.ge [sflag:s23], $0x1  }
0xa9: {  	[sflag:s23] =	ssyncset.done $0x0  }
0xaa: {  	s25 =	simm.s32 $0x1B8E;
	s24 =	sld [smem:$0x3FFE];
	[sflag:s23] =	ssyncadd.s32 $0xFFFFFFFF  }
0xab: {  	s26 =	simm.s32 $execute0_lowered;
	[smem:$0x3FD2] =	sst s25  }
0xac: {  	s5 =	sshll.u32 s26, $0x1;
	_ =	strace $0x80000049;
	[dreg:$0x1] =	wrdreg $0xFFFFFFFF  }
0xad: {  	s28 =	simm.s32 $_size_execute0_lowered;
	s3 =	sadd.s32 s3, s5;
	[dreg:$0x0] =	wrdreg $0x0  }
0xae: {  	s5 =	sshll.u32 s28, $0x1;
	[dreg:$0x2] =	wrdreg s3  }
0xaf: {  	[dreg:$0x3] =	wrdreg s5  }
0xb0: {  	[dreg:$0x4] =	wrdreg $0xC0  }
0xb1: {  	_ =	task [dreg:s7], $0x5FFFF  }
0xb2: {  	[dreg:$0x1] =	wrdreg $0xFFFFFFFF  }
0xb3: {  	[dreg:$0x0] =	wrdreg $0x60  }
0xb4: {  	[dreg:$0x2] =	wrdreg s16  }
0xb5: {  	[dreg:$0x3] =	wrdreg s24  }
0xb6: {  	[dreg:$0x4] =	wrdreg $0x9  }
0xb7: {  	_ =	task.clear_ibuf [dreg:s7], $0x5FFFF;
	_ =	strace $0x90000049  }
0xb8: {  	s29 =	simm.s32 $0x9;
	_ =	strace $0x8000004B  }
0xb9: {  	_ =	swait.ge [sflag:s29], $0x1  }
0xba: {  	[sflag:s29] =	ssyncadd.s32 $0xFFFFFFFF  }
0xbb: {  	_ =	strace $0x9000004B  }
0xbc: {  	_ =	sfence  }
0xbd: {  	s30 =	sld [smem:$0x0];
	_ =	sdelay $0x2  }
0xbe: {  	s31 =	sshll.u32 s1, $0xD;
	s1 =	sshrl.u32 s1, $0x2  }
0xbf: {  	s3 =	sand.u32 $0x4000, s31;
	s1 =	sadd.s32 s1, s30  }
0xc0: {  	s0 =	sor.u32 s3, s0;
	s1 =	sshll.u32 s1, $0x11  }
0xc1: {  	s0 =	sor.u32 s1, s0  }
0xc2: {  	s0 =	sadd.s32 $0x8F2B, s0  }
0xc3: {  	[sflag:s0] =	ssyncadd.remote.s32 $0x1  }
0xc4: {  	_ =	sfence.sel $0xFFFF  }
0xc5: {  	[dreg:$0x0] =	wrdreg $0xFFFFFFFF;
	(pc) =	sbr.abs _section_cstart, $3  }
0xc6: {  	[dreg:$0x1] =	wrdreg $0xFFFFFFFF  }
0xc7: {  	_ =	task.clear_ibuf [dreg:s7], $0x2FFFF;
	_ =	strace $0x9FFFFFFF  }
0xc8: {  	(tm) =	ssettm $0x7FFFFFFF  }
0xc9: {  	_ =	shalt  }
tec
execute0_lowered:
.L_overlay_start_1:
0x0: {  	(tag) =	ssettag $0x1  }
0x1: {  	s0 =	srdreg.scid;
	s4 =	rddreg [dreg:$0x0]  }
0x2: {  	s5 =	rddreg [dreg:$0x1];
	s3 =	sand.u32 $0x1, s0  }
0x3: {  	s2 =	simm.s32 $0x0;
	s0 =	stileid.u32;
	s1 =	sshll.u32 s3, $0x4  }
0x4: {  	s9 =	simm.s32 $0x1400;
	s10 =	simm.s32 $0x0;
	s1 =	sor.u32 s0, s1  }
0x5: {  	[smem:$0x7FF] =	sst s2;
	s7 =	ssub.s32 $0x2, s3;
	s6 =	smul.u32 $0xA00, s1  }
0x6: {  	s8 =	sshrl.u32 s7, $0x1;
	s1 =	rddreg [dreg:$0x2];
	_ =	strace $0x8000004A  }
0x7: {  	s31 =	ssub.s32 s7, s8;
	s7 =	simm.s32 $0x1;
	s6 =	sshrl.u32 s6, $0x3  }
0x8: {  	s8 =	simm.s32 $0xA00;
	s3 =	sadd.s32 s4, s6;
	s5 =	sadd.s32 s6, s5  }
0x9: {  	s6 =	smax.u32 s31, $0x1;
	s4 =	sadd.s32 $0x2800, s3;
	s5 =	sadd.s32 $0x16800, s5  }
.LBB2_1:
0xa: {  	[tilespmem:s2], [sflag:$0x1] =	stream.linear.gather [hbm4b:s3+s2], $0xA00, $0x38;
	[tilespmem:$0x1E00] =	vst v63  }
0xb: {  	_ =	swait.ge [sflag:s7], $0xA00  }
0xc: {  	[sflag:s7] =	ssyncset.done $0x0  }
0xd: {  	[sflag:s7] =	ssyncadd.s32 $0xFFFFF600  }
0xe: {  	[tilespmem:s8], [sflag:$0x1] =	stream.linear.gather [hbm4b:s4+s2], $0xA00, $0x38;
	[tilespmem:$0x1E00] =	vst v63  }
0xf: {  	_ =	swait.ge [sflag:s7], $0xA00  }
0x10: {  	[sflag:s7] =	ssyncset.done $0x0  }
0x11: {  	s12 =	simm.s32 $0x0;
	[sflag:s7] =	ssyncadd.s32 $0xFFFFF600  }
0x12: {  	v0 =	vld [tilespmem:s12+$0x0]  }
0x13: {  	s11 =	simm.s32 $0x10;
	v1 =	vld [tilespmem:s12+$0xA00]  }
0x14: {  	v2 =	vld [tilespmem:s11+$0x0]  }
0x15: {  	v3 =	vld [tilespmem:s11+$0xA00];
	_ =	sdelay $0x2  }
0x16: {  	v0 =	vadd.f32 v1, v0;
	_ =	sdelay $0x1  }
0x17: {  	v2 =	vadd.f32 v3, v2;
	(erf) = vrcp.f32 v0;
	_ =	sdelay $0x1  }
0x18: {  	s13 =	simm.s32 $0x20;
	(erf) = vrcp.f32 v2  }
0x19: {  	v1 =	vld [tilespmem:s13+$0xA00]  }
0x1a: {  	s14 =	simm.s32 $0xC0;
	v0 =	vld [tilespmem:s13+$0x0]  }
.LBB2_2:
0x1b: {  	_ = 	snop  }
0x1c: {  	p0 =	sne.s32 s14, $0x27C0  }
.Ltmp0:
0x1d: {  	_ = 	snop;
	(pc) =	sbr.rel @p0 .LBB2_2-.Ltmp0, $4  }
0x1e: {  	_ = 	snop  }
0x1f: {  	s15 =	sshra.s32 s14, $0x2;
	v2 =	vpop (erf);
	v3 =	vadd.f32 v1, v0  }
0x20: {  	s14 =	sadd.s32 $0x40, s14;
	v0 =	vld [tilespmem:s15+$0x0];
	[tilespmem:s12+$0x1400] =	vst v2  }
0x21: {  	s12 =	smov.u32 s11;
	s11 =	smov.u32 s13;
	s13 =	smov.u32 s15;
	v1 =	vld [tilespmem:s15+$0xA00];
	(erf) = vrcp.f32 v3  }
0x22: {  	_ =	sdelay $0x3  }
0x23: {  	v0 =	vadd.f32 v1, v0;
	_ =	sdelay $0x1  }
0x24: {  	(erf) = vrcp.f32 v0;
	_ =	sdelay $0x6  }
0x25: {  	v61 =	vpop (erf)  }
0x26: {  	s10 =	sadd.s32 $0x1, s10;
	[tilespmem:s12+$0x1400] =	vst v61;
	v62 =	vpop (erf)  }
0x27: {  	p0 =	sne.s32 s10, s6;
	[tilespmem:s11+$0x1400] =	vst v62;
	v63 =	vpop (erf)  }
.Ltmp1:
0x28: {  	[tilespmem:s13+$0x1400] =	vst v63;
	(pc) =	sbr.rel @p0 .LBB2_1-.Ltmp1, $4  }
0x29: {  	[hbm4b:s5+s2] =	stream.linear.scatter [tilespmem:s9], [sflag:$0x1], $0xA00, $0x38;
	[tilespmem:$0x1E00] =	vst v63  }
0x2a: {  	_ =	swait.ge [sflag:s7], $0xA00  }
0x2b: {  	[sflag:s7] =	ssyncset.done $0x0  }
0x2c: {  	[sflag:s7] =	ssyncadd.s32 $0xFFFFF600  }
0x2d: {  	_ =	sfence.sel $0x180000  }
0x2e: {  	[bflag:$0x0] =	sbarrier.arrive $0xFFFF  }
0x2f: {  	p0 =	sne.s32 s0, $0x0;
	_ =	strace $0x9000004A  }
0x30: {  	s0 =	sadd.s32 @!p0 $0x100000, s1;
	[bflag:$0x2] =	sbarrier.arrive $0xFFFF  }
0x31: {  	[sflag:s0] =	ssyncadd.tile.s32 @!p0 $0x1;
	_ =	shalt  }
.Lfunc_end2:
_tile_overlayer_lowered:
.L_overlay_start_2:
0x32: {  	(tag) =	ssettag $0x2  }
0x33: {  	s0 =	rddreg [dreg:$0x0];
	s2 =	stileid.u32  }
0x34: {  	s1 =	rddreg [dreg:$0x1];
	p0 =	sne.s32 s2, $0x0  }
0x35: {  	s3 =	rddreg [dreg:$0x2];
	[bflag:$0x3] =	sbarrier.arrive $0xFFFF;
	s2 =	simm.s32 @!p0 $0x1C01  }
0x36: {  	[timem:s3], [sflag:s2] =	dma.local @!p0 [hbm:s0], s1  }
0x37: {  	s0 =	simm.s32 @!p0 $0x1  }
0x38: {  	_ =	swait.ge @!p0 [sflag:s0], s1  }
0x39: {  	s1 =	ssub.s32 @!p0 $0x0, s1;
	[sflag:s0] =	ssyncset.done @!p0 $0x0  }
0x3a: {  	[sflag:s0] =	ssyncadd.s32 @!p0 s1  }
0x3b: {  	[bflag:$0x3] =	sbarrier.arrive $0xFFFF  }
0x3c: {  	_ =	shalt  }

// kernel: kernel.13.cloned.1.call-start
scs
__scs_entry_jumppad:
0x0: {  	(pc) =	sbr.rel $0x88, $3  }
0x1: {  	(tag) =	ssettag $0x0;
	lr =	simm.s32 $0x1  }
0x2: {  	[smem:$0x3F9C] =	sst lr;
	_ =	strace $0xD0000000  }
0x3: {  	_ = 	snop  }
0x4: {  	_ = 	snop  }
0x5: {  	_ = 	snop  }
0x6: {  	_ = 	snop  }
0x7: {  	_ = 	snop  }
__scs_overlays_trampoline_lowered:
0x8: {  	[smem:$0x3FAB] =	sst s0  }
0x9: {  	[smem:$0x3FAC] =	sst s1  }
0xa: {  	[smem:$0x3FAD] =	sst s2  }
0xb: {  	[smem:$0x3FAE] =	sst s3  }
0xc: {  	[smem:$0x3FAF] =	sst s4  }
0xd: {  	[smem:$0x3FB0] =	sst s5  }
0xe: {  	[smem:$0x3FB1] =	sst s6  }
0xf: {  	[smem:$0x3FB2] =	sst s7  }
0x10: {  	[smem:$0x3FB3] =	sst s8  }
0x11: {  	[smem:$0x3FB4] =	sst s9;
	s0 =	simm.s32 @!p0 $0x0  }
0x12: {  	s1 =	sld [smem:$0x3F9A];
	s0 =	simm.s32 @p0 $0x1  }
0x13: {  	[smem:$0x3FB5] =	sst s0;
	s0 =	simm.s32 @!p1 $0x0  }
0x14: {  	s2 =	sld [smem:$0x3F99];
	s0 =	simm.s32 @p1 $0x1  }
0x15: {  	[smem:$0x3FB6] =	sst s0;
	s0 =	simm.s32 @!p2 $0x0  }
0x16: {  	s3 =	sld [smem:$0x3FDB];
	s0 =	simm.s32 @p2 $0x1  }
0x17: {  	s4 =	simm.s32 $0x1BF5;
	[smem:$0x3FB8] =	sst s0  }
0x18: {  	s0 =	sld [smem:$0x3F9B];
	_ =	swait.ge [sflag:s4], $0x0  }
0x19: {  	s7 =	sld [smem:$0x3F9C]  }
0x1a: {  	s8 =	sadd.s32 $0xFFFFE003, lr  }
0x1b: {  	s9 =	sadd.s32 $0xFFFFFEF7, lr;
	s5 =	simm.s32 $0xFFFFFFFF;
	p2 =	slt.u32 s8, $0xFFFFF086  }
0x1c: {  	p1 =	slt.u32 s9, $0xF7A;
	s5 =	simm.s32 @!p2 $0x0  }
0x1d: {  	s5 =	simm.s32 @p1 $0x1;
	p0 =	seq.s32 s7, s2  }
0x1e: {  	s7 =	smul.u32 @!p0 $0xF7A, s2;
	p2 =	seq.s32 @!p0 s5, $0x0  }
0x1f: {  	s9 =	smul.u32 $0xF7A, s1;
	s8 =	simm.s32 @!p0 $0x1BF5;
	p2 =	por !p2, p0  }
0x20: {  	[sflag:s8] =	ssyncset.s32 @!p0 $0xFFFFF086;
	s6 =	sadd.s32 @!p0 s3, s7;
	s7 =	simm.s32 @!p0 $0x108  }
0x21: {  	s3 =	sadd.s32 s3, s9;
	s6 =	sadd.s32 @!p0 $0x88, s6;
	s7 =	simm.s32 @p2 $0x1082  }
0x22: {  	[simem:s7], [sflag:s8] =	dma.local @!p0 [hbm:s6], $0xF7A  }
0x23: {  	s9 =	sor.u32 $0xD0000000, s2;
	s6 =	simm.s32 $0x108;
	_ =	swait.ge @!p0 [sflag:s8], $0x0  }
0x24: {  	s3 =	sadd.s32 $0x88, s3;
	s6 =	simm.s32 @!p1 $0x1082;
	[sflag:s4] =	ssyncset.s32 $0xFFFFF086  }
0x25: {  	[simem:s6], [sflag:s4] =	dma.local [hbm:s3], $0xF7A  }
0x26: {  	[smem:$0x3F9C] =	sst s1;
	(tag) =	ssettag s2;
	_ =	strace s9  }
0x27: {  	s1 =	sld [smem:$0x3FAC]  }
0x28: {  	s2 =	sld [smem:$0x3FAD]  }
0x29: {  	s4 =	sld [smem:$0x3FAF]  }
0x2a: {  	p0 =	seq.s32 s5, $0x0;
	s5 =	sld [smem:$0x3FB0]  }
0x2b: {  	s6 =	sld [smem:$0x3FB1]  }
0x2c: {  	s7 =	sld [smem:$0x3FB2]  }
0x2d: {  	s3 =	simm.s32 $0x108;
	s8 =	sld [smem:$0x3FB3]  }
0x2e: {  	s3 =	simm.s32 @!p0 $0x1082;
	s9 =	sld [smem:$0x3FB4]  }
0x2f: {  	lr =	sadd.s32 s0, s3;
	s0 =	sld [smem:$0x3FAB]  }
0x30: {  	s3 =	sld [smem:$0x3FAE]  }
0x31: {  	[smem:$0x3FB7] =	sst s10  }
0x32: {  	s10 =	sld [smem:$0x3FB5];
	_ =	sdelay $0x3  }
0x33: {  	p0 =	seq.s32 s10, $0x1;
	s10 =	sld [smem:$0x3FB7];
	_ =	sdelay $0x3  }
0x34: {  	[smem:$0x3FB7] =	sst s10  }
0x35: {  	s10 =	sld [smem:$0x3FB6];
	_ =	sdelay $0x3  }
0x36: {  	p1 =	seq.s32 s10, $0x1;
	s10 =	sld [smem:$0x3FB7];
	_ =	sdelay $0x3  }
0x37: {  	[smem:$0x3FB7] =	sst s10  }
0x38: {  	s10 =	sld [smem:$0x3FB8]  }
0x39: {  	_ = 	snop;
	(pc) =	sbr.ind lr, $3  }
0x3a: {  	_ = 	snop  }
0x3b: {  	_ = 	snop  }
0x3c: {  	p2 =	seq.s32 s10, $0x1;
	s10 =	sld [smem:$0x3FB7]  }
0x3d: {  	_ =	shalt  }
0x3e: {  	_ =	shalt  }
0x3f: {  	_ =	shalt  }
0x40: {  	_ =	shalt  }
0x41: {  	_ =	shalt  }
0x42: {  	_ =	shalt  }
0x43: {  	_ =	shalt  }
0x44: {  	_ =	shalt  }
0x45: {  	_ =	shalt  }
0x46: {  	_ =	shalt  }
0x47: {  	_ =	shalt  }
0x48: {  	_ =	shalt  }
0x49: {  	_ =	shalt  }
0x4a: {  	_ =	shalt  }
0x4b: {  	_ =	shalt  }
0x4c: {  	_ =	shalt  }
0x4d: {  	_ =	shalt  }
0x4e: {  	_ =	shalt  }
0x4f: {  	_ =	shalt  }
0x50: {  	_ =	shalt  }
0x51: {  	_ =	shalt  }
0x52: {  	_ =	shalt  }
0x53: {  	_ =	shalt  }
0x54: {  	_ =	shalt  }
0x55: {  	_ =	shalt  }
0x56: {  	_ =	shalt  }
0x57: {  	_ =	shalt  }
0x58: {  	_ =	shalt  }
0x59: {  	_ =	shalt  }
0x5a: {  	_ =	shalt  }
0x5b: {  	_ =	shalt  }
0x5c: {  	_ =	shalt  }
0x5d: {  	_ =	shalt  }
0x5e: {  	_ =	shalt  }
0x5f: {  	_ =	shalt  }
0x60: {  	_ =	shalt  }
0x61: {  	_ =	shalt  }
0x62: {  	_ =	shalt  }
0x63: {  	_ =	shalt  }
0x64: {  	_ =	shalt  }
0x65: {  	_ =	shalt  }
0x66: {  	_ =	shalt  }
0x67: {  	_ =	shalt  }
0x68: {  	_ =	shalt  }
0x69: {  	_ =	shalt  }
0x6a: {  	_ =	shalt  }
0x6b: {  	_ =	shalt  }
0x6c: {  	_ =	shalt  }
0x6d: {  	_ =	shalt  }
0x6e: {  	_ =	shalt  }
0x6f: {  	_ =	shalt  }
0x70: {  	_ =	shalt  }
0x71: {  	_ =	shalt  }
0x72: {  	_ =	shalt  }
0x73: {  	_ =	shalt  }
0x74: {  	_ =	shalt  }
0x75: {  	_ =	shalt  }
0x76: {  	_ =	shalt  }
0x77: {  	_ =	shalt  }
0x78: {  	_ =	shalt  }
0x79: {  	_ =	shalt  }
0x7a: {  	_ =	shalt  }
0x7b: {  	_ =	shalt  }
0x7c: {  	_ =	shalt  }
0x7d: {  	_ =	shalt  }
0x7e: {  	_ =	shalt  }
0x7f: {  	_ =	shalt  }
0x80: {  	_ =	shalt  }
0x81: {  	_ =	shalt  }
0x82: {  	_ =	shalt  }
0x83: {  	_ =	shalt  }
0x84: {  	_ =	shalt  }
0x85: {  	_ =	shalt  }
0x86: {  	_ =	shalt  }
0x87: {  	_ =	shalt  }
.Lfunc_end0:
.L_simem_size_0:
called_computation.2_lowered:
.L_overlay_start_0:
0x88: {  	s2 =	sld [smem:$0x3FD9]  }
0x89: {  	s3 =	sld [smem:$0x3FFE];
	_ =	sdelay $0x1  }
0x8a: {  	s1 =	srdreg.scid  }
0x8b: {  	s0 =	sand.u32 $0x1, s1  }
0x8c: {  	s14 =	sshll.u32 s0, $0xA;
	s2 =	sadd.s32 s3, s2  }
0x8d: {  	s2 =	sadd.s32 s2, s14  }
0x8e: {  	[smem:$0x3FC3] =	sst s2  }
0x8f: {  	_ = 	snop  }
0x90: {  	s2 =	sld [smem:$0x3FD0];
	_ =	sdelay $0x2  }
0x91: {  	s15 =	simm.s32 $0xA;
	s4 =	simm.s32 $0x10  }
0x92: {  	[smem:s4], [sflag:s15] =	dma.local [hbm:s2], $0x1  }
0x93: {  	_ =	swait.eq [sflag:s15], $0x1  }
0x94: {  	[sflag:s15] =	ssyncset.done $0x0  }
0x95: {  	s16 =	sld [smem:$0x10];
	[sflag:s15] =	ssyncadd.s32 $0xFFFFFFFF  }
0x96: {  	s17 =	sld [smem:$0x11];
	(tm) =	ssettm $0x1  }
0x97: {  	s18 =	sld [smem:$0x3FFB];
	_ =	sdelay $0x3  }
0x98: {  	_ =	strace s18  }
0x99: {  	s4 =	sld [smem:$0x3FFC];
	_ =	sdelay $0x3  }
0x9a: {  	_ =	strace s4  }
0x9b: {  	s4 =	sld [smem:$0x3FFD];
	_ =	sdelay $0x3  }
0x9c: {  	_ =	strace s4  }
0x9d: {  	_ =	strace $0x8FFFFFFF  }
0x9e: {  	s19 =	sld [smem:$0x3FDB];
	_ =	sdelay $0x1  }
0x9f: {  	s5 =	simm.s32 $_scs_section_size  }
0xa0: {  	s6 =	simm.s32 $_size__tile_overlayer_lowered;
	s7 =	simm.s32 $_tile_overlayer_lowered  }
0xa1: {  	s22 =	simm.s32 $0x1BFF;
	s21 =	sshll.u32 s7, $0x1;
	s4 =	sadd.s32 s5, s19  }
0xa2: {  	s8 =	simm.s32 $0x0;
	s20 =	sshll.u32 s6, $0x1;
	s6 =	sadd.s32 s21, s4  }
0xa3: {  	[timem:s8], [sflag:s22] =	dma.local [hbm:s6], s20  }
0xa4: {  	_ =	swait.ge [sflag:s22], s20  }
0xa5: {  	s5 =	ssub.s32 $0x0, s20;
	[sflag:s22] =	ssyncset.done $0x0  }
0xa6: {  	[sflag:s22] =	ssyncadd.s32 s5;
	_ =	sdelay $0x1  }
0xa7: {  	s23 =	simm.s32 $0x1B8B  }
0xa8: {  	_ =	swait.ge [sflag:s23], $0x1  }
0xa9: {  	[sflag:s23] =	ssyncset.done $0x0  }
0xaa: {  	s25 =	simm.s32 $0x1B8E;
	s24 =	sld [smem:$0x3FFE];
	[sflag:s23] =	ssyncadd.s32 $0xFFFFFFFF  }
0xab: {  	s26 =	simm.s32 $execute0_lowered;
	[smem:$0x3FD2] =	sst s25  }
0xac: {  	s6 =	sshll.u32 s26, $0x1;
	_ =	strace $0x8000004C;
	[dreg:$0x1] =	wrdreg $0xFFFFFFFF  }
0xad: {  	s28 =	simm.s32 $_size_execute0_lowered;
	s4 =	sadd.s32 s4, s6;
	[dreg:$0x0] =	wrdreg $0x0  }
0xae: {  	s6 =	sshll.u32 s28, $0x1;
	[dreg:$0x2] =	wrdreg s4  }
0xaf: {  	[dreg:$0x3] =	wrdreg s6  }
0xb0: {  	[dreg:$0x4] =	wrdreg $0xC0  }
0xb1: {  	_ =	task [dreg:s8], $0x5FFFF  }
0xb2: {  	[dreg:$0x1] =	wrdreg $0xFFFFFFFF  }
0xb3: {  	[dreg:$0x0] =	wrdreg $0x60  }
0xb4: {  	[dreg:$0x2] =	wrdreg s24  }
0xb5: {  	[dreg:$0x3] =	wrdreg s16  }
0xb6: {  	[dreg:$0x4] =	wrdreg s17  }
0xb7: {  	[dreg:$0x5] =	wrdreg $0xC1C00  }
0xb8: {  	[dreg:$0x6] =	wrdreg $0x9  }
0xb9: {  	_ =	task.clear_ibuf [dreg:s8], $0x7FFFF;
	_ =	strace $0x9000004C  }
0xba: {  	s29 =	simm.s32 $0x9;
	_ =	strace $0x8000004E  }
0xbb: {  	_ =	swait.ge [sflag:s29], $0x1  }
0xbc: {  	[sflag:s29] =	ssyncadd.s32 $0xFFFFFFFF  }
0xbd: {  	_ =	strace $0x9000004E  }
0xbe: {  	_ =	sfence  }
0xbf: {  	s30 =	sld [smem:$0x0];
	_ =	sdelay $0x2  }
0xc0: {  	s31 =	sshll.u32 s1, $0xD;
	s1 =	sshrl.u32 s1, $0x2  }
0xc1: {  	s3 =	sand.u32 $0x4000, s31;
	s1 =	sadd.s32 s1, s30  }
0xc2: {  	s0 =	sor.u32 s3, s0;
	s1 =	sshll.u32 s1, $0x11  }
0xc3: {  	s0 =	sor.u32 s1, s0  }
0xc4: {  	s0 =	sadd.s32 $0x8F2B, s0  }
0xc5: {  	[sflag:s0] =	ssyncadd.remote.s32 $0x1  }
0xc6: {  	_ =	sfence.sel $0xFFFF  }
0xc7: {  	[dreg:$0x0] =	wrdreg $0xFFFFFFFF;
	(pc) =	sbr.abs _section_cstart, $3  }
0xc8: {  	[dreg:$0x1] =	wrdreg $0xFFFFFFFF  }
0xc9: {  	_ =	task.clear_ibuf [dreg:s8], $0x2FFFF;
	_ =	strace $0x9FFFFFFF  }
0xca: {  	(tm) =	ssettm $0x7FFFFFFF  }
0xcb: {  	_ =	shalt  }
tec
execute0_lowered:
.L_overlay_start_1:
0x0: {  	(tag) =	ssettag $0x1  }
0x1: {  	s0 =	rddreg [dreg:$0x0]  }
0x2: {  	s1 =	rddreg [dreg:$0x1]  }
0x3: {  	s2 =	srdreg.scid;
	s3 =	rddreg [dreg:$0x2]  }
0x4: {  	s7 =	stileid.u32;
	s4 =	rddreg [dreg:$0x3];
	s28 =	simm.s32 $0x5AA0  }
0x5: {  	s29 =	simm.s32 $0x5460;
	s30 =	simm.s32 $0x1;
	s8 =	smul.u32 $0x13880, s7  }
0x6: {  	s31 =	simm.s32 $0x2;
	s2 =	sand.u32 $0x1, s2;
	s12 =	smul.u32 $0x4E200, s7  }
0x7: {  	s5 =	sshll.u32 s2, $0x4;
	s10 =	smul.u32 $0x138800, s2;
	s2 =	ssub.s32 $0x2, s2  }
0x8: {  	s9 =	sor.u32 s7, s5;
	s5 =	simm.s32 $0x0;
	s7 =	sadd.s32 $0x16800, s0  }
0x9: {  	s13 =	sshrl.u32 s2, $0x1;
	s12 =	sshrl.u32 s12, $0x2;
	s6 =	smul.u32 $0x514, s9  }
0xa: {  	[smem:$0x7FF] =	sst s5;
	s10 =	sadd.s32 s8, s10;
	s2 =	ssub.s32 s2, s13  }
0xb: {  	s19 =	sadd.s32 s12, s4;
	s8 =	sadd.s32 s8, s4;
	s17 =	smul.u32 $0x2710, s9  }
0xc: {  	_ =	strace $0x8000004D;
	s10 =	sshrl.u32 s10, $0x3;
	s12 =	sadd.s32 $0x3200, s19  }
0xd: {  	s20 =	sadd.s32 $0x6400, s19;
	s21 =	sadd.s32 $0x9600, s19;
	[dreg:$0x5] =	wrdreg s12  }
0xe: {  	s22 =	sadd.s32 $0xC800, s19;
	s23 =	sadd.s32 $0xFA00, s19;
	[dreg:$0x6] =	wrdreg s20  }
0xf: {  	s26 =	smax.u32 s2, $0x1;
	s2 =	simm.s32 $0x0;
	[dreg:$0x7] =	wrdreg s21  }
0x10: {  	s11 =	sadd.s32 s6, s0;
	s6 =	sadd.s32 $0x1B800, s0;
	[dreg:$0x8] =	wrdreg s22  }
0x11: {  	v0 =	vlaneseq.u32;
	v2 =	vimm.f32 $0.0e+00;
	v13 =	vimm.s32 $0x3;
	s0 =	sadd.s32 s10, s0;
	[dreg:$0x9] =	wrdreg s23;
	s10 =	sadd.s32 $0x12C00, s19  }
0x12: {  	v8 =	vimm.s32 $0x0;
	v15 =	vimm.s32 $0x1;
	v16 =	vimm.s32 $0x2;
	[dreg:$0xe] =	wrdreg s26;
	s20 =	simm.s32 $0x5DC0;
	s21 =	simm.s32 $0x3  }
0x13: {  	v17 =	vimm.s32 $0x4;
	v18 =	vimm.s32 $0x5;
	v1 =	vshrl.u32 v0, $0x3;
	s23 =	simm.s32 $0x64;
	[dreg:$0xa] =	wrdreg s10;
	s24 =	sadd.s32 $0xC400, s11  }
0x14: {  	v19 =	vimm.s32 $0x6;
	v14 =	vand.u32 $0x7, v0;
	v1 =	vmul.u32 $0x8, v1;
	s26 =	simm.s32 $0x8FC0;
	s25 =	sadd.s32 $0x2000, s11;
	[dreg:$0xb] =	wrdreg s24  }
0x15: {  	v20 =	vimm.s32 $0x7;
	v21 =	vimm.s32 $0x9;
	v22 =	vimm.s32 $0xA;
	[tilespmem:$0x1FFE0] =	vst v14;
	s22 =	simm.s32 $0x0;
	s0 =	sadd.s32 $0x69A00, s0;
	[dreg:$0xc] =	wrdreg s25  }
0x16: {  	v23 =	vimm.s32 $0xB;
	v24 =	vimm.s32 $0xC;
	v45 =	vimm.s32 $0xE;
	[tilespmem:$0x1FFF0] =	vst v1;
	[dreg:$0xd] =	wrdreg s0;
	s24 =	simm.s32 $0x5780;
	s25 =	simm.s32 $0x5140  }
.LBB2_1:
0x17: {  	s0 =	simm.s32 $0x0;
	s9 =	simm.s32 $0x200  }
.LBB2_2:
0x18: {  	p0 =	sne.s32 s9, $0xC600;
	[tilespmem:s0+$0x5E30] =	vst v2  }
0x19: {  	[tilespmem:s0+$0x5DC0] =	vst v2  }
0x1a: {  	[tilespmem:s0+$0x5DD0] =	vst v2  }
.Ltmp0:
0x1b: {  	[tilespmem:s0+$0x5DE0] =	vst v2;
	(pc) =	sbr.rel @p0 .LBB2_2-.Ltmp0, $4  }
0x1c: {  	[tilespmem:s0+$0x5DF0] =	vst v2  }
0x1d: {  	[tilespmem:s0+$0x5E00] =	vst v2  }
0x1e: {  	[tilespmem:s0+$0x5E10] =	vst v2  }
0x1f: {  	[tilespmem:s0+$0x5E20] =	vst v2;
	s0 =	sshra.s32 s9, $0x2;
	s9 =	sadd.s32 $0x200, s9  }
0x20: {  	[tilespmem:s0+$0x5E30] =	vst v2  }
0x21: {  	[tilespmem:s0+$0x5DC0] =	vst v2  }
0x22: {  	[tilespmem:s0+$0x5DD0] =	vst v2  }
0x23: {  	[tilespmem:s0+$0x5DE0] =	vst v2  }
0x24: {  	[tilespmem:s0+$0x5DF0] =	vst v2  }
0x25: {  	[tilespmem:s0+$0x5E00] =	vst v2  }
0x26: {  	[tilespmem:s0+$0x5E10] =	vst v2  }
0x27: {  	[tilespmem:s0+$0x5E20] =	vst v2  }
0x28: {  	[spmem:s8] =	stream.linear.scatter [tilespmem:s20], [sflag:$0x3], $0x3200, $0x38;
	[tilespmem:$0x1FA40] =	vst v63  }
0x29: {  	_ =	swait.ge [sflag:s21], $0x3200  }
0x2a: {  	[sflag:s21] =	ssyncset.done $0x0  }
0x2b: {  	s11 =	rddreg [dreg:$0x5];
	[sflag:s21] =	ssyncadd.s32 $0xFFFFCE00  }
0x2c: {  	[spmem:s11] =	stream.linear.scatter [tilespmem:s20], [sflag:$0x3], $0x3200, $0x38;
	[tilespmem:$0x1FA40] =	vst v63  }
0x2d: {  	_ =	swait.ge [sflag:s21], $0x3200  }
0x2e: {  	[sflag:s21] =	ssyncset.done $0x0  }
0x2f: {  	s12 =	rddreg [dreg:$0x6];
	[sflag:s21] =	ssyncadd.s32 $0xFFFFCE00  }
0x30: {  	[spmem:s12] =	stream.linear.scatter [tilespmem:s20], [sflag:$0x3], $0x3200, $0x38;
	[tilespmem:$0x1FA40] =	vst v63  }
0x31: {  	_ =	swait.ge [sflag:s21], $0x3200  }
0x32: {  	[sflag:s21] =	ssyncset.done $0x0  }
0x33: {  	s13 =	rddreg [dreg:$0x7];
	[sflag:s21] =	ssyncadd.s32 $0xFFFFCE00  }
0x34: {  	[spmem:s13] =	stream.linear.scatter [tilespmem:s20], [sflag:$0x3], $0x3200, $0x38;
	[tilespmem:$0x1FA40] =	vst v63  }
0x35: {  	_ =	swait.ge [sflag:s21], $0x3200  }
0x36: {  	[sflag:s21] =	ssyncset.done $0x0  }
0x37: {  	s14 =	rddreg [dreg:$0x8];
	[sflag:s21] =	ssyncadd.s32 $0xFFFFCE00  }
0x38: {  	[spmem:s14] =	stream.linear.scatter [tilespmem:s20], [sflag:$0x3], $0x3200, $0x38;
	[tilespmem:$0x1FA40] =	vst v63  }
0x39: {  	_ =	swait.ge [sflag:s21], $0x3200  }
0x3a: {  	[sflag:s21] =	ssyncset.done $0x0  }
0x3b: {  	s15 =	rddreg [dreg:$0x9];
	[sflag:s21] =	ssyncadd.s32 $0xFFFFCE00  }
0x3c: {  	[spmem:s15] =	stream.linear.scatter [tilespmem:s20], [sflag:$0x3], $0x3200, $0x38;
	[tilespmem:$0x1FA40] =	vst v63  }
0x3d: {  	_ =	swait.ge [sflag:s21], $0x3200  }
0x3e: {  	[sflag:s21] =	ssyncset.done $0x0  }
0x3f: {  	s16 =	rddreg [dreg:$0xa];
	[sflag:s21] =	ssyncadd.s32 $0xFFFFCE00  }
0x40: {  	[spmem:s16] =	stream.linear.scatter [tilespmem:s20], [sflag:$0x3], $0xC80, $0x38;
	[tilespmem:$0x1FA40] =	vst v63  }
0x41: {  	_ =	swait.ge [sflag:s21], $0xC80  }
0x42: {  	[sflag:s21] =	ssyncset.done $0x0  }
0x43: {  	s18 =	rddreg [dreg:$0xb];
	[sflag:s21] =	ssyncadd.s32 $0xFFFFF380  }
0x44: {  	[tilespmem:s22], [sflag:$0x3] =	stream.linear.gather [hbm4b:s18+s22], $0x28A0, $0x38;
	[tilespmem:$0x1FA40] =	vst v63  }
0x45: {  	_ =	swait.ge [sflag:s21], $0x28A0  }
0x46: {  	[sflag:s21] =	ssyncset.done $0x0  }
0x47: {  	s9 =	simm.s32 $0x28A0;
	s19 =	rddreg [dreg:$0xc];
	[sflag:s21] =	ssyncadd.s32 $0xFFFFD760  }
0x48: {  	[tilespmem:s9], [sflag:$0x3] =	stream.linear.gather [hbm4b:s19+s22], $0x28A0, $0x38;
	[tilespmem:$0x1FA40] =	vst v63  }
0x49: {  	_ =	swait.ge [sflag:s21], $0x28A0  }
0x4a: {  	[sflag:s21] =	ssyncset.done $0x0  }
0x4b: {  	[sflag:s21] =	ssyncadd.s32 $0xFFFFD760  }
0x4c: {  	s0 =	simm.s32 $0x0;
	[bflag:$0x0] =	sbarrier.arrive $0xFFFF  }
.LBB2_4:
0x4d: {  	s9 =	smul.u32 $0xD0, s0  }
0x4e: {  	s10 =	smul.u32 $0xC8, s0  }
0x4f: {  	[tilespmem:s20], [sflag:$0x1] =	stream.indirect.gather [hbm4b:s1+s23], $0x80, s9, s23, $0xb8;
	[tilespmem:$0x1FA40] =	vst v63  }
0x50: {  	s15 =	sshllo.u32 s0, $0x1;
	s12 =	sadd.s32 s17, s10;
	s11 =	sadd.s32 $0x28A0, s9  }
0x51: {  	[tilespmem:s24], [sflag:$0x1] =	stream.indirect.gather [hbm4b:s7+s23], $0x8, s11, s23, $0xb8;
	[tilespmem:$0x1FA40] =	vst v63  }
0x52: {  	s13 =	smul.u32 $0x68, s15;
	s10 =	sadd.s32 s6, s12  }
0x53: {  	[tilespmem:s25], [sflag:$0x1] =	stream.linear.gather [hbm4b:s10+s22], $0x320, $0x38;
	[tilespmem:$0x1FA40] =	vst v63  }
0x54: {  	s9 =	smul.u32 $0x64, s15  }
0x55: {  	[tilespmem:s26], [sflag:$0x2] =	stream.indirect.gather [hbm4b:s1+s23], $0x80, s13, s23, $0xb8;
	[tilespmem:$0x1FA40] =	vst v63  }
0x56: {  	s10 =	sadd.s32 s17, s9;
	s9 =	sadd.s32 $0x28A0, s13  }
0x57: {  	[tilespmem:s28], [sflag:$0x2] =	stream.indirect.gather [hbm4b:s7+s23], $0x8, s9, s23, $0xb8;
	[tilespmem:$0x1FA40] =	vst v63  }
0x58: {  	s16 =	sadd.s32 s6, s10  }
0x59: {  	[tilespmem:s29], [sflag:$0x2] =	stream.linear.gather [hbm4b:s16+s22], $0x320, $0x38;
	[tilespmem:$0x1FA40] =	vst v63  }
0x5a: {  	s18 =	simm.s32 $0x2;
	_ =	swait.ge [sflag:s30], $0x3200  }
0x5b: {  	v0 =	vmov s18;
	[sflag:s30] =	ssyncset.done $0x0  }
0x5c: {  	v0 =	vshll.u32 v0, $0x3;
	[sflag:s30] =	ssyncadd.s32 $0xFFFFCE00  }
0x5d: {  	v0 =	vor.u32 v1, v0;
	_ =	swait.ge [sflag:s30], $0x320  }
0x5e: {  	v0 =	vor.u32 v14, v0;
	[sflag:s30] =	ssyncset.done $0x0  }
0x5f: {  	[sflag:s30] =	ssyncadd.s32 $0xFFFFFCE0  }
0x60: {  	_ =	swait.ge [sflag:s30], $0x320  }
0x61: {  	[sflag:s30] =	ssyncset.done $0x0  }
0x62: {  	v2 =	vmov s22;
	[sflag:s30] =	ssyncadd.s32 $0xFFFFFCE0  }
0x63: {  	v2 =	vshll.u32 v2, $0x3;
	v3 =	vld.idx.msk [tilespmem:v0+s25+$0x0], $0xffff  }
0x64: {  	v2 =	vor.u32 v1, v2;
	v5 =	vld.idx.msk [tilespmem:v0+s24+$0x0], $0xffff  }
0x65: {  	v2 =	vor.u32 v14, v2;
	_ =	sdelay $0x3  }
0x66: {  	v3 =	vmul.f32 v5, v3  }
0x67: {  	v6 =	vld.idx.msk [tilespmem:v2+s24+$0x0], $0xffff  }
0x68: {  	s13 =	simm.s32 $0x5EC0;
	v5 =	vld.idx.msk [tilespmem:v2+s25+$0x0], $0xffff;
	[tilespmem:v0+s25+$0x0] =	vst.idx.msk $0xffff, v3  }
0x69: {  	v0 =	vld [tilespmem:s13+$0xF0]  }
0x6a: {  	v7 =	vld [tilespmem:s13+$0x0]  }
0x6b: {  	v59 =	vld [tilespmem:s13+$0x10]  }
0x6c: {  	v9 =	vld [tilespmem:s13+$0x20]  }
0x6d: {  	v11 =	vld [tilespmem:s13+$0x30]  }
0x6e: {  	v4 =	vimm.s32 $0xF;
	v12 =	vld [tilespmem:s13+$0x40]  }
0x6f: {  	v10 =	vperm.xlane v3, v4;
	v25 =	vld [tilespmem:s13+$0x60]  }
0x70: {  	v26 =	vperm.xlane v3, v15;
	v27 =	vperm.xlane v3, v16;
	v29 =	vld [tilespmem:s13+$0x70]  }
0x71: {  	v28 =	vperm.xlane v3, v17;
	v30 =	vperm.xlane v3, v18;
	v32 =	vld [tilespmem:s13+$0x80]  }
0x72: {  	v31 =	vperm.xlane v3, v19;
	v33 =	vperm.xlane v3, v20;
	v35 =	vld [tilespmem:s13+$0x90]  }
0x73: {  	v36 =	vperm.xlane v3, v21;
	v37 =	vperm.xlane v3, v22;
	v38 =	vld [tilespmem:s13+$0xA0]  }
0x74: {  	v42 =	vimm.s32 $0xD;
	v39 =	vperm.xlane v3, v23;
	v40 =	vperm.xlane v3, v24;
	v41 =	vld [tilespmem:s13+$0xB0]  }
0x75: {  	v4 =	vimm.s32 $0x8;
	v42 =	vperm.xlane v3, v42;
	v44 =	vld [tilespmem:s13+$0xC0];
	v5 =	vmul.f32 v6, v5  }
0x76: {  	v34 =	vperm.xlane v3, v4;
	v46 =	vld [tilespmem:s13+$0xD0];
	v6 =	vperm.xlane v3, v8  }
0x77: {  	v48 =	vld [tilespmem:s13+$0xE0];
	v43 =	vperm.xlane v5, v8;
	[tilespmem:v2+s25+$0x0] =	vst.idx.msk $0xffff, v5;
	v2 =	vperm.xlane v5, v16  }
0x78: {  	v47 =	vperm.xlane v5, v13;
	v0 =	vmul.f32 v0, v10;
	v10 =	vld [tilespmem:s13+$0x50]  }
0x79: {  	v55 =	vimm.s32 $0x8;
	v49 =	vperm.xlane v5, v17;
	v50 =	vperm.xlane v5, v18;
	v51 =	vld [tilespmem:s13+$0xFFFFFF00]  }
0x7a: {  	v63 =	vimm.s32 $0xE;
	s14 =	simm.s32 $0x4;
	v52 =	vperm.xlane v5, v19;
	v8 =	vperm.xlane v5, v22;
	v54 =	vld [tilespmem:s13+$0xFFFFFF10]  }
0x7b: {  	v60 =	vmov s14;
	v53 =	vperm.xlane v5, v20;
	v61 =	vperm.xlane v5, v23;
	v56 =	vld [tilespmem:s13+$0xFFFFFF20];
	[tilespmem:s13+$0xF0] =	vst v0  }
0x7c: {  	s19 =	simm.s32 $0x6;
	v4 =	vimm.s32 $0xD;
	v55 =	vperm.xlane v5, v55;
	v62 =	vperm.xlane v5, v24;
	v58 =	vld [tilespmem:s13+$0xFFFFFF30];
	[tilespmem:$0x1FF20] =	vst v8  }
0x7d: {  	v19 =	vshll.u32 v60, $0x3;
	v20 =	vmov s19;
	v57 =	vperm.xlane v5, v21;
	v60 =	vld [tilespmem:s13+$0xFFFFFF40];
	[tilespmem:$0x1FF30] =	vst v61  }
0x7e: {  	v24 =	vperm.xlane v5, v4;
	v4 =	vimm.s32 $0xF;
	v20 =	vshll.u32 v20, $0x3;
	[tilespmem:$0x1FF40] =	vst v62  }
0x7f: {  	v23 =	vperm.xlane v5, v4;
	v22 =	vor.u32 v1, v20;
	v0 =	vperm.xlane v3, v13;
	v62 =	vld [tilespmem:s13+$0xFFFFFF50]  }
0x80: {  	v3 =	vperm.xlane v3, v45;
	v61 =	vor.u32 v14, v22;
	v22 =	vperm.xlane v5, v63;
	v63 =	vld [tilespmem:s13+$0xFFFFFF60]  }
0x81: {  	v21 =	vor.u32 v1, v19;
	v45 =	vperm.xlane v5, v15;
	v5 =	vmul.f32 v7, v6;
	v6 =	vld [tilespmem:s13+$0xFFFFFF70]  }
0x82: {  	v9 =	vmul.f32 v9, v27;
	v8 =	vor.u32 v14, v21;
	v7 =	vmul.f32 v59, v26;
	v59 =	vld [tilespmem:s13+$0xFFFFFF80]  }
0x83: {  	v10 =	vmul.f32 v10, v30;
	v30 =	vmul.f32 v25, v31;
	v25 =	vld [tilespmem:s13+$0xFFFFFFA0]  }
0x84: {  	[tilespmem:s13+$0x20] =	vst v9;
	v26 =	vld [tilespmem:s13+$0xFFFFFFB0]  }
0x85: {  	v0 =	vmul.f32 v11, v0;
	v14 =	vld [tilespmem:s13+$0xFFFFFFC0];
	[tilespmem:s13+$0x0] =	vst v5  }
0x86: {  	v11 =	vmul.f32 v12, v28;
	v5 =	vmul.f32 v29, v33;
	[tilespmem:s13+$0x10] =	vst v7;
	v33 =	vld [tilespmem:s13+$0xFFFFFF90]  }
0x87: {  	v27 =	vmul.f32 v51, v43;
	[tilespmem:s13+$0x30] =	vst v0;
	v12 =	vld.idx.msk [tilespmem:v8+s25+$0x0], $0xffff  }
0x88: {  	v51 =	vmul.f32 v54, v45;
	[tilespmem:s13+$0x40] =	vst v11;
	v54 =	vld.idx.msk [tilespmem:v8+s24+$0x0], $0xffff  }
0x89: {  	[tilespmem:s13+$0xFFFFFF00] =	vst v27;
	v28 =	vld.idx.msk [tilespmem:v61+s25+$0x0], $0xffff;
	v4 =	vmul.f32 v62, v50  }
0x8a: {  	v29 =	vld.idx.msk [tilespmem:v61+s24+$0x0], $0xffff;
	[tilespmem:$0x1FF50] =	vst v14  }
0x8b: {  	[tilespmem:$0x1FF60] =	vst v4  }
0x8c: {  	v4 =	vmul.f32 v63, v52;
	[tilespmem:s13+$0xFFFFFF10] =	vst v51  }
0x8d: {  	[tilespmem:s13+$0x50] =	vst v10  }
0x8e: {  	[tilespmem:$0x1FF70] =	vst v4;
	v4 =	vmul.f32 v6, v53  }
0x8f: {  	v7 =	vmul.f32 v35, v36  }
0x90: {  	v35 =	vmul.f32 v29, v28;
	v28 =	vld [tilespmem:s13+$0xFFFFFFD0];
	[tilespmem:$0x1FF80] =	vst v4;
	v4 =	vmul.f32 v59, v55  }
0x91: {  	v2 =	vmul.f32 v56, v2  }
0x92: {  	[tilespmem:$0x1FF90] =	vst v4  }
0x93: {  	[tilespmem:s13+$0xFFFFFF20] =	vst v2;
	v2 =	vmul.f32 v33, v57;
	_ =	sdelay $0x1  }
0x94: {  	v15 =	vimm.s32 $0x1;
	[tilespmem:$0x1FFB0] =	vst v2  }
0x95: {  	v2 =	vperm.xlane v35, v15;
	[tilespmem:v61+s25+$0x0] =	vst.idx.msk $0xffff, v35  }
0x96: {  	v16 =	vimm.s32 $0x2;
	[tilespmem:s13+$0x60] =	vst v30  }
0x97: {  	v4 =	vperm.xlane v35, v16;
	v29 =	vld [tilespmem:s13+$0xFFFFFFE0];
	[tilespmem:$0x1FFA0] =	vst v2  }
0x98: {  	s14 =	simm.s32 $0x60C0;
	[tilespmem:s13+$0x70] =	vst v5  }
0x99: {  	v2 =	vld [tilespmem:s14+$0xF0];
	[tilespmem:$0x1FFC0] =	vst v4  }
0x9a: {  	v4 =	vld [tilespmem:s14+$0x20]  }
0x9b: {  	v31 =	vmul.f32 v32, v34;
	_ =	sdelay $0x1  }
0x9c: {  	[tilespmem:s13+$0x80] =	vst v31  }
0x9d: {  	v32 =	vmul.f32 v38, v37;
	v33 =	vld [tilespmem:s14+$0x0];
	[tilespmem:s13+$0x90] =	vst v7  }
0x9e: {  	v9 =	vmul.f32 v41, v39;
	v10 =	vld [tilespmem:s14+$0x10];
	[tilespmem:$0x1FFD0] =	vst v4  }
0x9f: {  	v0 =	vmul.f32 v44, v40;
	[tilespmem:s13+$0xA0] =	vst v32  }
0xa0: {  	v34 =	vmul.f32 v46, v42;
	[tilespmem:s13+$0xB0] =	vst v9  }
0xa1: {  	v3 =	vmul.f32 v48, v3;
	[tilespmem:s13+$0xC0] =	vst v0  }
0xa2: {  	v14 =	vimm.s32 $0xF;
	v37 =	vmul.f32 v54, v12;
	[tilespmem:s13+$0xD0] =	vst v34  }
0xa3: {  	v11 =	vmul.f32 v58, v47;
	v5 =	vperm.xlane v35, v14;
	[tilespmem:s13+$0xE0] =	vst v3  }
0xa4: {  	v38 =	vmul.f32 v60, v49;
	[tilespmem:v8+s25+$0x0] =	vst.idx.msk $0xffff, v37  }
0xa5: {  	v0 =	vmul.f32 v2, v5;
	[tilespmem:s13+$0xFFFFFF30] =	vst v11  }
0xa6: {  	[tilespmem:s13+$0xFFFFFF40] =	vst v38  }
0xa7: {  	[tilespmem:s14+$0xF0] =	vst v0  }
0xa8: {  	v5 =	vld [tilespmem:$0x1FF60];
	_ =	sdelay $0x4  }
0xa9: {  	v6 =	vimm.s32 $0x8;
	[tilespmem:s13+$0xFFFFFF50] =	vst v5  }
0xaa: {  	v42 =	vperm.xlane v35, v6;
	v38 =	vperm.xlane v37, v6;
	v6 =	vld [tilespmem:$0x1FF70];
	_ =	sdelay $0x3  }
0xab: {  	v31 =	vimm.s32 $0x5;
	v7 =	vimm.s32 $0x9  }
0xac: {  	v55 =	vperm.xlane v35, v31;
	v51 =	vperm.xlane v35, v7;
	[tilespmem:s13+$0xFFFFFF60] =	vst v6  }
0xad: {  	v47 =	vperm.xlane v37, v31;
	v31 =	vperm.xlane v37, v7;
	v7 =	vld [tilespmem:$0x1FF80];
	_ =	sdelay $0x4  }
0xae: {  	v4 =	vimm.s32 $0xD;
	[tilespmem:s13+$0xFFFFFF70] =	vst v7  }
0xaf: {  	v39 =	vperm.xlane v35, v4;
	v34 =	vperm.xlane v37, v4;
	v4 =	vld [tilespmem:$0x1FF90];
	_ =	sdelay $0x4  }
0xb0: {  	[tilespmem:s13+$0xFFFFFF80] =	vst v4  }
0xb1: {  	v4 =	vld [tilespmem:$0x1FFA0]  }
0xb2: {  	v59 =	vld [tilespmem:s14+$0x30]  }
0xb3: {  	v62 =	vld [tilespmem:s14+$0x40]  }
0xb4: {  	v60 =	vld [tilespmem:s14+$0x50]  }
0xb5: {  	v61 =	vld [tilespmem:s14+$0x60]  }
0xb6: {  	v17 =	vimm.s32 $0x0;
	v11 =	vmul.f32 v10, v4;
	v4 =	vld [tilespmem:$0x1FFB0]  }
0xb7: {  	v56 =	vperm.xlane v37, v17;
	v30 =	vld [tilespmem:s13+$0xFFFFFFF0]  }
0xb8: {  	v18 =	vimm.s32 $0x4;
	v54 =	vperm.xlane v37, v15;
	v52 =	vperm.xlane v37, v16;
	v63 =	vld [tilespmem:s14+$0x70]  }
0xb9: {  	v27 =	vimm.s32 $0x6;
	v50 =	vperm.xlane v37, v13;
	v46 =	vperm.xlane v37, v18;
	v2 =	vld [tilespmem:s14+$0x90]  }
0xba: {  	v36 =	vimm.s32 $0x7;
	v41 =	vperm.xlane v37, v27;
	v12 =	vperm.xlane v35, v17;
	v3 =	vld [tilespmem:s14+$0xA0]  }
0xbb: {  	v19 =	vimm.s32 $0xC;
	v48 =	vperm.xlane v37, v36;
	v58 =	vperm.xlane v35, v18;
	v8 =	vld [tilespmem:s14+$0xE0];
	[tilespmem:s13+$0xFFFFFF90] =	vst v4  }
0xbc: {  	v53 =	vperm.xlane v35, v27;
	v12 =	vmul.f32 v33, v12;
	v9 =	vimm.s32 $0xE;
	v4 =	vld [tilespmem:$0x1FFC0]  }
0xbd: {  	v21 =	vimm.s32 $0xA;
	v40 =	vperm.xlane v35, v9;
	v33 =	vperm.xlane v37, v9;
	v9 =	vld [tilespmem:$0x1FFD0]  }
0xbe: {  	v20 =	vimm.s32 $0xB;
	v49 =	vperm.xlane v35, v36;
	v43 =	vperm.xlane v35, v21;
	v0 =	vld [tilespmem:s14+$0x80]  }
0xbf: {  	v44 =	vperm.xlane v35, v20;
	v45 =	vperm.xlane v35, v19;
	v5 =	vld [tilespmem:s14+$0xB0]  }
0xc0: {  	v36 =	vperm.xlane v37, v21;
	v57 =	vperm.xlane v35, v13;
	v6 =	vld [tilespmem:s14+$0xC0]  }
0xc1: {  	v32 =	vperm.xlane v37, v19;
	v35 =	vperm.xlane v37, v20;
	v7 =	vld [tilespmem:s14+$0xD0]  }
0xc2: {  	s18 =	simm.s32 $0x8;
	s15 =	simm.s32 $0x60C0;
	s16 =	simm.s32 $0x2;
	v37 =	vperm.xlane v37, v14;
	v10 =	vmul.f32 v9, v4;
	v9 =	vld [tilespmem:s14+$0xFFFFFF00]  }
.LBB2_5:
0xc3: {  	v4 =	vld [tilespmem:$0x1FFE0]  }
0xc4: {  	s19 =	sadd.s32 $0x2, s18;
	[tilespmem:s14+$0x0] =	vst v12  }
0xc5: {  	v13 =	vmov s18;
	v14 =	vld [tilespmem:s14+$0xFFFFFF10];
	v19 =	vmov s19;
	[tilespmem:s14+$0x10] =	vst v11;
	v12 =	vmul.f32 v59, v57  }
0xc6: {  	v17 =	vld [tilespmem:s14+$0xFFFFFF40];
	[tilespmem:s14+$0x20] =	vst v10;
	v57 =	vmul.f32 v62, v58;
	v11 =	vmul.f32 v60, v55;
	v60 =	vshll.u32 v19, $0x3  }
0xc7: {  	v13 =	vshll.u32 v13, $0x3;
	v59 =	vld [tilespmem:s14+$0xFFFFFF20];
	v16 =	vor.u32 v1, v60;
	[tilespmem:s14+$0x30] =	vst v12  }
0xc8: {  	v13 =	vor.u32 v1, v13;
	v62 =	vld [tilespmem:s14+$0xFFFFFF30];
	v10 =	vmul.f32 v61, v53;
	v18 =	vor.u32 v4, v16;
	[tilespmem:s14+$0x40] =	vst v57  }
0xc9: {  	v0 =	vmul.f32 v0, v42;
	v13 =	vor.u32 v4, v13;
	[tilespmem:s14+$0x50] =	vst v11;
	v4 =	vld [tilespmem:$0x1FF20]  }
0xca: {  	v19 =	vld [tilespmem:s14+$0xFFFFFF50];
	v12 =	vmul.f32 v63, v49;
	[tilespmem:s14+$0x60] =	vst v10  }
0xcb: {  	v2 =	vmul.f32 v2, v51;
	v57 =	vld [tilespmem:s14+$0xFFFFFF60];
	[tilespmem:s14+$0x80] =	vst v0  }
0xcc: {  	v5 =	vmul.f32 v5, v44;
	v11 =	vld [tilespmem:s14+$0xFFFFFF70];
	[tilespmem:s14+$0x70] =	vst v12  }
0xcd: {  	v0 =	vld.idx.msk [tilespmem:v18+s25+$0x0], $0xffff;
	[tilespmem:s14+$0x90] =	vst v2  }
0xce: {  	v2 =	vld.idx.msk [tilespmem:v18+s24+$0x0], $0xffff;
	[tilespmem:s14+$0xB0] =	vst v5;
	v5 =	vmul.f32 v25, v4;
	v4 =	vmov v36  }
0xcf: {  	[tilespmem:$0x1FF20] =	vst v4;
	v4 =	vld [tilespmem:$0x1FF30]  }
0xd0: {  	v3 =	vmul.f32 v3, v43;
	v10 =	vld [tilespmem:s14+$0xFFFFFF80]  }
0xd1: {  	v15 =	vmul.f32 v30, v23;
	v6 =	vmul.f32 v6, v45;
	v63 =	vld [tilespmem:s14+$0xFFFFFF90]  }
0xd2: {  	v7 =	vmul.f32 v7, v39;
	v9 =	vmul.f32 v9, v56;
	v12 =	vld.idx.msk [tilespmem:v13+s25+$0x0], $0xffff;
	[tilespmem:s14+$0xA0] =	vst v3  }
0xd3: {  	v8 =	vmul.f32 v8, v40;
	v14 =	vmul.f32 v14, v54;
	v3 =	vld.idx.msk [tilespmem:v13+s24+$0x0], $0xffff;
	[tilespmem:s14+$0xC0] =	vst v6  }
0xd4: {  	v61 =	vmul.f32 v17, v46;
	[tilespmem:s14+$0xD0] =	vst v7;
	v7 =	vld [tilespmem:$0x1FF50];
	v6 =	vmul.f32 v26, v4;
	v4 =	vmov v35  }
0xd5: {  	v21 =	vimm.s32 $0xB;
	v59 =	vmul.f32 v59, v52;
	v60 =	vmul.f32 v62, v50;
	[tilespmem:$0x1FF30] =	vst v4;
	v4 =	vld [tilespmem:$0x1FF40]  }
0xd6: {  	v27 =	vld [tilespmem:s14+$0xFFFFFFA0];
	v23 =	vmovc v37;
	v37 =	vimm.s32 $0xF;
	v62 =	vmul.f32 v19, v47;
	v41 =	vmul.f32 v57, v41;
	[tilespmem:s14+$0xE0] =	vst v8  }
0xd7: {  	v30 =	vld [tilespmem:s15+$0xFFFFFFF0];
	v46 =	vimm.s32 $0x0;
	v11 =	vmul.f32 v11, v48;
	v10 =	vmul.f32 v10, v38;
	[tilespmem:s14+$0xFFFFFF00] =	vst v9  }
0xd8: {  	v47 =	vimm.s32 $0x3;
	v8 =	vmul.f32 v29, v22;
	[tilespmem:s14+$0xFFFFFF10] =	vst v14;
	v29 =	vld [tilespmem:s14+$0xFFFFFFE0];
	v0 =	vmul.f32 v2, v0  }
0xd9: {  	v38 =	vimm.s32 $0x6;
	v25 =	vmovc v34;
	[tilespmem:s14+$0xFFFFFF20] =	vst v59;
	v9 =	vmul.f32 v3, v12;
	v2 =	vmul.f32 v63, v31;
	v26 =	vld [tilespmem:s14+$0xFFFFFFB0]  }
0xda: {  	v34 =	vimm.s32 $0x4;
	v35 =	vmul.f32 v28, v24;
	v28 =	vld [tilespmem:s14+$0xFFFFFFD0];
	[tilespmem:v18+s25+$0x0] =	vst.idx.msk $0xffff, v0;
	v7 =	vmul.f32 v7, v4;
	v4 =	vmovc v32  }
0xdb: {  	v36 =	vimm.s32 $0x5;
	v12 =	vperm.xlane v0, v46;
	v57 =	vperm.xlane v0, v47;
	[tilespmem:$0x1FF40] =	vst v4;
	v4 =	vld [tilespmem:s14+$0xFFFFFFC0];
	s14 =	sadd.s32 $0x200, s14  }
0xdc: {  	v48 =	vimm.s32 $0x7;
	v58 =	vperm.xlane v0, v34;
	v55 =	vperm.xlane v0, v36;
	[tilespmem:v13+s25+$0x0] =	vst.idx.msk $0xffff, v9;
	v3 =	vld [tilespmem:s14+$0xF0]  }
0xdd: {  	v22 =	vimm.s32 $0x8;
	v53 =	vperm.xlane v0, v38;
	v49 =	vperm.xlane v0, v48;
	v16 =	vld [tilespmem:s14+$0x0];
	[tilespmem:s15+$0xFFFFFF30] =	vst v60  }
0xde: {  	v19 =	vimm.s32 $0xA;
	v42 =	vperm.xlane v0, v22;
	v31 =	vperm.xlane v0, v37;
	v17 =	vld [tilespmem:s14+$0x10];
	[tilespmem:s15+$0xFFFFFF40] =	vst v61  }
0xdf: {  	v20 =	vimm.s32 $0xC;
	v43 =	vperm.xlane v0, v19;
	v44 =	vperm.xlane v0, v21;
	v18 =	vld [tilespmem:s14+$0x20];
	[tilespmem:s15+$0xFFFFFF50] =	vst v62  }
0xe0: {  	v24 =	vmovc v33;
	v33 =	vimm.s32 $0x2;
	v45 =	vperm.xlane v0, v20;
	v56 =	vperm.xlane v9, v46;
	v59 =	vld [tilespmem:s14+$0x30];
	[tilespmem:s15+$0xFFFFFF60] =	vst v41  }
0xe1: {  	v52 =	vperm.xlane v9, v33;
	v50 =	vperm.xlane v9, v47;
	v62 =	vld [tilespmem:s14+$0x40];
	[tilespmem:s15+$0xFFFFFF70] =	vst v11  }
0xe2: {  	v46 =	vperm.xlane v9, v34;
	v47 =	vperm.xlane v9, v36;
	v60 =	vld [tilespmem:s14+$0x50];
	[tilespmem:s15+$0xFFFFFF80] =	vst v10  }
0xe3: {  	v48 =	vperm.xlane v9, v48;
	v36 =	vperm.xlane v9, v19;
	v32 =	vimm.s32 $0x1;
	v61 =	vld [tilespmem:s14+$0x60];
	[tilespmem:s15+$0xFFFFFF90] =	vst v2  }
0xe4: {  	v37 =	vperm.xlane v9, v37;
	v14 =	vperm.xlane v0, v32;
	v63 =	vld [tilespmem:s14+$0x70];
	[tilespmem:s13+$0xFFFFFFD0] =	vst v35  }
0xe5: {  	v13 =	vperm.xlane v0, v33;
	v54 =	vperm.xlane v9, v32;
	v2 =	vld [tilespmem:s14+$0x90];
	[tilespmem:s13+$0xFFFFFFE0] =	vst v8  }
0xe6: {  	s16 =	sadd.s32 $0x2, s16;
	v32 =	vperm.xlane v9, v20;
	v11 =	vimm.s32 $0xD;
	v41 =	vperm.xlane v9, v38;
	v8 =	vld [tilespmem:s14+$0xE0];
	[tilespmem:s13+$0xFFFFFFA0] =	vst v5  }
0xe7: {  	p0 =	slt.u32 s16, $0x30;
	v10 =	vimm.s32 $0xE;
	v38 =	vperm.xlane v9, v22;
	v35 =	vperm.xlane v9, v21;
	[tilespmem:s13+$0xFFFFFFB0] =	vst v6;
	v5 =	vld [tilespmem:s14+$0xB0]  }
.Ltmp1:
0xe8: {  	v39 =	vperm.xlane v0, v11;
	v40 =	vperm.xlane v0, v10;
	[tilespmem:s13+$0xFFFFFFC0] =	vst v7;
	v6 =	vld [tilespmem:s14+$0xC0];
	(pc) =	sbr.rel @p0 .LBB2_5-.Ltmp1, $4  }
0xe9: {  	v34 =	vperm.xlane v9, v11;
	v33 =	vperm.xlane v9, v10;
	v7 =	vld [tilespmem:s14+$0xD0];
	[tilespmem:$0x1FF50] =	vst v4;
	v4 =	vimm.s32 $0x9  }
0xea: {  	v51 =	vperm.xlane v0, v4;
	v3 =	vmul.f32 v3, v31;
	v0 =	vld [tilespmem:s14+$0x80]  }
0xeb: {  	v22 =	vmov v24;
	[tilespmem:s13+$0xFFFFFFF0] =	vst v15;
	v31 =	vperm.xlane v9, v4;
	v12 =	vmul.f32 v16, v12;
	v9 =	vld [tilespmem:s14+$0xFFFFFF00]  }
0xec: {  	s18 =	sadd.s32 $0x4, s18;
	v24 =	vmovc v25;
	v25 =	vmov v27;
	s13 =	smov.u32 s15;
	s15 =	smov.u32 s14;
	v11 =	vmul.f32 v17, v14;
	v10 =	vmul.f32 v18, v13;
	[tilespmem:s14+$0xF0] =	vst v3;
	v3 =	vld [tilespmem:s14+$0xA0]  }
0xed: {  	[tilespmem:s14+$0x0] =	vst v12  }
0xee: {  	v12 =	vmul.f32 v59, v57;
	[tilespmem:s14+$0x10] =	vst v11  }
0xef: {  	v2 =	vmul.f32 v2, v51;
	[tilespmem:s14+$0x20] =	vst v10  }
0xf0: {  	v5 =	vmul.f32 v5, v44;
	[tilespmem:s14+$0x30] =	vst v12  }
0xf1: {  	v6 =	vmul.f32 v6, v45;
	[tilespmem:s14+$0x90] =	vst v2  }
0xf2: {  	v13 =	vld [tilespmem:s14+$0xFFFFFF10];
	v8 =	vmul.f32 v8, v40;
	[tilespmem:s14+$0xB0] =	vst v5  }
0xf3: {  	v14 =	vld [tilespmem:s14+$0xFFFFFF20];
	v11 =	vmul.f32 v62, v58;
	[tilespmem:s14+$0xC0] =	vst v6  }
0xf4: {  	v15 =	vld [tilespmem:s14+$0xFFFFFF30];
	v10 =	vmul.f32 v60, v55;
	[tilespmem:s14+$0xE0] =	vst v8  }
0xf5: {  	v16 =	vld [tilespmem:s14+$0xFFFFFF40];
	v7 =	vmul.f32 v7, v39;
	[tilespmem:s14+$0x40] =	vst v11  }
0xf6: {  	v17 =	vld [tilespmem:s14+$0xFFFFFF50];
	v12 =	vmul.f32 v61, v53;
	[tilespmem:s14+$0x50] =	vst v10  }
0xf7: {  	v18 =	vld [tilespmem:s14+$0xFFFFFF60];
	v0 =	vmul.f32 v0, v42;
	[tilespmem:s14+$0xD0] =	vst v7  }
0xf8: {  	v2 =	vld [tilespmem:s14+$0xFFFFFFA0];
	v11 =	vmul.f32 v63, v49;
	[tilespmem:s14+$0x60] =	vst v12  }
0xf9: {  	v5 =	vld [tilespmem:s14+$0xFFFFFFC0];
	v9 =	vmul.f32 v9, v56;
	[tilespmem:s14+$0x80] =	vst v0  }
0xfa: {  	v6 =	vld [tilespmem:s14+$0xFFFFFFD0];
	v3 =	vmul.f32 v3, v43;
	[tilespmem:s14+$0x70] =	vst v11  }
0xfb: {  	v10 =	vld [tilespmem:s14+$0xFFFFFF70];
	v11 =	vmul.f32 v13, v54;
	[tilespmem:s14+$0xFFFFFF00] =	vst v9  }
0xfc: {  	v7 =	vld [tilespmem:s14+$0xFFFFFFE0];
	v9 =	vmul.f32 v14, v52;
	[tilespmem:s14+$0xA0] =	vst v3  }
0xfd: {  	v12 =	vld [tilespmem:s14+$0xFFFFFF80];
	v13 =	vmul.f32 v17, v47;
	[tilespmem:s14+$0xFFFFFF10] =	vst v11  }
0xfe: {  	v0 =	vld [tilespmem:s14+$0xFFFFFF90];
	[tilespmem:s14+$0xFFFFFF20] =	vst v9;
	v9 =	vmul.f32 v15, v50  }
0xff: {  	v3 =	vld [tilespmem:s14+$0xFFFFFFB0];
	v11 =	vmul.f32 v16, v46;
	[tilespmem:s15+$0xFFFFFF50] =	vst v13  }
0x100: {  	v10 =	vmul.f32 v10, v48;
	[tilespmem:s15+$0xFFFFFF30] =	vst v9  }
0x101: {  	v9 =	vmul.f32 v18, v41;
	[tilespmem:s15+$0xFFFFFF40] =	vst v11  }
0x102: {  	[tilespmem:s15+$0xFFFFFF70] =	vst v10  }
0x103: {  	[tilespmem:s15+$0xFFFFFF60] =	vst v9  }
0x104: {  	v4 =	vld [tilespmem:$0x1FF20];
	_ =	sdelay $0x1  }
0x105: {  	v11 =	vmul.f32 v12, v38;
	_ =	sdelay $0x1  }
0x106: {  	[tilespmem:s15+$0xFFFFFF80] =	vst v11  }
0x107: {  	v9 =	vmul.f32 v25, v4;
	v4 =	vld [tilespmem:$0x1FF30]  }
0x108: {  	v0 =	vmul.f32 v0, v31;
	_ =	sdelay $0x1  }
0x109: {  	[tilespmem:s15+$0xFFFFFF90] =	vst v0  }
0x10a: {  	v0 =	vld [tilespmem:$0x1FF40]  }
0x10b: {  	v10 =	vmul.f32 v26, v4;
	v4 =	vld [tilespmem:$0x1FF50];
	_ =	sdelay $0x1  }
0x10c: {  	v2 =	vmul.f32 v2, v36  }
0x10d: {  	[tilespmem:s13+$0xFFFFFFA0] =	vst v9  }
0x10e: {  	v9 =	vmul.f32 v28, v24;
	[tilespmem:s15+$0xFFFFFFA0] =	vst v2  }
0x10f: {  	[tilespmem:s13+$0xFFFFFFB0] =	vst v10;
	v0 =	vmul.f32 v4, v0  }
0x110: {  	v2 =	vmul.f32 v6, v34;
	[tilespmem:s13+$0xFFFFFFD0] =	vst v9  }
0x111: {  	v8 =	vld [tilespmem:s15+$0xFFFFFFF0];
	[tilespmem:s13+$0xFFFFFFC0] =	vst v0;
	v0 =	vmul.f32 v30, v23  }
0x112: {  	v10 =	vmul.f32 v29, v22;
	[tilespmem:s15+$0xFFFFFFD0] =	vst v2  }
0x113: {  	[tilespmem:s13+$0xFFFFFFF0] =	vst v0;
	v0 =	vmul.f32 v3, v35  }
0x114: {  	[tilespmem:s13+$0xFFFFFFE0] =	vst v10;
	v3 =	vmul.f32 v5, v32  }
0x115: {  	[tilespmem:s15+$0xFFFFFFB0] =	vst v0;
	v0 =	vmul.f32 v7, v33  }
0x116: {  	[tilespmem:s15+$0xFFFFFFC0] =	vst v3;
	v3 =	vmul.f32 v8, v37  }
0x117: {  	[tilespmem:s15+$0xFFFFFFE0] =	vst v0  }
0x118: {  	s12 =	sadd.s32 s3, s12;
	[tilespmem:s15+$0xFFFFFFF0] =	vst v3;
	s15 =	simm.s32 $0x0  }
0x119: {  	[hbm4b:s12+s15] =	stream.linear.scatter [tilespmem:s25], [sflag:$0x3], $0x320, $0x38;
	[tilespmem:$0x1FA40] =	vst v63  }
0x11a: {  	_ =	swait.ge [sflag:s21], $0x320  }
0x11b: {  	[sflag:s21] =	ssyncset.done $0x0  }
0x11c: {  	[sflag:s21] =	ssyncadd.s32 $0xFFFFFCE0  }
0x11d: {  	[spmem:s4] =	stream.indirect.scatter.add.f32 [tilespmem:s20], [sflag:$0x3], $0x80, s11, s23, $0xb8;
	[tilespmem:$0x1FA40] =	vst v63  }
0x11e: {  	_ =	swait.ge [sflag:s21], $0x3200  }
0x11f: {  	[sflag:s21] =	ssyncset.done $0x0  }
0x120: {  	[sflag:s21] =	ssyncadd.s32 $0xFFFFCE00  }
0x121: {  	_ =	swait.ge [sflag:s31], $0x3200  }
0x122: {  	[sflag:s31] =	ssyncset.done $0x0  }
0x123: {  	[sflag:s31] =	ssyncadd.s32 $0xFFFFCE00  }
0x124: {  	_ =	swait.ge [sflag:s31], $0x320  }
0x125: {  	v23 =	vld [tilespmem:$0x1FFE0]  }
0x126: {  	s16 =	simm.s32 $0x2  }
0x127: {  	v0 =	vmov s16  }
0x128: {  	v0 =	vshll.u32 v0, $0x3  }
0x129: {  	v0 =	vor.u32 v1, v0  }
0x12a: {  	[sflag:s31] =	ssyncset.done $0x0;
	v0 =	vor.u32 v23, v0  }
0x12b: {  	[sflag:s31] =	ssyncadd.s32 $0xFFFFFCE0  }
0x12c: {  	_ =	swait.ge [sflag:s31], $0x320  }
0x12d: {  	[sflag:s31] =	ssyncset.done $0x0  }
0x12e: {  	v2 =	vmov s15;
	[sflag:s31] =	ssyncadd.s32 $0xFFFFFCE0  }
0x12f: {  	v2 =	vshll.u32 v2, $0x3;
	v3 =	vld.idx.msk [tilespmem:v0+s29+$0x0], $0xffff  }
0x130: {  	v2 =	vor.u32 v1, v2;
	v5 =	vld.idx.msk [tilespmem:v0+s28+$0x0], $0xffff  }
0x131: {  	v2 =	vor.u32 v23, v2;
	_ =	sdelay $0x3  }
0x132: {  	v3 =	vmul.f32 v5, v3  }
0x133: {  	v6 =	vld.idx.msk [tilespmem:v2+s28+$0x0], $0xffff  }
0x134: {  	s11 =	simm.s32 $0x90C0;
	v5 =	vld.idx.msk [tilespmem:v2+s29+$0x0], $0xffff;
	[tilespmem:v0+s29+$0x0] =	vst.idx.msk $0xffff, v3  }
0x135: {  	v51 =	vimm.s32 $0x6;
	v19 =	vimm.s32 $0x7;
	v0 =	vld [tilespmem:s11+$0xF0]  }
0x136: {  	v20 =	vimm.s32 $0x8;
	v21 =	vimm.s32 $0x9;
	v60 =	vimm.s32 $0xB;
	v7 =	vld [tilespmem:s11+$0x0]  }
0x137: {  	v62 =	vimm.s32 $0xE;
	v42 =	vimm.s32 $0x2;
	v61 =	vimm.s32 $0xC;
	v53 =	vld [tilespmem:s11+$0x10]  }
0x138: {  	v63 =	vimm.s32 $0x1;
	v49 =	vimm.s32 $0x4;
	v8 =	vimm.s32 $0x2;
	v9 =	vld [tilespmem:s11+$0x20]  }
0x139: {  	v4 =	vimm.s32 $0xF;
	v15 =	vperm.xlane v3, v8;
	v8 =	vimm.s32 $0x4;
	v11 =	vld [tilespmem:s11+$0x30]  }
0x13a: {  	v10 =	vperm.xlane v3, v4;
	v12 =	vld [tilespmem:s11+$0x40];
	v16 =	vperm.xlane v3, v8;
	v8 =	vimm.s32 $0x5  }
0x13b: {  	v4 =	vimm.s32 $0x0;
	v13 =	vld [tilespmem:s11+$0x60];
	v18 =	vperm.xlane v3, v8;
	v8 =	vimm.s32 $0x6  }
0x13c: {  	v14 =	vperm.xlane v3, v63;
	v17 =	vld [tilespmem:s11+$0x70];
	v25 =	vperm.xlane v3, v8;
	v8 =	vimm.s32 $0x7  }
0x13d: {  	v26 =	vld [tilespmem:s11+$0x80];
	v5 =	vmul.f32 v6, v5;
	v27 =	vperm.xlane v3, v8;
	v8 =	vimm.s32 $0x8  }
0x13e: {  	v48 =	vimm.s32 $0x3;
	v29 =	vld [tilespmem:s11+$0x90];
	v6 =	vperm.xlane v3, v4;
	v28 =	vperm.xlane v3, v8  }
0x13f: {  	v50 =	vimm.s32 $0x5;
	v32 =	vld [tilespmem:s11+$0xA0];
	[tilespmem:v2+s29+$0x0] =	vst.idx.msk $0xffff, v5;
	v2 =	vperm.xlane v5, v42;
	v41 =	vperm.xlane v5, v48  }
0x140: {  	s18 =	simm.s32 $0x4;
	v35 =	vld [tilespmem:s11+$0xB0];
	v8 =	vimm.s32 $0x9;
	v44 =	vperm.xlane v5, v50;
	v46 =	vperm.xlane v5, v51  }
0x141: {  	v38 =	vld [tilespmem:s11+$0xC0];
	v47 =	vperm.xlane v5, v19;
	v19 =	vmov s18;
	v51 =	vperm.xlane v5, v21  }
0x142: {  	v40 =	vld [tilespmem:s11+$0xD0];
	v0 =	vmul.f32 v0, v10;
	v30 =	vperm.xlane v3, v8;
	v8 =	vimm.s32 $0xA  }
0x143: {  	v42 =	vld [tilespmem:s11+$0xE0];
	v19 =	vshll.u32 v19, $0x3;
	v31 =	vperm.xlane v3, v8;
	v8 =	vimm.s32 $0xB  }
0x144: {  	v10 =	vld [tilespmem:s11+$0x50];
	v21 =	vor.u32 v1, v19;
	v33 =	vperm.xlane v3, v8;
	v8 =	vimm.s32 $0xC  }
0x145: {  	v45 =	vld [tilespmem:s11+$0xFFFFFF00];
	[tilespmem:s11+$0xF0] =	vst v0;
	v0 =	vimm.s32 $0x3;
	v34 =	vperm.xlane v3, v8;
	v8 =	vimm.s32 $0xD  }
0x146: {  	v48 =	vld [tilespmem:s11+$0xFFFFFF10];
	v0 =	vperm.xlane v3, v0;
	v36 =	vperm.xlane v3, v8;
	v8 =	vimm.s32 $0xE  }
0x147: {  	s19 =	simm.s32 $0x6;
	v50 =	vld [tilespmem:s11+$0xFFFFFF20];
	v3 =	vperm.xlane v3, v8;
	v8 =	vor.u32 v23, v21;
	v21 =	vperm.xlane v5, v61  }
0x148: {  	v43 =	vperm.xlane v5, v49;
	v49 =	vperm.xlane v5, v20;
	v20 =	vmov s19;
	v52 =	vld [tilespmem:s11+$0xFFFFFF30]  }
0x149: {  	v22 =	vimm.s32 $0xA;
	v20 =	vshll.u32 v20, $0x3;
	v54 =	vld [tilespmem:s11+$0xFFFFFF40];
	[tilespmem:$0x1FED0] =	vst v21;
	v21 =	vperm.xlane v5, v62  }
0x14a: {  	v24 =	vimm.s32 $0xD;
	v19 =	vperm.xlane v5, v22;
	v22 =	vor.u32 v1, v20  }
0x14b: {  	v37 =	vperm.xlane v5, v4;
	v20 =	vperm.xlane v5, v60;
	v60 =	vor.u32 v23, v22;
	v61 =	vld [tilespmem:s11+$0xFFFFFF50];
	[tilespmem:$0x1FEE0] =	vst v21  }
0x14c: {  	v58 =	vimm.s32 $0xF;
	v39 =	vperm.xlane v5, v63;
	v24 =	vperm.xlane v5, v24;
	v62 =	vld [tilespmem:s11+$0xFFFFFF60]  }
0x14d: {  	v23 =	vperm.xlane v5, v58;
	v5 =	vmul.f32 v7, v6;
	v6 =	vld [tilespmem:s11+$0xFFFFFF70]  }
0x14e: {  	v9 =	vmul.f32 v9, v15;
	v7 =	vmul.f32 v53, v14;
	v14 =	vld [tilespmem:s11+$0xFFFFFF80]  }
0x14f: {  	v0 =	vmul.f32 v11, v0;
	v11 =	vmul.f32 v12, v16;
	v12 =	vld.idx.msk [tilespmem:v8+s29+$0x0], $0xffff;
	[tilespmem:s11+$0x0] =	vst v5  }
0x150: {  	v15 =	vld.idx.msk [tilespmem:v60+s29+$0x0], $0xffff;
	[tilespmem:s11+$0x10] =	vst v7  }
0x151: {  	v16 =	vmul.f32 v26, v28;
	v5 =	vmul.f32 v17, v27;
	v17 =	vld.idx.msk [tilespmem:v60+s28+$0x0], $0xffff;
	[tilespmem:s11+$0x20] =	vst v9  }
0x152: {  	v28 =	vmul.f32 v48, v39;
	v7 =	vmul.f32 v29, v30;
	v29 =	vld [tilespmem:s11+$0xFFFFFF90];
	[tilespmem:s11+$0x30] =	vst v0  }
0x153: {  	v10 =	vmul.f32 v10, v18;
	v18 =	vmul.f32 v32, v31;
	v21 =	vld [tilespmem:s11+$0xFFFFFFA0];
	[tilespmem:s11+$0x40] =	vst v11  }
0x154: {  	v27 =	vmul.f32 v45, v37;
	v0 =	vmul.f32 v38, v34;
	v22 =	vld [tilespmem:s11+$0xFFFFFFB0];
	[tilespmem:s11+$0xFFFFFF10] =	vst v28  }
0x155: {  	v31 =	vld.idx.msk [tilespmem:v8+s28+$0x0], $0xffff;
	[tilespmem:s11+$0x50] =	vst v10;
	v34 =	vmul.f32 v6, v47;
	v6 =	vmul.f32 v14, v49  }
0x156: {  	v13 =	vmul.f32 v13, v25;
	v2 =	vmul.f32 v50, v2;
	v25 =	vld [tilespmem:s11+$0xFFFFFFC0];
	[tilespmem:s11+$0xFFFFFF00] =	vst v27  }
0x157: {  	v28 =	vld [tilespmem:s11+$0xFFFFFFD0];
	[tilespmem:$0x1FF00] =	vst v6  }
0x158: {  	[tilespmem:s11+$0xFFFFFF20] =	vst v2;
	v2 =	vmul.f32 v29, v51;
	_ =	sdelay $0x1  }
0x159: {  	[tilespmem:$0x1FF10] =	vst v2  }
0x15a: {  	v2 =	vld [tilespmem:s11+$0xFFFFFFE0];
	_ =	sdelay $0x3  }
0x15b: {  	v15 =	vmul.f32 v17, v15  }
0x15c: {  	[tilespmem:$0x1FEF0] =	vst v2  }
0x15d: {  	[tilespmem:v60+s29+$0x0] =	vst.idx.msk $0xffff, v15  }
0x15e: {  	[tilespmem:s11+$0x60] =	vst v13  }
0x15f: {  	[tilespmem:s11+$0x70] =	vst v5  }
0x160: {  	[tilespmem:s11+$0x80] =	vst v16  }
0x161: {  	v9 =	vmul.f32 v35, v33;
	[tilespmem:s11+$0x90] =	vst v7  }
0x162: {  	[tilespmem:s11+$0xA0] =	vst v18  }
0x163: {  	v30 =	vmul.f32 v40, v36;
	[tilespmem:s11+$0xB0] =	vst v9  }
0x164: {  	v3 =	vmul.f32 v42, v3;
	[tilespmem:s11+$0xC0] =	vst v0  }
0x165: {  	s12 =	simm.s32 $0x92C0;
	v48 =	vmul.f32 v54, v43;
	v37 =	vmul.f32 v31, v12;
	[tilespmem:s11+$0xD0] =	vst v30  }
0x166: {  	v26 =	vimm.s32 $0x7;
	v11 =	vmul.f32 v52, v41;
	v41 =	vimm.s32 $0x2;
	[tilespmem:s11+$0xE0] =	vst v3;
	v2 =	vld [tilespmem:s12+$0xF0]  }
0x167: {  	v36 =	vimm.s32 $0x4;
	v33 =	vmul.f32 v61, v44;
	v35 =	vmul.f32 v62, v46;
	v30 =	vld [tilespmem:s11+$0xFFFFFFF0];
	[tilespmem:v8+s29+$0x0] =	vst.idx.msk $0xffff, v37  }
0x168: {  	v12 =	vperm.xlane v15, v4;
	v14 =	vperm.xlane v15, v63;
	v18 =	vimm.s32 $0xF;
	[tilespmem:s11+$0xFFFFFF30] =	vst v11;
	v10 =	vld [tilespmem:s12+$0x0]  }
0x169: {  	v47 =	vimm.s32 $0x5;
	v17 =	vperm.xlane v15, v41;
	[tilespmem:s11+$0xFFFFFF40] =	vst v48;
	v16 =	vld [tilespmem:s12+$0x10];
	v5 =	vperm.xlane v15, v18  }
0x16a: {  	v31 =	vimm.s32 $0x6;
	v58 =	vperm.xlane v15, v36;
	v55 =	vperm.xlane v15, v47;
	[tilespmem:s11+$0xFFFFFF50] =	vst v33;
	v13 =	vld [tilespmem:s12+$0x20]  }
0x16b: {  	v38 =	vimm.s32 $0x8;
	v53 =	vperm.xlane v15, v31;
	[tilespmem:s11+$0xFFFFFF60] =	vst v35;
	v59 =	vld [tilespmem:s12+$0x30];
	v0 =	vmul.f32 v2, v5  }
0x16c: {  	v27 =	vimm.s32 $0xA;
	v49 =	vperm.xlane v15, v26;
	v42 =	vperm.xlane v15, v38;
	[tilespmem:s11+$0xFFFFFF70] =	vst v34;
	v62 =	vld [tilespmem:s12+$0x40]  }
0x16d: {  	v43 =	vperm.xlane v15, v27;
	v56 =	vperm.xlane v37, v4;
	v60 =	vld [tilespmem:s12+$0x50];
	[tilespmem:s12+$0xF0] =	vst v0  }
0x16e: {  	v54 =	vperm.xlane v37, v63;
	v52 =	vperm.xlane v37, v41;
	v8 =	vld [tilespmem:$0x1FF00]  }
0x16f: {  	v46 =	vperm.xlane v37, v36;
	v47 =	vperm.xlane v37, v47;
	v61 =	vld [tilespmem:s12+$0x60]  }
0x170: {  	v32 =	vimm.s32 $0x9;
	v41 =	vperm.xlane v37, v31;
	v38 =	vperm.xlane v37, v38;
	v63 =	vld [tilespmem:s12+$0x70]  }
0x171: {  	v6 =	vimm.s32 $0xB;
	v31 =	vperm.xlane v37, v32;
	v51 =	vperm.xlane v15, v32;
	v3 =	vld [tilespmem:s12+$0xA0]  }
0x172: {  	v44 =	vperm.xlane v15, v6;
	v7 =	vimm.s32 $0xD;
	v35 =	vperm.xlane v37, v6;
	v6 =	vld [tilespmem:s12+$0xC0]  }
0x173: {  	v4 =	vimm.s32 $0xE;
	v39 =	vperm.xlane v15, v7;
	v34 =	vperm.xlane v37, v7;
	v7 =	vld [tilespmem:s12+$0xD0];
	[tilespmem:s11+$0xFFFFFF80] =	vst v8  }
0x174: {  	v40 =	vperm.xlane v15, v4;
	v9 =	vimm.s32 $0xC;
	v33 =	vperm.xlane v37, v4;
	v4 =	vld [tilespmem:$0x1FF10]  }
0x175: {  	v29 =	vimm.s32 $0x3;
	v45 =	vperm.xlane v15, v9;
	v32 =	vperm.xlane v37, v9;
	v9 =	vld [tilespmem:s12+$0xFFFFFF00]  }
0x176: {  	v36 =	vperm.xlane v37, v27;
	v57 =	vperm.xlane v15, v29;
	v2 =	vld [tilespmem:s12+$0x90]  }
0x177: {  	v50 =	vperm.xlane v37, v29;
	v48 =	vperm.xlane v37, v26;
	v5 =	vld [tilespmem:s12+$0xB0]  }
0x178: {  	v37 =	vperm.xlane v37, v18;
	v12 =	vmul.f32 v10, v12;
	v0 =	vld [tilespmem:s12+$0x80]  }
0x179: {  	s14 =	simm.s32 $0x2;
	s13 =	simm.s32 $0x92C0;
	s15 =	simm.s32 $0x8;
	v11 =	vmul.f32 v16, v14;
	v10 =	vmul.f32 v13, v17;
	v8 =	vld [tilespmem:s12+$0xE0];
	[tilespmem:s11+$0xFFFFFF90] =	vst v4  }
.LBB2_7:
0x17a: {  	v14 =	vld [tilespmem:s12+$0xFFFFFF10]  }
0x17b: {  	v17 =	vld [tilespmem:s12+$0xFFFFFF20]  }
0x17c: {  	v4 =	vld [tilespmem:$0x1FFF0]  }
0x17d: {  	v1 =	vld [tilespmem:$0x1FFE0]  }
0x17e: {  	v13 =	vmov s15;
	s16 =	sadd.s32 $0x2, s15;
	v18 =	vld [tilespmem:s12+$0xFFFFFF30];
	[tilespmem:s12+$0x0] =	vst v12  }
0x17f: {  	v13 =	vshll.u32 v13, $0x3;
	v16 =	vmov s16;
	[tilespmem:s12+$0x10] =	vst v11;
	v12 =	vmul.f32 v59, v57;
	v59 =	vld [tilespmem:s12+$0xFFFFFF40]  }
0x180: {  	[tilespmem:s12+$0x20] =	vst v10;
	v16 =	vshll.u32 v16, $0x3;
	v15 =	vmul.f32 v62, v58;
	v11 =	vmul.f32 v60, v55;
	v60 =	vld [tilespmem:s12+$0xFFFFFF50]  }
0x181: {  	v13 =	vor.u32 v4, v13;
	v16 =	vor.u32 v4, v16;
	v4 =	vld [tilespmem:$0x1FEF0];
	[tilespmem:s12+$0x30] =	vst v12  }
0x182: {  	v10 =	vmul.f32 v61, v53;
	v16 =	vor.u32 v1, v16;
	[tilespmem:s12+$0x40] =	vst v15;
	v15 =	vld [tilespmem:s12+$0xFFFFFF60]  }
0x183: {  	v0 =	vmul.f32 v0, v42;
	[tilespmem:s12+$0x50] =	vst v11;
	v11 =	vld [tilespmem:s12+$0xFFFFFF70]  }
0x184: {  	v13 =	vor.u32 v1, v13;
	v12 =	vmul.f32 v63, v49;
	[tilespmem:s12+$0x60] =	vst v10;
	v10 =	vld [tilespmem:s12+$0xFFFFFF80]  }
0x185: {  	v2 =	vmul.f32 v2, v51;
	[tilespmem:s12+$0x80] =	vst v0;
	v1 =	vld [tilespmem:$0x1FED0]  }
0x186: {  	v27 =	vmov v35;
	v35 =	vmul.f32 v28, v24;
	v3 =	vmul.f32 v3, v43;
	v63 =	vld [tilespmem:s12+$0xFFFFFF90];
	[tilespmem:s12+$0x70] =	vst v12  }
0x187: {  	v5 =	vmul.f32 v5, v44;
	v6 =	vmul.f32 v6, v45;
	v0 =	vld.idx.msk [tilespmem:v16+s29+$0x0], $0xffff;
	[tilespmem:s12+$0x90] =	vst v2  }
0x188: {  	v7 =	vmul.f32 v7, v39;
	v9 =	vmul.f32 v9, v56;
	v2 =	vld.idx.msk [tilespmem:v16+s28+$0x0], $0xffff;
	[tilespmem:s12+$0xA0] =	vst v3  }
0x189: {  	v8 =	vmul.f32 v8, v40;
	v14 =	vmul.f32 v14, v54;
	v12 =	vld.idx.msk [tilespmem:v13+s29+$0x0], $0xffff;
	[tilespmem:s12+$0xB0] =	vst v5  }
0x18a: {  	v17 =	vmul.f32 v17, v52;
	v3 =	vld.idx.msk [tilespmem:v13+s28+$0x0], $0xffff;
	[tilespmem:s12+$0xD0] =	vst v7;
	v7 =	vmul.f32 v25, v1;
	v1 =	vmov v32  }
0x18b: {  	v29 =	vmovc v34;
	v34 =	vimm.s32 $0x4;
	v18 =	vmul.f32 v18, v50;
	v61 =	vmul.f32 v59, v46;
	[tilespmem:$0x1FED0] =	vst v1;
	v1 =	vld [tilespmem:$0x1FEE0]  }
0x18c: {  	v26 =	vmovc v36;
	v36 =	vimm.s32 $0x5;
	v62 =	vmul.f32 v60, v47;
	v15 =	vmul.f32 v15, v41;
	[tilespmem:s12+$0xC0] =	vst v6  }
0x18d: {  	v24 =	vmovc v37;
	v28 =	vld [tilespmem:s12+$0xFFFFFFD0];
	v37 =	vimm.s32 $0xF;
	v11 =	vmul.f32 v11, v48;
	v10 =	vmul.f32 v10, v38;
	[tilespmem:s12+$0xE0] =	vst v8  }
0x18e: {  	v46 =	vimm.s32 $0x3;
	v5 =	vmul.f32 v21, v19;
	v6 =	vmul.f32 v22, v20;
	v21 =	vld [tilespmem:s12+$0xFFFFFFA0];
	[tilespmem:s12+$0xFFFFFF00] =	vst v9  }
0x18f: {  	v41 =	vimm.s32 $0x0;
	v22 =	vld [tilespmem:s12+$0xFFFFFFB0];
	[tilespmem:s12+$0xFFFFFF10] =	vst v14;
	v0 =	vmul.f32 v2, v0;
	v9 =	vmul.f32 v3, v12  }
0x190: {  	v25 =	vld [tilespmem:s12+$0xFFFFFFC0];
	[tilespmem:s12+$0xFFFFFF20] =	vst v17;
	v32 =	vimm.s32 $0x1;
	v2 =	vmul.f32 v63, v31;
	v8 =	vmul.f32 v4, v1  }
0x191: {  	v3 =	vld [tilespmem:s12+$0xFFFFFFE0];
	v1 =	vmul.f32 v30, v23;
	v4 =	vmovc v33;
	v33 =	vimm.s32 $0x2;
	[tilespmem:v16+s29+$0x0] =	vst.idx.msk $0xffff, v0;
	v12 =	vperm.xlane v0, v41  }
0x192: {  	v38 =	vimm.s32 $0x6;
	s12 =	sadd.s32 $0x200, s12;
	v30 =	vld [tilespmem:s13+$0xFFFFFFF0];
	v14 =	vperm.xlane v0, v32;
	[tilespmem:v13+s29+$0x0] =	vst.idx.msk $0xffff, v9;
	v13 =	vperm.xlane v0, v33  }
0x193: {  	v48 =	vimm.s32 $0x7;
	v57 =	vperm.xlane v0, v46;
	v58 =	vperm.xlane v0, v34;
	v16 =	vld [tilespmem:s12+$0x0]  }
0x194: {  	v23 =	vimm.s32 $0x8;
	[tilespmem:$0x1FEE0] =	vst v4;
	v55 =	vperm.xlane v0, v36;
	v53 =	vperm.xlane v0, v38;
	v17 =	vld [tilespmem:s12+$0x10]  }
0x195: {  	v19 =	vimm.s32 $0xA;
	v49 =	vperm.xlane v0, v48;
	v42 =	vperm.xlane v0, v23;
	[tilespmem:s13+$0xFFFFFF30] =	vst v18;
	v18 =	vld [tilespmem:s12+$0x20]  }
0x196: {  	v20 =	vimm.s32 $0xB;
	v31 =	vperm.xlane v0, v37;
	v43 =	vperm.xlane v0, v19;
	[tilespmem:s13+$0xFFFFFF40] =	vst v61;
	v59 =	vld [tilespmem:s12+$0x30]  }
0x197: {  	v44 =	vperm.xlane v0, v20;
	v56 =	vperm.xlane v9, v41;
	[tilespmem:s13+$0xFFFFFF50] =	vst v62;
	v62 =	vld [tilespmem:s12+$0x40]  }
0x198: {  	v54 =	vperm.xlane v9, v32;
	v52 =	vperm.xlane v9, v33;
	[tilespmem:s13+$0xFFFFFF60] =	vst v15;
	v60 =	vld [tilespmem:s12+$0x50]  }
0x199: {  	v50 =	vperm.xlane v9, v46;
	v46 =	vperm.xlane v9, v34;
	[tilespmem:s13+$0xFFFFFF70] =	vst v11;
	v61 =	vld [tilespmem:s12+$0x60]  }
0x19a: {  	v47 =	vperm.xlane v9, v36;
	v41 =	vperm.xlane v9, v38;
	[tilespmem:s13+$0xFFFFFF80] =	vst v10;
	v63 =	vld [tilespmem:s12+$0x70]  }
0x19b: {  	v4 =	vimm.s32 $0x9;
	v48 =	vperm.xlane v9, v48;
	v38 =	vperm.xlane v9, v23;
	[tilespmem:s13+$0xFFFFFF90] =	vst v2;
	v2 =	vld [tilespmem:s12+$0x90]  }
0x19c: {  	v36 =	vperm.xlane v9, v19;
	v51 =	vperm.xlane v0, v4;
	v15 =	vimm.s32 $0xC;
	[tilespmem:$0x1FEF0] =	vst v3;
	v3 =	vld [tilespmem:s12+$0xF0]  }
0x19d: {  	s14 =	sadd.s32 $0x2, s14;
	v11 =	vimm.s32 $0xD;
	v10 =	vimm.s32 $0xE;
	[tilespmem:s11+$0xFFFFFFE0] =	vst v8;
	v8 =	vld [tilespmem:s12+$0xE0];
	v45 =	vperm.xlane v0, v15  }
0x19e: {  	p0 =	slt.u32 s14, $0x30;
	[tilespmem:s11+$0xFFFFFFD0] =	vst v35;
	v39 =	vperm.xlane v0, v11;
	v40 =	vperm.xlane v0, v10;
	v0 =	vld [tilespmem:s12+$0x80]  }
.Ltmp2:
0x19f: {  	v37 =	vperm.xlane v9, v37;
	v35 =	vperm.xlane v9, v20;
	[tilespmem:s11+$0xFFFFFFA0] =	vst v5;
	v5 =	vld [tilespmem:s12+$0xB0];
	(pc) =	sbr.rel @p0 .LBB2_7-.Ltmp2, $4  }
0x1a0: {  	[tilespmem:s11+$0xFFFFFFB0] =	vst v6;
	v32 =	vperm.xlane v9, v15;
	v6 =	vld [tilespmem:s12+$0xC0];
	v34 =	vperm.xlane v9, v11  }
0x1a1: {  	[tilespmem:s11+$0xFFFFFFC0] =	vst v7;
	v33 =	vperm.xlane v9, v10;
	v7 =	vld [tilespmem:s12+$0xD0];
	v3 =	vmul.f32 v3, v31  }
0x1a2: {  	v19 =	vmovc v26;
	v20 =	vmov v27;
	[tilespmem:s11+$0xFFFFFFF0] =	vst v1;
	v12 =	vmul.f32 v16, v12;
	v31 =	vperm.xlane v9, v4;
	v9 =	vld [tilespmem:s12+$0xFFFFFF00]  }
0x1a3: {  	s15 =	sadd.s32 $0x4, s15;
	v23 =	vmovc v24;
	v24 =	vmov v29;
	s11 =	smov.u32 s13;
	s13 =	smov.u32 s12;
	v11 =	vmul.f32 v17, v14;
	v10 =	vmul.f32 v18, v13;
	[tilespmem:s12+$0xF0] =	vst v3;
	v3 =	vld [tilespmem:s12+$0xA0]  }
0x1a4: {  	[tilespmem:s12+$0x0] =	vst v12  }
0x1a5: {  	v12 =	vmul.f32 v59, v57;
	[tilespmem:s12+$0x10] =	vst v11  }
0x1a6: {  	v0 =	vmul.f32 v0, v42;
	[tilespmem:s12+$0x20] =	vst v10  }
0x1a7: {  	v2 =	vmul.f32 v2, v51;
	[tilespmem:s12+$0x30] =	vst v12  }
0x1a8: {  	v5 =	vmul.f32 v5, v44;
	[tilespmem:s12+$0x80] =	vst v0  }
0x1a9: {  	v1 =	vld [tilespmem:s12+$0xFFFFFF10];
	v11 =	vmul.f32 v62, v58;
	[tilespmem:s12+$0x90] =	vst v2  }
0x1aa: {  	v13 =	vld [tilespmem:s12+$0xFFFFFF20];
	v10 =	vmul.f32 v60, v55;
	[tilespmem:s12+$0xB0] =	vst v5  }
0x1ab: {  	v14 =	vld [tilespmem:s12+$0xFFFFFF30];
	v6 =	vmul.f32 v6, v45;
	[tilespmem:s12+$0x40] =	vst v11  }
0x1ac: {  	v15 =	vld [tilespmem:s12+$0xFFFFFF40];
	v12 =	vmul.f32 v61, v53;
	[tilespmem:s12+$0x50] =	vst v10  }
0x1ad: {  	v16 =	vld [tilespmem:s12+$0xFFFFFF50];
	v11 =	vmul.f32 v63, v49;
	[tilespmem:s12+$0xC0] =	vst v6  }
0x1ae: {  	v17 =	vld [tilespmem:s12+$0xFFFFFF60];
	v9 =	vmul.f32 v9, v56;
	[tilespmem:s12+$0x60] =	vst v12  }
0x1af: {  	v0 =	vld [tilespmem:s12+$0xFFFFFF90];
	v3 =	vmul.f32 v3, v43;
	[tilespmem:s12+$0x70] =	vst v11  }
0x1b0: {  	v2 =	vld [tilespmem:s12+$0xFFFFFFA0];
	v1 =	vmul.f32 v1, v54;
	[tilespmem:s12+$0xFFFFFF00] =	vst v9  }
0x1b1: {  	v10 =	vld [tilespmem:s12+$0xFFFFFF70];
	v9 =	vmul.f32 v13, v52;
	[tilespmem:s12+$0xA0] =	vst v3  }
0x1b2: {  	v63 =	vld [tilespmem:s12+$0xFFFFFFC0];
	[tilespmem:s12+$0xFFFFFF10] =	vst v1;
	v1 =	vmul.f32 v7, v39  }
0x1b3: {  	v6 =	vld [tilespmem:s12+$0xFFFFFFD0];
	v7 =	vmul.f32 v8, v40;
	[tilespmem:s12+$0xFFFFFF20] =	vst v9  }
0x1b4: {  	v12 =	vld [tilespmem:s12+$0xFFFFFF80];
	v8 =	vmul.f32 v14, v50;
	[tilespmem:s12+$0xD0] =	vst v1  }
0x1b5: {  	v3 =	vld [tilespmem:s12+$0xFFFFFFB0];
	v9 =	vmul.f32 v15, v46;
	[tilespmem:s12+$0xE0] =	vst v7  }
0x1b6: {  	v11 =	vmul.f32 v16, v47;
	v1 =	vld [tilespmem:s12+$0xFFFFFFE0];
	[tilespmem:s13+$0xFFFFFF30] =	vst v8  }
0x1b7: {  	v0 =	vmul.f32 v0, v31;
	[tilespmem:s13+$0xFFFFFF40] =	vst v9  }
0x1b8: {  	v8 =	vmul.f32 v17, v41;
	[tilespmem:s13+$0xFFFFFF50] =	vst v11  }
0x1b9: {  	v9 =	vmul.f32 v10, v48;
	[tilespmem:s13+$0xFFFFFF90] =	vst v0  }
0x1ba: {  	v10 =	vmul.f32 v12, v38;
	[tilespmem:s13+$0xFFFFFF60] =	vst v8  }
0x1bb: {  	[tilespmem:s13+$0xFFFFFF70] =	vst v9;
	v8 =	vmul.f32 v21, v19  }
0x1bc: {  	[tilespmem:s13+$0xFFFFFF80] =	vst v10;
	v9 =	vmul.f32 v22, v20  }
0x1bd: {  	v0 =	vld [tilespmem:$0x1FED0];
	[tilespmem:s11+$0xFFFFFFA0] =	vst v8  }
0x1be: {  	[tilespmem:s11+$0xFFFFFFB0] =	vst v9  }
0x1bf: {  	v4 =	vld [tilespmem:$0x1FEE0]  }
0x1c0: {  	v2 =	vmul.f32 v2, v36;
	v9 =	vld [tilespmem:$0x1FEF0]  }
0x1c1: {  	v8 =	vmul.f32 v28, v24  }
0x1c2: {  	[tilespmem:s13+$0xFFFFFFA0] =	vst v2;
	v0 =	vmul.f32 v25, v0  }
0x1c3: {  	v2 =	vmul.f32 v6, v34;
	[tilespmem:s11+$0xFFFFFFD0] =	vst v8  }
0x1c4: {  	v7 =	vld [tilespmem:s13+$0xFFFFFFF0];
	[tilespmem:s11+$0xFFFFFFC0] =	vst v0;
	v0 =	vmul.f32 v30, v23  }
0x1c5: {  	[tilespmem:s13+$0xFFFFFFD0] =	vst v2;
	v9 =	vmul.f32 v9, v4  }
0x1c6: {  	[tilespmem:s11+$0xFFFFFFF0] =	vst v0;
	v0 =	vmul.f32 v3, v35  }
0x1c7: {  	[tilespmem:s11+$0xFFFFFFE0] =	vst v9;
	v3 =	vmul.f32 v63, v32  }
0x1c8: {  	[tilespmem:s13+$0xFFFFFFB0] =	vst v0;
	v0 =	vmul.f32 v1, v33  }
0x1c9: {  	[tilespmem:s13+$0xFFFFFFC0] =	vst v3;
	v1 =	vmul.f32 v7, v37  }
0x1ca: {  	[tilespmem:s13+$0xFFFFFFE0] =	vst v0  }
0x1cb: {  	s10 =	sadd.s32 s3, s10;
	[tilespmem:s13+$0xFFFFFFF0] =	vst v1  }
0x1cc: {  	[hbm4b:s10+s5] =	stream.linear.scatter [tilespmem:s29], [sflag:$0x3], $0x320, $0x38;
	[tilespmem:$0x1FA40] =	vst v63  }
0x1cd: {  	s0 =	sadd.s32 $0x1, s0;
	_ =	swait.ge [sflag:s21], $0x320  }
0x1ce: {  	p0 =	sne.s32 s0, $0x32;
	[sflag:s21] =	ssyncset.done $0x0  }
.Ltmp3:
0x1cf: {  	v18 =	vimm.s32 $0x5;
	[sflag:s21] =	ssyncadd.s32 $0xFFFFFCE0;
	(pc) =	sbr.rel @p0 .LBB2_4-.Ltmp3, $4  }
0x1d0: {  	v45 =	vimm.s32 $0xE;
	v13 =	vimm.s32 $0x3;
	v16 =	vimm.s32 $0x2;
	[spmem:s4] =	stream.indirect.scatter.add.f32 [tilespmem:s26], [sflag:$0x3], $0x80, s9, s23, $0xb8;
	[tilespmem:$0x1FA40] =	vst v63  }
0x1d1: {  	v15 =	vimm.s32 $0x1;
	v17 =	vimm.s32 $0x4;
	v19 =	vimm.s32 $0x6;
	_ =	swait.ge [sflag:s21], $0x3200  }
0x1d2: {  	v20 =	vimm.s32 $0x7;
	v21 =	vimm.s32 $0x9;
	v22 =	vimm.s32 $0xA;
	[sflag:s21] =	ssyncset.done $0x0;
	v1 =	vld [tilespmem:$0x1FFF0]  }
0x1d3: {  	v24 =	vimm.s32 $0xC;
	v8 =	vimm.s32 $0x0;
	v23 =	vimm.s32 $0xB;
	v14 =	vld [tilespmem:$0x1FFE0];
	[sflag:s21] =	ssyncadd.s32 $0xFFFFCE00  }
0x1d4: {  	s0 =	stileid.u32  }
0x1d5: {  	[bflag:$0x0] =	sbarrier.arrive $0xFFFF;
	s0 =	sshll.u32 s0, $0x6  }
0x1d6: {  	s9 =	sshrl.u32 s8, $0x3;
	s10 =	rddreg [dreg:$0xd];
	s0 =	sor.u32 $0x1C03, s0  }
0x1d7: {  	[hbm:s10], [sflag:s0] =	dma.local [spmem:s9], $0x2710  }
0x1d8: {  	_ =	swait.ge [sflag:s21], $0x2710  }
0x1d9: {  	s2 =	sadd.s32 $0x1, s2;
	s19 =	rddreg [dreg:$0xe]  }
0x1da: {  	p0 =	sne.s32 s2, s19  }
.Ltmp4:
0x1db: {  	_ = 	snop;
	(pc) =	sbr.rel @p0 .LBB2_1-.Ltmp4, $3  }
0x1dc: {  	_ =	sdelay $0x1  }
0x1dd: {  	[sflag:s21] =	ssyncset.done $0x0  }
0x1de: {  	v2 =	vimm.f32 $0.0e+00;
	[sflag:s21] =	ssyncadd.s32 $0xFFFFD8F0  }
0x1df: {  	_ =	sfence.sel $0x180000  }
0x1e0: {  	[bflag:$0x0] =	sbarrier.arrive $0xFFFF  }
0x1e1: {  	_ =	strace $0x9000004D  }
0x1e2: {  	s0 =	stileid.u32;
	[bflag:$0x2] =	sbarrier.arrive $0xFFFF  }
0x1e3: {  	p0 =	sne.s32 s0, $0x0;
	s0 =	rddreg [dreg:$0x4]  }
0x1e4: {  	s0 =	sadd.s32 @!p0 $0x100000, s0  }
0x1e5: {  	[sflag:s0] =	ssyncadd.tile.s32 @!p0 $0x1;
	_ =	shalt  }
.Lfunc_end2:
_tile_overlayer_lowered:
.L_overlay_start_2:
0x1e6: {  	(tag) =	ssettag $0x2  }
0x1e7: {  	s0 =	rddreg [dreg:$0x0];
	s2 =	stileid.u32  }
0x1e8: {  	s1 =	rddreg [dreg:$0x1];
	p0 =	sne.s32 s2, $0x0  }
0x1e9: {  	s3 =	rddreg [dreg:$0x2];
	[bflag:$0x3] =	sbarrier.arrive $0xFFFF;
	s2 =	simm.s32 @!p0 $0x1C03  }
0x1ea: {  	[timem:s3], [sflag:s2] =	dma.local @!p0 [hbm:s0], s1  }
0x1eb: {  	s0 =	simm.s32 @!p0 $0x3  }
0x1ec: {  	_ =	swait.ge @!p0 [sflag:s0], s1  }
0x1ed: {  	s1 =	ssub.s32 @!p0 $0x0, s1;
	[sflag:s0] =	ssyncset.done @!p0 $0x0  }
0x1ee: {  	[sflag:s0] =	ssyncadd.s32 @!p0 s1  }
0x1ef: {  	[bflag:$0x3] =	sbarrier.arrive $0xFFFF  }
0x1f0: {  	_ =	shalt  }

// kernel: kernel.7.cloned.1.call-start
scs
__scs_entry_jumppad:
0x0: {  	(pc) =	sbr.rel $0x88, $3  }
0x1: {  	(tag) =	ssettag $0x0;
	lr =	simm.s32 $0x1  }
0x2: {  	[smem:$0x3F9C] =	sst lr;
	_ =	strace $0xD0000000  }
0x3: {  	_ = 	snop  }
0x4: {  	_ = 	snop  }
0x5: {  	_ = 	snop  }
0x6: {  	_ = 	snop  }
0x7: {  	_ = 	snop  }
__scs_overlays_trampoline_lowered:
0x8: {  	[smem:$0x3FAB] =	sst s0  }
0x9: {  	[smem:$0x3FAC] =	sst s1  }
0xa: {  	[smem:$0x3FAD] =	sst s2  }
0xb: {  	[smem:$0x3FAE] =	sst s3  }
0xc: {  	[smem:$0x3FAF] =	sst s4  }
0xd: {  	[smem:$0x3FB0] =	sst s5  }
0xe: {  	[smem:$0x3FB1] =	sst s6  }
0xf: {  	[smem:$0x3FB2] =	sst s7  }
0x10: {  	[smem:$0x3FB3] =	sst s8  }
0x11: {  	[smem:$0x3FB4] =	sst s9;
	s0 =	simm.s32 @!p0 $0x0  }
0x12: {  	s1 =	sld [smem:$0x3F9A];
	s0 =	simm.s32 @p0 $0x1  }
0x13: {  	[smem:$0x3FB5] =	sst s0;
	s0 =	simm.s32 @!p1 $0x0  }
0x14: {  	s2 =	sld [smem:$0x3F99];
	s0 =	simm.s32 @p1 $0x1  }
0x15: {  	[smem:$0x3FB6] =	sst s0;
	s0 =	simm.s32 @!p2 $0x0  }
0x16: {  	s3 =	sld [smem:$0x3FDB];
	s0 =	simm.s32 @p2 $0x1  }
0x17: {  	s4 =	simm.s32 $0x1BF5;
	[smem:$0x3FB8] =	sst s0  }
0x18: {  	s0 =	sld [smem:$0x3F9B];
	_ =	swait.ge [sflag:s4], $0x0  }
0x19: {  	s7 =	sld [smem:$0x3F9C]  }
0x1a: {  	s8 =	sadd.s32 $0xFFFFE003, lr  }
0x1b: {  	s9 =	sadd.s32 $0xFFFFFEF7, lr;
	s5 =	simm.s32 $0xFFFFFFFF;
	p2 =	slt.u32 s8, $0xFFFFF086  }
0x1c: {  	p1 =	slt.u32 s9, $0xF7A;
	s5 =	simm.s32 @!p2 $0x0  }
0x1d: {  	s5 =	simm.s32 @p1 $0x1;
	p0 =	seq.s32 s7, s2  }
0x1e: {  	s7 =	smul.u32 @!p0 $0xF7A, s2;
	p2 =	seq.s32 @!p0 s5, $0x0  }
0x1f: {  	s9 =	smul.u32 $0xF7A, s1;
	s8 =	simm.s32 @!p0 $0x1BF5;
	p2 =	por !p2, p0  }
0x20: {  	[sflag:s8] =	ssyncset.s32 @!p0 $0xFFFFF086;
	s6 =	sadd.s32 @!p0 s3, s7;
	s7 =	simm.s32 @!p0 $0x108  }
0x21: {  	s3 =	sadd.s32 s3, s9;
	s6 =	sadd.s32 @!p0 $0x88, s6;
	s7 =	simm.s32 @p2 $0x1082  }
0x22: {  	[simem:s7], [sflag:s8] =	dma.local @!p0 [hbm:s6], $0xF7A  }
0x23: {  	s9 =	sor.u32 $0xD0000000, s2;
	s6 =	simm.s32 $0x108;
	_ =	swait.ge @!p0 [sflag:s8], $0x0  }
0x24: {  	s3 =	sadd.s32 $0x88, s3;
	s6 =	simm.s32 @!p1 $0x1082;
	[sflag:s4] =	ssyncset.s32 $0xFFFFF086  }
0x25: {  	[simem:s6], [sflag:s4] =	dma.local [hbm:s3], $0xF7A  }
0x26: {  	[smem:$0x3F9C] =	sst s1;
	(tag) =	ssettag s2;
	_ =	strace s9  }
0x27: {  	s1 =	sld [smem:$0x3FAC]  }
0x28: {  	s2 =	sld [smem:$0x3FAD]  }
0x29: {  	s4 =	sld [smem:$0x3FAF]  }
0x2a: {  	p0 =	seq.s32 s5, $0x0;
	s5 =	sld [smem:$0x3FB0]  }
0x2b: {  	s6 =	sld [smem:$0x3FB1]  }
0x2c: {  	s7 =	sld [smem:$0x3FB2]  }
0x2d: {  	s3 =	simm.s32 $0x108;
	s8 =	sld [smem:$0x3FB3]  }
0x2e: {  	s3 =	simm.s32 @!p0 $0x1082;
	s9 =	sld [smem:$0x3FB4]  }
0x2f: {  	lr =	sadd.s32 s0, s3;
	s0 =	sld [smem:$0x3FAB]  }
0x30: {  	s3 =	sld [smem:$0x3FAE]  }
0x31: {  	[smem:$0x3FB7] =	sst s10  }
0x32: {  	s10 =	sld [smem:$0x3FB5];
	_ =	sdelay $0x3  }
0x33: {  	p0 =	seq.s32 s10, $0x1;
	s10 =	sld [smem:$0x3FB7];
	_ =	sdelay $0x3  }
0x34: {  	[smem:$0x3FB7] =	sst s10  }
0x35: {  	s10 =	sld [smem:$0x3FB6];
	_ =	sdelay $0x3  }
0x36: {  	p1 =	seq.s32 s10, $0x1;
	s10 =	sld [smem:$0x3FB7];
	_ =	sdelay $0x3  }
0x37: {  	[smem:$0x3FB7] =	sst s10  }
0x38: {  	s10 =	sld [smem:$0x3FB8]  }
0x39: {  	_ = 	snop;
	(pc) =	sbr.ind lr, $3  }
0x3a: {  	_ = 	snop  }
0x3b: {  	_ = 	snop  }
0x3c: {  	p2 =	seq.s32 s10, $0x1;
	s10 =	sld [smem:$0x3FB7]  }
0x3d: {  	_ =	shalt  }
0x3e: {  	_ =	shalt  }
0x3f: {  	_ =	shalt  }
0x40: {  	_ =	shalt  }
0x41: {  	_ =	shalt  }
0x42: {  	_ =	shalt  }
0x43: {  	_ =	shalt  }
0x44: {  	_ =	shalt  }
0x45: {  	_ =	shalt  }
0x46: {  	_ =	shalt  }
0x47: {  	_ =	shalt  }
0x48: {  	_ =	shalt  }
0x49: {  	_ =	shalt  }
0x4a: {  	_ =	shalt  }
0x4b: {  	_ =	shalt  }
0x4c: {  	_ =	shalt  }
0x4d: {  	_ =	shalt  }
0x4e: {  	_ =	shalt  }
0x4f: {  	_ =	shalt  }
0x50: {  	_ =	shalt  }
0x51: {  	_ =	shalt  }
0x52: {  	_ =	shalt  }
0x53: {  	_ =	shalt  }
0x54: {  	_ =	shalt  }
0x55: {  	_ =	shalt  }
0x56: {  	_ =	shalt  }
0x57: {  	_ =	shalt  }
0x58: {  	_ =	shalt  }
0x59: {  	_ =	shalt  }
0x5a: {  	_ =	shalt  }
0x5b: {  	_ =	shalt  }
0x5c: {  	_ =	shalt  }
0x5d: {  	_ =	shalt  }
0x5e: {  	_ =	shalt  }
0x5f: {  	_ =	shalt  }
0x60: {  	_ =	shalt  }
0x61: {  	_ =	shalt  }
0x62: {  	_ =	shalt  }
0x63: {  	_ =	shalt  }
0x64: {  	_ =	shalt  }
0x65: {  	_ =	shalt  }
0x66: {  	_ =	shalt  }
0x67: {  	_ =	shalt  }
0x68: {  	_ =	shalt  }
0x69: {  	_ =	shalt  }
0x6a: {  	_ =	shalt  }
0x6b: {  	_ =	shalt  }
0x6c: {  	_ =	shalt  }
0x6d: {  	_ =	shalt  }
0x6e: {  	_ =	shalt  }
0x6f: {  	_ =	shalt  }
0x70: {  	_ =	shalt  }
0x71: {  	_ =	shalt  }
0x72: {  	_ =	shalt  }
0x73: {  	_ =	shalt  }
0x74: {  	_ =	shalt  }
0x75: {  	_ =	shalt  }
0x76: {  	_ =	shalt  }
0x77: {  	_ =	shalt  }
0x78: {  	_ =	shalt  }
0x79: {  	_ =	shalt  }
0x7a: {  	_ =	shalt  }
0x7b: {  	_ =	shalt  }
0x7c: {  	_ =	shalt  }
0x7d: {  	_ =	shalt  }
0x7e: {  	_ =	shalt  }
0x7f: {  	_ =	shalt  }
0x80: {  	_ =	shalt  }
0x81: {  	_ =	shalt  }
0x82: {  	_ =	shalt  }
0x83: {  	_ =	shalt  }
0x84: {  	_ =	shalt  }
0x85: {  	_ =	shalt  }
0x86: {  	_ =	shalt  }
0x87: {  	_ =	shalt  }
.Lfunc_end0:
.L_simem_size_0:
called_computation_lowered:
.L_overlay_start_0:
0x88: {  	s2 =	sld [smem:$0x3FD9]  }
0x89: {  	s3 =	sld [smem:$0x3FFE];
	_ =	sdelay $0x1  }
0x8a: {  	s1 =	srdreg.scid  }
0x8b: {  	s0 =	sand.u32 $0x1, s1  }
0x8c: {  	s14 =	sshll.u32 s0, $0xA;
	s2 =	sadd.s32 s3, s2  }
0x8d: {  	s2 =	sadd.s32 s2, s14  }
0x8e: {  	[smem:$0x3FC3] =	sst s2  }
0x8f: {  	_ = 	snop  }
0x90: {  	s2 =	sld [smem:$0x3FD0];
	_ =	sdelay $0x2  }
0x91: {  	s15 =	simm.s32 $0xA;
	s4 =	simm.s32 $0x10  }
0x92: {  	[smem:s4], [sflag:s15] =	dma.local [hbm:s2], $0x1  }
0x93: {  	_ =	swait.eq [sflag:s15], $0x1  }
0x94: {  	[sflag:s15] =	ssyncset.done $0x0  }
0x95: {  	[sflag:s15] =	ssyncadd.s32 $0xFFFFFFFF  }
0x96: {  	s16 =	sld [smem:$0x11];
	(tm) =	ssettm $0x1  }
0x97: {  	s17 =	sld [smem:$0x3FFB];
	_ =	sdelay $0x3  }
0x98: {  	_ =	strace s17  }
0x99: {  	s3 =	sld [smem:$0x3FFC];
	_ =	sdelay $0x3  }
0x9a: {  	_ =	strace s3  }
0x9b: {  	s3 =	sld [smem:$0x3FFD];
	_ =	sdelay $0x3  }
0x9c: {  	_ =	strace s3  }
0x9d: {  	_ =	strace $0x8FFFFFFF  }
0x9e: {  	s18 =	sld [smem:$0x3FDB];
	_ =	sdelay $0x1  }
0x9f: {  	s19 =	simm.s32 $_scs_section_size  }
0xa0: {  	s5 =	simm.s32 $_size__tile_overlayer_lowered;
	s6 =	simm.s32 $_tile_overlayer_lowered  }
0xa1: {  	s22 =	simm.s32 $0x1BFF;
	s21 =	sshll.u32 s6, $0x1;
	s3 =	sadd.s32 s19, s18  }
0xa2: {  	s7 =	simm.s32 $0x0;
	s20 =	sshll.u32 s5, $0x1;
	s5 =	sadd.s32 s21, s3  }
0xa3: {  	[timem:s7], [sflag:s22] =	dma.local [hbm:s5], s20  }
0xa4: {  	_ =	swait.ge [sflag:s22], s20  }
0xa5: {  	s4 =	ssub.s32 $0x0, s20;
	[sflag:s22] =	ssyncset.done $0x0  }
0xa6: {  	[sflag:s22] =	ssyncadd.s32 s4;
	_ =	sdelay $0x1  }
0xa7: {  	s23 =	simm.s32 $0x1B8B  }
0xa8: {  	_ =	swait.ge [sflag:s23], $0x1  }
0xa9: {  	[sflag:s23] =	ssyncset.done $0x0  }
0xaa: {  	s25 =	simm.s32 $0x1B8E;
	s24 =	sld [smem:$0x3FFE];
	[sflag:s23] =	ssyncadd.s32 $0xFFFFFFFF  }
0xab: {  	s26 =	simm.s32 $execute0_lowered;
	[smem:$0x3FD2] =	sst s25  }
0xac: {  	s5 =	sshll.u32 s26, $0x1;
	_ =	strace $0x80000046;
	[dreg:$0x1] =	wrdreg $0xFFFFFFFF  }
0xad: {  	s28 =	simm.s32 $_size_execute0_lowered;
	s3 =	sadd.s32 s3, s5;
	[dreg:$0x0] =	wrdreg $0x0  }
0xae: {  	s5 =	sshll.u32 s28, $0x1;
	[dreg:$0x2] =	wrdreg s3  }
0xaf: {  	[dreg:$0x3] =	wrdreg s5  }
0xb0: {  	[dreg:$0x4] =	wrdreg $0xC0  }
0xb1: {  	_ =	task [dreg:s7], $0x5FFFF  }
0xb2: {  	[dreg:$0x1] =	wrdreg $0xFFFFFFFF  }
0xb3: {  	[dreg:$0x0] =	wrdreg $0x60  }
0xb4: {  	[dreg:$0x2] =	wrdreg s24  }
0xb5: {  	[dreg:$0x3] =	wrdreg s16  }
0xb6: {  	[dreg:$0x4] =	wrdreg $0x70800  }
0xb7: {  	[dreg:$0x5] =	wrdreg $0x9  }
0xb8: {  	_ =	task.clear_ibuf [dreg:s7], $0x6FFFF;
	_ =	strace $0x90000046  }
0xb9: {  	s29 =	simm.s32 $0x9;
	_ =	strace $0x80000048  }
0xba: {  	_ =	swait.ge [sflag:s29], $0x1  }
0xbb: {  	[sflag:s29] =	ssyncadd.s32 $0xFFFFFFFF  }
0xbc: {  	_ =	strace $0x90000048  }
0xbd: {  	_ =	sfence  }
0xbe: {  	s30 =	sld [smem:$0x0];
	_ =	sdelay $0x2  }
0xbf: {  	s31 =	sshll.u32 s1, $0xD;
	s1 =	sshrl.u32 s1, $0x2  }
0xc0: {  	s3 =	sand.u32 $0x4000, s31;
	s1 =	sadd.s32 s1, s30  }
0xc1: {  	s0 =	sor.u32 s3, s0;
	s1 =	sshll.u32 s1, $0x11  }
0xc2: {  	s0 =	sor.u32 s1, s0  }
0xc3: {  	s0 =	sadd.s32 $0x8F2B, s0  }
0xc4: {  	[sflag:s0] =	ssyncadd.remote.s32 $0x1  }
0xc5: {  	_ =	sfence.sel $0xFFFF  }
0xc6: {  	[dreg:$0x0] =	wrdreg $0xFFFFFFFF;
	(pc) =	sbr.abs _section_cstart, $3  }
0xc7: {  	[dreg:$0x1] =	wrdreg $0xFFFFFFFF  }
0xc8: {  	_ =	task.clear_ibuf [dreg:s7], $0x2FFFF;
	_ =	strace $0x9FFFFFFF  }
0xc9: {  	(tm) =	ssettm $0x7FFFFFFF  }
tec
execute0_lowered:
.L_overlay_start_1:
0x0: {  	(tag) =	ssettag $0x1  }
0x1: {  	s0 =	rddreg [dreg:$0x0]  }
0x2: {  	s15 =	rddreg [dreg:$0x1]  }
0x3: {  	s1 =	srdreg.scid;
	s2 =	rddreg [dreg:$0x2]  }
0x4: {  	s9 =	stileid.u32;
	s3 =	simm.s32 $0x0;
	s17 =	simm.s32 $0x6A40  }
0x5: {  	s18 =	simm.s32 $0x3;
	s20 =	simm.s32 $0x64;
	s21 =	simm.s32 $0x5140  }
0x6: {  	s22 =	simm.s32 $0x5DC0;
	s23 =	simm.s32 $0x5780;
	s24 =	simm.s32 $0x6400  }
0x7: {  	s25 =	simm.s32 $0x1;
	s26 =	simm.s32 $0x6D60;
	s28 =	simm.s32 $0x0  }
0x8: {  	s1 =	sand.u32 $0x1, s1;
	[smem:$0x7FF] =	sst s3;
	s7 =	smul.u32 $0x5000, s9  }
0x9: {  	s11 =	smul.u32 $0x1400, s9;
	s4 =	sshll.u32 s1, $0x4;
	_ =	strace $0x80000047  }
0xa: {  	s30 =	ssub.s32 $0x2, s1;
	s1 =	smul.u32 $0x14000, s1;
	s4 =	sor.u32 s9, s4  }
0xb: {  	s8 =	sshrl.u32 s30, $0x1;
	s31 =	sshrl.u32 s7, $0x2;
	s5 =	smul.u32 $0x514, s4  }
0xc: {  	s6 =	smul.u32 $0x2710, s4;
	s4 =	sadd.s32 $0x16800, s0;
	s12 =	sadd.s32 s31, s2  }
0xd: {  	s16 =	ssub.s32 s30, s8;
	s1 =	sadd.s32 s11, s1;
	s7 =	sadd.s32 $0x640, s12  }
0xe: {  	s8 =	sadd.s32 $0x960, s12;
	s9 =	sadd.s32 $0xC80, s12;
	s10 =	sadd.s32 $0xFA0, s12  }
0xf: {  	s1 =	sshrl.u32 s1, $0x3;
	s16 =	smax.u32 s16, $0x1;
	s13 =	sadd.s32 s5, s0  }
0x10: {  	v4 =	vlaneseq.u32;
	s0 =	sadd.s32 s6, s0;
	s5 =	sadd.s32 s11, s2;
	s6 =	sadd.s32 $0x320, s12  }
0x11: {  	v3 =	vimm.f32 $0.0e+00;
	v0 =	vshrl.u32 v4, $0x3;
	s11 =	sadd.s32 $0x12C0, s12;
	s15 =	sadd.s32 s15, s1;
	[dreg:$0x4] =	wrdreg s6  }
0x12: {  	v2 =	vand.u32 $0x7, v4;
	v4 =	vor.u32 $0x8, v4;
	v1 =	vmul.u32 $0x8, v0;
	s12 =	sadd.s32 $0xC400, s13;
	s13 =	sadd.s32 $0x2000, s13;
	s14 =	sadd.s32 $0x1B800, s0  }
.LBB2_1:
0x13: {  	v5 =	vmov s3  }
0x14: {  	v5 =	vshll.u32 v5, $0x3  }
0x15: {  	v5 =	vor.u32 v1, v5  }
0x16: {  	s0 =	simm.s32 $0x2;
	v5 =	vor.u32 v2, v5  }
.LBB2_2:
0x17: {  	p0 =	sne.s32 s0, $0x62  }
.Ltmp0:
0x18: {  	_ = 	snop;
	(pc) =	sbr.rel @p0 .LBB2_2-.Ltmp0, $4  }
0x19: {  	v6 =	vmov s0  }
0x1a: {  	v6 =	vshll.u32 v6, $0x3  }
0x1b: {  	v6 =	vor.u32 v1, v6  }
0x1c: {  	s0 =	sadd.s32 $0x2, s0;
	[tilespmem:v5+s17+$0x0] =	vst.idx.msk $0xffff, v3;
	v5 =	vor.u32 v2, v6  }
0x1d: {  	_ =	sdelay $0x3  }
0x1e: {  	[tilespmem:v5+s17+$0x0] =	vst.idx.msk $0xffff, v3  }
0x1f: {  	[spmem:s5] =	stream.linear.scatter [tilespmem:s17], [sflag:$0x3], $0x320, $0x38;
	[tilespmem:$0x8480] =	vst v63  }
0x20: {  	_ =	swait.ge [sflag:s18], $0x320  }
0x21: {  	[sflag:s18] =	ssyncset.done $0x0  }
0x22: {  	s0 =	rddreg [dreg:$0x4];
	[sflag:s18] =	ssyncadd.s32 $0xFFFFFCE0  }
0x23: {  	[spmem:s0] =	stream.linear.scatter [tilespmem:s17], [sflag:$0x3], $0x320, $0x38;
	[tilespmem:$0x8480] =	vst v63  }
0x24: {  	_ =	swait.ge [sflag:s18], $0x320  }
0x25: {  	[sflag:s18] =	ssyncset.done $0x0  }
0x26: {  	[sflag:s18] =	ssyncadd.s32 $0xFFFFFCE0  }
0x27: {  	[spmem:s7] =	stream.linear.scatter [tilespmem:s17], [sflag:$0x3], $0x320, $0x38;
	[tilespmem:$0x8480] =	vst v63  }
0x28: {  	_ =	swait.ge [sflag:s18], $0x320  }
0x29: {  	[sflag:s18] =	ssyncset.done $0x0  }
0x2a: {  	[sflag:s18] =	ssyncadd.s32 $0xFFFFFCE0  }
0x2b: {  	[spmem:s8] =	stream.linear.scatter [tilespmem:s17], [sflag:$0x3], $0x320, $0x38;
	[tilespmem:$0x8480] =	vst v63  }
0x2c: {  	_ =	swait.ge [sflag:s18], $0x320  }
0x2d: {  	[sflag:s18] =	ssyncset.done $0x0  }
0x2e: {  	[sflag:s18] =	ssyncadd.s32 $0xFFFFFCE0  }
0x2f: {  	[spmem:s9] =	stream.linear.scatter [tilespmem:s17], [sflag:$0x3], $0x320, $0x38;
	[tilespmem:$0x8480] =	vst v63  }
0x30: {  	_ =	swait.ge [sflag:s18], $0x320  }
0x31: {  	[sflag:s18] =	ssyncset.done $0x0  }
0x32: {  	[sflag:s18] =	ssyncadd.s32 $0xFFFFFCE0  }
0x33: {  	[spmem:s10] =	stream.linear.scatter [tilespmem:s17], [sflag:$0x3], $0x320, $0x38;
	[tilespmem:$0x8480] =	vst v63  }
0x34: {  	_ =	swait.ge [sflag:s18], $0x320  }
0x35: {  	[sflag:s18] =	ssyncset.done $0x0  }
0x36: {  	[sflag:s18] =	ssyncadd.s32 $0xFFFFFCE0  }
0x37: {  	[spmem:s11] =	stream.linear.scatter [tilespmem:s17], [sflag:$0x3], $0x140, $0x38;
	[tilespmem:$0x8480] =	vst v63  }
0x38: {  	_ =	swait.ge [sflag:s18], $0x140  }
0x39: {  	[sflag:s18] =	ssyncset.done $0x0  }
0x3a: {  	s29 =	simm.s32 $0x0;
	[sflag:s18] =	ssyncadd.s32 $0xFFFFFEC0  }
0x3b: {  	[tilespmem:s29], [sflag:$0x3] =	stream.linear.gather [hbm4b:s12+s29], $0x28A0, $0x38;
	[tilespmem:$0x8480] =	vst v63  }
0x3c: {  	_ =	swait.ge [sflag:s18], $0x28A0  }
0x3d: {  	[sflag:s18] =	ssyncset.done $0x0  }
0x3e: {  	s31 =	simm.s32 $0x28A0;
	[sflag:s18] =	ssyncadd.s32 $0xFFFFD760  }
0x3f: {  	[tilespmem:s31], [sflag:$0x3] =	stream.linear.gather [hbm4b:s13+s29], $0x28A0, $0x38;
	[tilespmem:$0x8480] =	vst v63  }
0x40: {  	_ =	swait.ge [sflag:s18], $0x28A0  }
0x41: {  	[sflag:s18] =	ssyncset.done $0x0  }
0x42: {  	[sflag:s18] =	ssyncadd.s32 $0xFFFFD760  }
0x43: {  	[bflag:$0x0] =	sbarrier.arrive $0xFFFF  }
.LBB2_4:
0x44: {  	s0 =	smul.u32 $0xD0, s29  }
0x45: {  	s31 =	sshllo.u32 s29, $0x1  }
0x46: {  	[tilespmem:s21], [sflag:$0x1] =	stream.indirect.gather [hbm4b:s4+s20], $0x10, s0, s20, $0xb8;
	[tilespmem:$0x8480] =	vst v63  }
0x47: {  	s1 =	smul.u32 $0x68, s31;
	s0 =	sadd.s32 $0x28A0, s0  }
0x48: {  	[tilespmem:s22], [sflag:$0x1] =	stream.indirect.gather [hbm4b:s4+s20], $0x10, s0, s20, $0xb8;
	[tilespmem:$0x8480] =	vst v63  }
0x49: {  	_ = 	snop  }
0x4a: {  	[tilespmem:s23], [sflag:$0x2] =	stream.indirect.gather [hbm4b:s4+s20], $0x10, s1, s20, $0xb8;
	[tilespmem:$0x8480] =	vst v63  }
0x4b: {  	s6 =	simm.s32 $0x0;
	s30 =	sadd.s32 $0x28A0, s1  }
0x4c: {  	v5 =	vor.u32 s6, v0;
	[tilespmem:s24], [sflag:$0x2] =	stream.indirect.gather [hbm4b:s4+s20], $0x10, s30, s20, $0xb8;
	[tilespmem:$0x8480] =	vst v63  }
0x4d: {  	s19 =	simm.s32 $0x2;
	v6 =	vshll.u32 v5, $0x4;
	_ =	swait.ge [sflag:s25], $0x640  }
0x4e: {  	v7 =	vor.u32 s19, v0;
	v8 =	vor.u32 v4, v6;
	[sflag:s25] =	ssyncset.done $0x0  }
0x4f: {  	v9 =	vshll.u32 v7, $0x4;
	v6 =	vor.u32 v2, v6;
	[sflag:s25] =	ssyncadd.s32 $0xFFFFF9C0  }
0x50: {  	v10 =	vor.u32 v4, v9;
	_ =	swait.ge [sflag:s25], $0x640  }
0x51: {  	v9 =	vor.u32 v2, v9;
	[sflag:s25] =	ssyncset.done $0x0  }
0x52: {  	s6 =	simm.s32 $0x4;
	[sflag:s25] =	ssyncadd.s32 $0xFFFFF9C0  }
0x53: {  	v11 =	vor.u32 s6, v0;
	v8 =	vld.idx.msk [tilespmem:v8+s22+$0x0], $0xffff  }
0x54: {  	s19 =	simm.s32 $0x6;
	v12 =	vld.idx.msk [tilespmem:v6+s21+$0x0], $0xffff;
	v6 =	vshll.u32 v11, $0x4  }
0x55: {  	v13 =	vor.u32 s19, v0;
	v10 =	vld.idx.msk [tilespmem:v10+s22+$0x0], $0xffff;
	v14 =	vor.u32 v4, v6  }
0x56: {  	v9 =	vld.idx.msk [tilespmem:v9+s21+$0x0], $0xffff;
	v15 =	vor.u32 v2, v6;
	v6 =	vshll.u32 v13, $0x4  }
0x57: {  	v16 =	vor.u32 v4, v6  }
0x58: {  	v17 =	vor.u32 v2, v6  }
0x59: {  	v23 =	vshll.u32 v7, $0x3;
	v18 =	vshll.u32 v5, $0x3;
	s6 =	simm.s32 $0x8;
	v5 =	vshll.u32 v13, $0x3  }
0x5a: {  	s19 =	simm.s32 $0xA;
	v6 =	vshll.u32 v11, $0x3;
	v11 =	vor.u32 s6, v0;
	v7 =	vadd.f32 v8, v12;
	v13 =	vld.idx.msk [tilespmem:v14+s22+$0x0], $0xffff  }
0x5b: {  	v9 =	vadd.f32 v10, v9;
	v10 =	vshll.u32 v11, $0x4;
	v12 =	vor.u32 s19, v0;
	v8 =	vld.idx.msk [tilespmem:v15+s21+$0x0], $0xffff  }
0x5c: {  	v15 =	vor.u32 v2, v10;
	v19 =	vshll.u32 v12, $0x4;
	v14 =	vld.idx.msk [tilespmem:v16+s22+$0x0], $0xffff;
	v16 =	vor.u32 v4, v10  }
0x5d: {  	v17 =	vld.idx.msk [tilespmem:v17+s21+$0x0], $0xffff;
	v10 =	vmul.f32 $2.000000030e-01, v7;
	v20 =	vmul.f32 $2.000000030e-01, v9;
	vm0 =	vgt.f32 v9, $0.0e+00  }
0x5e: {  	v21 =	vor.u32 v2, v19;
	vm1 =	vgt.f32 v7, $0.0e+00;
	v19 =	vor.u32 v4, v19  }
0x5f: {  	v10 =	vsel vm1, v7, v10;
	v9 =	vsel vm0, v9, v20;
	v7 =	vshll.u32 v12, $0x3  }
0x60: {  	s6 =	simm.s32 $0xC;
	v12 =	vmul.f32 $1.442695020e+00, v10;
	v20 =	vmul.f32 $1.442695020e+00, v9;
	v9 =	vshll.u32 v11, $0x3  }
0x61: {  	v10 =	vor.u32 s6, v0;
	v11 =	vadd.f32 v13, v8;
	v8 =	vor.u32 v2, v18  }
0x62: {  	v13 =	vshll.u32 v10, $0x4;
	v15 =	vld.idx.msk [tilespmem:v15+s21+$0x0], $0xffff;
	v22 =	vadd.f32 v14, v17;
	(erf) = vpow2.f32 v20  }
0x63: {  	s19 =	simm.s32 $0xE;
	v14 =	vor.u32 v2, v13;
	v18 =	vor.u32 v4, v13;
	v13 =	vld.idx.msk [tilespmem:v16+s22+$0x0], $0xffff;
	(erf) = vpow2.f32 v12  }
0x64: {  	v24 =	vor.u32 s19, v0;
	v16 =	vld.idx.msk [tilespmem:v19+s22+$0x0], $0xffff;
	v25 =	vmul.f32 $2.000000030e-01, v11  }
0x65: {  	v19 =	vld.idx.msk [tilespmem:v21+s21+$0x0], $0xffff;
	v12 =	vshll.u32 v24, $0x4;
	vm15 =	vgt.f32 v11, $0.0e+00;
	v26 =	vmul.f32 $2.000000030e-01, v22  }
0x66: {  	vm14 =	vgt.f32 v22, $0.0e+00;
	v17 =	vor.u32 v2, v12;
	v20 =	vor.u32 v4, v12  }
0x67: {  	v12 =	vshll.u32 v24, $0x3;
	v11 =	vsel vm15, v11, v25;
	v22 =	vsel vm14, v22, v26  }
0x68: {  	s1 =	simm.s32 $0x12;
	s19 =	simm.s32 $0x6;
	v21 =	vmul.f32 $1.442695020e+00, v11;
	v11 =	vor.u32 v2, v23;
	v22 =	vmul.f32 $1.442695020e+00, v22  }
.LBB2_5:
0x69: {  	s6 =	sadd.s32 $0xFFFFFFFE, s1;
	s19 =	sadd.s32 $0x2, s19;
	v23 =	vadd.f32 v13, v15;
	v13 =	vld.idx.msk [tilespmem:v18+s22+$0x0], $0xffff;
	v24 =	vor.u32 v2, v6;
	v6 =	vmovc v9;
	v9 =	vshll.u32 v10, $0x3  }
0x6a: {  	v25 =	vadd.f32 v16, v19;
	v26 =	vmovc v12;
	v10 =	vor.u32 s6, v0;
	p0 =	slt.u32 s19, $0x30;
	v15 =	vld.idx.msk [tilespmem:v14+s21+$0x0], $0xffff;
	(erf) = vpow2.f32 v22  }
0x6b: {  	v22 =	vor.u32 s1, v0;
	v28 =	vshll.u32 v10, $0x4;
	v16 =	vld.idx.msk [tilespmem:v20+s22+$0x0], $0xffff;
	(erf) = vpow2.f32 v21;
	v21 =	vpop (erf)  }
.Ltmp1:
0x6c: {  	v27 =	vmul.f32 $2.000000030e-01, v23;
	v14 =	vor.u32 v2, v28;
	v18 =	vor.u32 v4, v28;
	v19 =	vld.idx.msk [tilespmem:v17+s21+$0x0], $0xffff;
	v12 =	vpop (erf);
	(pc) =	sbr.rel @p0 .LBB2_5-.Ltmp1, $4  }
0x6d: {  	v20 =	vshll.u32 v22, $0x4;
	vm0 =	vgt.f32 v25, $0.0e+00;
	v28 =	vmul.f32 $2.000000030e-01, v25;
	[tilespmem:v8+s17+$0x0] =	vst.idx.msk $0xffff, v12;
	v8 =	vmovc v24  }
0x6e: {  	vm1 =	vgt.f32 v23, $0.0e+00;
	v17 =	vor.u32 v2, v20;
	v20 =	vor.u32 v4, v20;
	[tilespmem:v11+s17+$0x0] =	vst.idx.msk $0xffff, v21  }
0x6f: {  	v12 =	vshll.u32 v22, $0x3;
	v11 =	vsel vm1, v23, v27;
	v22 =	vsel vm0, v25, v28  }
0x70: {  	s1 =	sadd.s32 $0x4, s1;
	v21 =	vmul.f32 $1.442695020e+00, v11;
	v22 =	vmul.f32 $1.442695020e+00, v22;
	v11 =	vor.u32 v2, v5;
	v5 =	vmovc v7;
	v7 =	vmovc v26  }
0x71: {  	_ =	sdelay $0x3  }
0x72: {  	v18 =	vld.idx.msk [tilespmem:v18+s22+$0x0], $0xffff  }
0x73: {  	v20 =	vld.idx.msk [tilespmem:v20+s22+$0x0], $0xffff  }
0x74: {  	v17 =	vld.idx.msk [tilespmem:v17+s21+$0x0], $0xffff  }
0x75: {  	v14 =	vld.idx.msk [tilespmem:v14+s21+$0x0], $0xffff;
	_ =	sdelay $0x1  }
0x76: {  	v13 =	vadd.f32 v13, v15;
	v15 =	vadd.f32 v16, v19;
	(erf) = vpow2.f32 v22  }
0x77: {  	(erf) = vpow2.f32 v21  }
0x78: {  	v16 =	vmul.f32 $2.000000030e-01, v13;
	v19 =	vmul.f32 $2.000000030e-01, v15;
	v17 =	vadd.f32 v20, v17  }
0x79: {  	vm0 =	vgt.f32 v15, $0.0e+00;
	vm1 =	vgt.f32 v13, $0.0e+00;
	v14 =	vadd.f32 v18, v14  }
0x7a: {  	v13 =	vsel vm1, v13, v16;
	v15 =	vsel vm0, v15, v19;
	v16 =	vmul.f32 $2.000000030e-01, v17  }
0x7b: {  	v15 =	vmul.f32 $1.442695020e+00, v15;
	v18 =	vmul.f32 $2.000000030e-01, v14;
	vm10 =	vgt.f32 v17, $0.0e+00  }
0x7c: {  	v13 =	vmul.f32 $1.442695020e+00, v13;
	vm11 =	vgt.f32 v14, $0.0e+00;
	v16 =	vsel vm10, v17, v16  }
0x7d: {  	(erf) = vpow2.f32 v15;
	v14 =	vsel vm11, v14, v18;
	v15 =	vmul.f32 $1.442695020e+00, v16  }
0x7e: {  	(erf) = vpow2.f32 v13;
	v13 =	vmul.f32 $1.442695020e+00, v14  }
0x7f: {  	(erf) = vpow2.f32 v15  }
0x80: {  	(erf) = vpow2.f32 v13  }
0x81: {  	v6 =	vor.u32 v2, v6  }
0x82: {  	v5 =	vor.u32 v2, v5;
	v13 =	vpop (erf)  }
0x83: {  	v9 =	vor.u32 v2, v9;
	v14 =	vpop (erf)  }
0x84: {  	v10 =	vshll.u32 v10, $0x3;
	v7 =	vor.u32 v2, v7;
	[tilespmem:v11+s17+$0x0] =	vst.idx.msk $0xffff, v13;
	v15 =	vpop (erf)  }
0x85: {  	v10 =	vor.u32 v2, v10;
	[tilespmem:v8+s17+$0x0] =	vst.idx.msk $0xffff, v14;
	v8 =	vpop (erf)  }
0x86: {  	[tilespmem:v6+s17+$0x0] =	vst.idx.msk $0xffff, v8;
	v6 =	vpop (erf);
	v8 =	vor.u32 v2, v12  }
0x87: {  	[tilespmem:v5+s17+$0x0] =	vst.idx.msk $0xffff, v15;
	v5 =	vpop (erf)  }
0x88: {  	[tilespmem:v9+s17+$0x0] =	vst.idx.msk $0xffff, v5;
	v5 =	vpop (erf)  }
0x89: {  	s1 =	smul.u32 $0xC8, s29;
	[tilespmem:v7+s17+$0x0] =	vst.idx.msk $0xffff, v6;
	v6 =	vpop (erf)  }
0x8a: {  	[tilespmem:v10+s17+$0x0] =	vst.idx.msk $0xffff, v6  }
0x8b: {  	s1 =	sadd.s32 s1, s14;
	[tilespmem:v8+s17+$0x0] =	vst.idx.msk $0xffff, v5  }
0x8c: {  	[hbm4b:s1+s3] =	stream.linear.scatter [tilespmem:s17], [sflag:$0x3], $0x320, $0x38;
	[tilespmem:$0x8480] =	vst v63  }
0x8d: {  	_ =	swait.ge [sflag:s18], $0x320  }
0x8e: {  	[sflag:s18] =	ssyncset.done $0x0  }
0x8f: {  	[sflag:s18] =	ssyncadd.s32 $0xFFFFFCE0  }
0x90: {  	[spmem:s2] =	stream.indirect.scatter.add.f32 [tilespmem:s17], [sflag:$0x3], $0x8, s0, s20, $0xb8;
	[tilespmem:$0x8480] =	vst v63  }
0x91: {  	_ =	swait.ge [sflag:s18], $0x320  }
0x92: {  	s6 =	simm.s32 $0x0;
	[sflag:s18] =	ssyncset.done $0x0  }
0x93: {  	s19 =	simm.s32 $0x2;
	v5 =	vor.u32 s6, v0;
	[sflag:s18] =	ssyncadd.s32 $0xFFFFFCE0  }
0x94: {  	v6 =	vshll.u32 v5, $0x4;
	_ =	swait.ge [sflag:s19], $0x640  }
0x95: {  	v7 =	vor.u32 s19, v0;
	v8 =	vor.u32 v4, v6;
	[sflag:s19] =	ssyncset.done $0x0  }
0x96: {  	v9 =	vshll.u32 v7, $0x4;
	v6 =	vor.u32 v2, v6;
	[sflag:s19] =	ssyncadd.s32 $0xFFFFF9C0  }
0x97: {  	v10 =	vor.u32 v4, v9;
	_ =	swait.ge [sflag:s19], $0x640  }
0x98: {  	v9 =	vor.u32 v2, v9;
	[sflag:s19] =	ssyncset.done $0x0  }
0x99: {  	s1 =	simm.s32 $0x4;
	[sflag:s19] =	ssyncadd.s32 $0xFFFFF9C0  }
0x9a: {  	v11 =	vor.u32 s1, v0;
	v8 =	vld.idx.msk [tilespmem:v8+s24+$0x0], $0xffff  }
0x9b: {  	s6 =	simm.s32 $0x6;
	v12 =	vld.idx.msk [tilespmem:v6+s23+$0x0], $0xffff;
	v6 =	vshll.u32 v11, $0x4  }
0x9c: {  	v13 =	vor.u32 s6, v0;
	v10 =	vld.idx.msk [tilespmem:v10+s24+$0x0], $0xffff;
	v14 =	vor.u32 v4, v6  }
0x9d: {  	v9 =	vld.idx.msk [tilespmem:v9+s23+$0x0], $0xffff;
	v15 =	vor.u32 v2, v6;
	v6 =	vshll.u32 v13, $0x4  }
0x9e: {  	v16 =	vor.u32 v4, v6  }
0x9f: {  	v17 =	vor.u32 v2, v6  }
0xa0: {  	v23 =	vshll.u32 v7, $0x3;
	v18 =	vshll.u32 v5, $0x3;
	v5 =	vshll.u32 v13, $0x3;
	s19 =	simm.s32 $0x8  }
0xa1: {  	s1 =	simm.s32 $0xA;
	v6 =	vshll.u32 v11, $0x3;
	v11 =	vor.u32 s19, v0;
	v7 =	vadd.f32 v8, v12;
	v13 =	vld.idx.msk [tilespmem:v14+s24+$0x0], $0xffff  }
0xa2: {  	v9 =	vadd.f32 v10, v9;
	v10 =	vshll.u32 v11, $0x4;
	v12 =	vor.u32 s1, v0;
	v8 =	vld.idx.msk [tilespmem:v15+s23+$0x0], $0xffff  }
0xa3: {  	v15 =	vor.u32 v2, v10;
	v19 =	vshll.u32 v12, $0x4;
	v14 =	vld.idx.msk [tilespmem:v16+s24+$0x0], $0xffff;
	v16 =	vor.u32 v4, v10  }
0xa4: {  	v17 =	vld.idx.msk [tilespmem:v17+s23+$0x0], $0xffff;
	v10 =	vmul.f32 $2.000000030e-01, v7;
	v20 =	vmul.f32 $2.000000030e-01, v9;
	vm12 =	vgt.f32 v9, $0.0e+00  }
0xa5: {  	v21 =	vor.u32 v2, v19;
	vm13 =	vgt.f32 v7, $0.0e+00;
	v19 =	vor.u32 v4, v19  }
0xa6: {  	v10 =	vsel vm13, v7, v10;
	v9 =	vsel vm12, v9, v20;
	v7 =	vshll.u32 v12, $0x3  }
0xa7: {  	s6 =	simm.s32 $0xC;
	v12 =	vmul.f32 $1.442695020e+00, v10;
	v20 =	vmul.f32 $1.442695020e+00, v9;
	v9 =	vshll.u32 v11, $0x3  }
0xa8: {  	v10 =	vor.u32 s6, v0;
	v11 =	vadd.f32 v13, v8;
	v8 =	vor.u32 v2, v18  }
0xa9: {  	v13 =	vshll.u32 v10, $0x4;
	v15 =	vld.idx.msk [tilespmem:v15+s23+$0x0], $0xffff;
	v22 =	vadd.f32 v14, v17;
	(erf) = vpow2.f32 v20  }
0xaa: {  	s19 =	simm.s32 $0xE;
	v14 =	vor.u32 v2, v13;
	v18 =	vor.u32 v4, v13;
	v13 =	vld.idx.msk [tilespmem:v16+s24+$0x0], $0xffff;
	(erf) = vpow2.f32 v12  }
0xab: {  	v24 =	vor.u32 s19, v0;
	v16 =	vld.idx.msk [tilespmem:v19+s24+$0x0], $0xffff;
	v25 =	vmul.f32 $2.000000030e-01, v11  }
0xac: {  	v19 =	vld.idx.msk [tilespmem:v21+s23+$0x0], $0xffff;
	v12 =	vshll.u32 v24, $0x4;
	vm15 =	vgt.f32 v11, $0.0e+00;
	v26 =	vmul.f32 $2.000000030e-01, v22  }
0xad: {  	vm14 =	vgt.f32 v22, $0.0e+00;
	v17 =	vor.u32 v2, v12;
	v20 =	vor.u32 v4, v12  }
0xae: {  	v12 =	vshll.u32 v24, $0x3;
	v11 =	vsel vm15, v11, v25;
	v22 =	vsel vm14, v22, v26  }
0xaf: {  	s0 =	simm.s32 $0x6;
	s1 =	simm.s32 $0x12;
	v21 =	vmul.f32 $1.442695020e+00, v11;
	v11 =	vor.u32 v2, v23;
	v22 =	vmul.f32 $1.442695020e+00, v22  }
.LBB2_7:
0xb0: {  	s6 =	sadd.s32 $0xFFFFFFFE, s1;
	s0 =	sadd.s32 $0x2, s0;
	v23 =	vadd.f32 v13, v15;
	v13 =	vld.idx.msk [tilespmem:v18+s24+$0x0], $0xffff;
	v24 =	vor.u32 v2, v6;
	v6 =	vmovc v9;
	v9 =	vshll.u32 v10, $0x3  }
0xb1: {  	v25 =	vadd.f32 v16, v19;
	v26 =	vmovc v12;
	v10 =	vor.u32 s6, v0;
	p0 =	slt.u32 s0, $0x30;
	v15 =	vld.idx.msk [tilespmem:v14+s23+$0x0], $0xffff;
	(erf) = vpow2.f32 v22  }
0xb2: {  	v22 =	vor.u32 s1, v0;
	v28 =	vshll.u32 v10, $0x4;
	v16 =	vld.idx.msk [tilespmem:v20+s24+$0x0], $0xffff;
	(erf) = vpow2.f32 v21;
	v21 =	vpop (erf)  }
.Ltmp2:
0xb3: {  	v27 =	vmul.f32 $2.000000030e-01, v23;
	v14 =	vor.u32 v2, v28;
	v18 =	vor.u32 v4, v28;
	v19 =	vld.idx.msk [tilespmem:v17+s23+$0x0], $0xffff;
	v12 =	vpop (erf);
	(pc) =	sbr.rel @p0 .LBB2_7-.Ltmp2, $4  }
0xb4: {  	v20 =	vshll.u32 v22, $0x4;
	vm0 =	vgt.f32 v25, $0.0e+00;
	v28 =	vmul.f32 $2.000000030e-01, v25;
	[tilespmem:v8+s26+$0x0] =	vst.idx.msk $0xffff, v12;
	v8 =	vmovc v24  }
0xb5: {  	vm1 =	vgt.f32 v23, $0.0e+00;
	v17 =	vor.u32 v2, v20;
	v20 =	vor.u32 v4, v20;
	[tilespmem:v11+s26+$0x0] =	vst.idx.msk $0xffff, v21  }
0xb6: {  	v12 =	vshll.u32 v22, $0x3;
	v11 =	vsel vm1, v23, v27;
	v22 =	vsel vm0, v25, v28  }
0xb7: {  	s1 =	sadd.s32 $0x4, s1;
	v21 =	vmul.f32 $1.442695020e+00, v11;
	v22 =	vmul.f32 $1.442695020e+00, v22;
	v11 =	vor.u32 v2, v5;
	v5 =	vmovc v7;
	v7 =	vmovc v26  }
0xb8: {  	_ =	sdelay $0x3  }
0xb9: {  	v18 =	vld.idx.msk [tilespmem:v18+s24+$0x0], $0xffff  }
0xba: {  	v20 =	vld.idx.msk [tilespmem:v20+s24+$0x0], $0xffff  }
0xbb: {  	v17 =	vld.idx.msk [tilespmem:v17+s23+$0x0], $0xffff  }
0xbc: {  	v14 =	vld.idx.msk [tilespmem:v14+s23+$0x0], $0xffff;
	_ =	sdelay $0x1  }
0xbd: {  	v13 =	vadd.f32 v13, v15;
	v54 =	vadd.f32 v16, v19;
	(erf) = vpow2.f32 v22  }
0xbe: {  	(erf) = vpow2.f32 v21  }
0xbf: {  	v55 =	vmul.f32 $2.000000030e-01, v13;
	v19 =	vmul.f32 $2.000000030e-01, v54;
	v17 =	vadd.f32 v20, v17  }
0xc0: {  	vm0 =	vgt.f32 v54, $0.0e+00;
	vm1 =	vgt.f32 v13, $0.0e+00;
	v14 =	vadd.f32 v18, v14  }
0xc1: {  	v13 =	vsel vm1, v13, v55;
	v15 =	vsel vm0, v54, v19;
	v56 =	vmul.f32 $2.000000030e-01, v17  }
0xc2: {  	v15 =	vmul.f32 $1.442695020e+00, v15;
	v18 =	vmul.f32 $2.000000030e-01, v14;
	vm14 =	vgt.f32 v17, $0.0e+00  }
0xc3: {  	v13 =	vmul.f32 $1.442695020e+00, v13;
	vm15 =	vgt.f32 v14, $0.0e+00;
	v16 =	vsel vm14, v17, v56  }
0xc4: {  	(erf) = vpow2.f32 v15;
	v14 =	vsel vm15, v14, v18;
	v57 =	vmul.f32 $1.442695020e+00, v16  }
0xc5: {  	(erf) = vpow2.f32 v13;
	v58 =	vmul.f32 $1.442695020e+00, v14  }
0xc6: {  	(erf) = vpow2.f32 v57  }
0xc7: {  	v5 =	vor.u32 v2, v5;
	(erf) = vpow2.f32 v58  }
0xc8: {  	v6 =	vor.u32 v2, v6  }
0xc9: {  	v7 =	vor.u32 v2, v7;
	v59 =	vpop (erf)  }
0xca: {  	v9 =	vor.u32 v2, v9;
	v60 =	vpop (erf);
	[tilespmem:v11+s26+$0x0] =	vst.idx.msk $0xffff, v59  }
0xcb: {  	v10 =	vshll.u32 v10, $0x3;
	v63 =	vor.u32 v2, v12;
	[tilespmem:v8+s26+$0x0] =	vst.idx.msk $0xffff, v60;
	v61 =	vpop (erf)  }
0xcc: {  	v10 =	vor.u32 v2, v10;
	v62 =	vpop (erf);
	[tilespmem:v5+s26+$0x0] =	vst.idx.msk $0xffff, v61  }
0xcd: {  	[tilespmem:v6+s26+$0x0] =	vst.idx.msk $0xffff, v62;
	v6 =	vpop (erf)  }
0xce: {  	v5 =	vpop (erf);
	[tilespmem:v7+s26+$0x0] =	vst.idx.msk $0xffff, v6  }
0xcf: {  	s0 =	smul.u32 $0x64, s31;
	[tilespmem:v9+s26+$0x0] =	vst.idx.msk $0xffff, v5;
	v5 =	vpop (erf)  }
0xd0: {  	v6 =	vpop (erf);
	[tilespmem:v63+s26+$0x0] =	vst.idx.msk $0xffff, v5  }
0xd1: {  	s0 =	sadd.s32 s0, s14;
	[tilespmem:v10+s26+$0x0] =	vst.idx.msk $0xffff, v6  }
0xd2: {  	[hbm4b:s0+s3] =	stream.linear.scatter [tilespmem:s26], [sflag:$0x3], $0x320, $0x38;
	[tilespmem:$0x8480] =	vst v63  }
0xd3: {  	s29 =	sadd.s32 $0x1, s29;
	_ =	swait.ge [sflag:s18], $0x320  }
0xd4: {  	p0 =	sne.s32 s29, $0x32;
	[sflag:s18] =	ssyncset.done $0x0  }
.Ltmp3:
0xd5: {  	[sflag:s18] =	ssyncadd.s32 $0xFFFFFCE0;
	(pc) =	sbr.rel @p0 .LBB2_4-.Ltmp3, $4  }
0xd6: {  	[spmem:s2] =	stream.indirect.scatter.add.f32 [tilespmem:s26], [sflag:$0x3], $0x8, s30, s20, $0xb8;
	[tilespmem:$0x8480] =	vst v63  }
0xd7: {  	_ =	swait.ge [sflag:s18], $0x320  }
0xd8: {  	[sflag:s18] =	ssyncset.done $0x0  }
0xd9: {  	[sflag:s18] =	ssyncadd.s32 $0xFFFFFCE0  }
0xda: {  	s0 =	stileid.u32;
	s28 =	sadd.s32 $0x1, s28  }
0xdb: {  	[bflag:$0x0] =	sbarrier.arrive $0xFFFF;
	s0 =	sshll.u32 s0, $0x6;
	p0 =	sne.s32 s28, s16  }
.Ltmp4:
0xdc: {  	s1 =	sshrl.u32 s5, $0x3;
	s0 =	sor.u32 $0x1C03, s0;
	(pc) =	sbr.rel @p0 .LBB2_1-.Ltmp4, $4  }
0xdd: {  	[hbm:s15], [sflag:s0] =	dma.local [spmem:s1], $0x280  }
0xde: {  	_ =	swait.ge [sflag:s18], $0x280  }
0xdf: {  	[sflag:s18] =	ssyncset.done $0x0  }
0xe0: {  	[sflag:s18] =	ssyncadd.s32 $0xFFFFFD80  }
0xe1: {  	_ =	sfence.sel $0x180000  }
0xe2: {  	[bflag:$0x0] =	sbarrier.arrive $0xFFFF  }
0xe3: {  	_ =	strace $0x90000047  }
0xe4: {  	s0 =	stileid.u32;
	[bflag:$0x2] =	sbarrier.arrive $0xFFFF  }
0xe5: {  	p0 =	sne.s32 s0, $0x0;
	s0 =	rddreg [dreg:$0x3]  }
0xe6: {  	s0 =	sadd.s32 @!p0 $0x100000, s0  }
0xe7: {  	[sflag:s0] =	ssyncadd.tile.s32 @!p0 $0x1;
	_ =	shalt  }
.Lfunc_end2:
_tile_overlayer_lowered:
.L_overlay_start_2:
0xe8: {  	(tag) =	ssettag $0x2  }
0xe9: {  	s0 =	rddreg [dreg:$0x0];
	s2 =	stileid.u32  }
0xea: {  	s1 =	rddreg [dreg:$0x1];
	p0 =	sne.s32 s2, $0x0  }
0xeb: {  	s3 =	rddreg [dreg:$0x2];
	[bflag:$0x3] =	sbarrier.arrive $0xFFFF;
	s2 =	simm.s32 @!p0 $0x1C03  }
0xec: {  	[timem:s3], [sflag:s2] =	dma.local @!p0 [hbm:s0], s1  }
0xed: {  	s0 =	simm.s32 @!p0 $0x3  }
0xee: {  	_ =	swait.ge @!p0 [sflag:s0], s1  }
0xef: {  	s1 =	ssub.s32 @!p0 $0x0, s1;
	[sflag:s0] =	ssyncset.done @!p0 $0x0  }
0xf0: {  	[sflag:s0] =	ssyncadd.s32 @!p0 s1  }
0xf1: {  	[bflag:$0x3] =	sbarrier.arrive $0xFFFF  }
0xf2: {  	_ =	shalt  }

</sc_bundles>
